<compile_context>
chip_gen: v7x
topology: tpu7x:2x2x1
jax: 0.10.2.dev20260603
libtpu: 0.0.44.dev20260713+nightly
codegen_flags: <defaults>
</compile_context>

<pallas_src>
import functools

import jax
import jax.numpy as jnp
from jax import lax
from jax.experimental import pallas as pl
from jax.experimental.pallas import tpu as pltpu
from jax.experimental.pallas import tpu_sc as plsc

N = 2_000_000
D = 5
P = 5120
HP = P // 2
NW = 32
CH = 1600
GROUPS = CH // 16
NSLICE = 2
NS = N // NSLICE


def _make_sc_body(nch):
    def _sc_body(mse_hbm, pid_hbm, mse_out, cnt_out,
                 acc, cnt, m0, m1, p0, p1, sem):
        wid = lax.axis_index("s") * 2 + lax.axis_index("c")

        iota = lax.iota(jnp.int32, 16)
        iota16 = iota * 16
        zero_v = jnp.zeros((16,), jnp.float32)
        zero_i = jnp.zeros((16,), jnp.int32)

        def zb_acc(s, carry):
            for u in range(8):
                acc[pl.ds((s * 8 + u) * 16, 16)] = zero_v
            return carry

        def zb_cnt(s, carry):
            for u in range(8):
                cnt[pl.ds((s * 8 + u) * 16, 16)] = zero_i
            return carry

        lax.fori_loop(0, (16 * P) // 128, zb_acc, 0)
        lax.fori_loop(0, (16 * HP) // 128, zb_cnt, 0)

        def issue(c, mb, pb):
            pltpu.async_copy(mse_hbm.at[pl.ds(c * CH, CH)], mb, sem)
            pltpu.async_copy(pid_hbm.at[pl.ds(c * CH, CH)], pb, sem)

        def drain(c, mb, pb):
            pltpu.make_async_copy(
                mse_hbm.at[pl.ds(c * CH, CH)], mb, sem).wait()
            pltpu.make_async_copy(
                pid_hbm.at[pl.ds(c * CH, CH)], pb, sem).wait()

        def process(mb, pb):
            def gb(g, carry):
                for u in range(10):
                    b16 = (g * 10 + u) * 16
                    mse_v = mb[pl.ds(b16, 16)]
                    pid_v = pb[pl.ds(b16, 16)]
                    plsc.addupdate_scatter(acc, [pid_v * 16 + iota], mse_v)
                    hi = pid_v >= HP
                    col = pid_v - jnp.where(hi, HP, 0)
                    val = jnp.where(hi, 65536, 1)
                    plsc.addupdate_scatter(cnt, [col * 16 + iota], val)
                return carry
            lax.fori_loop(0, GROUPS // 10, gb, 0)

        issue(wid, m0, p0)

        def pair(j, carry):
            c0 = wid + (2 * j) * NW
            c1 = c0 + NW
            c2 = c1 + NW
            @pl.when(c0 < nch)
            def _():
                drain(c0, m0, p0)
                @pl.when(c1 < nch)
                def _():
                    issue(c1, m1, p1)
                process(m0, p0)
                @pl.when(c1 < nch)
                def _():
                    drain(c1, m1, p1)
                    @pl.when(c2 < nch)
                    def _():
                        issue(c2, m0, p0)
                    process(m1, p1)
            return carry

        lax.fori_loop(0, (nch + 2 * NW - 1) // (2 * NW), pair, 0)

        def red_acc(b, carry):
            base = b * 256
            v = plsc.load_gather(acc, [iota16 + base])
            for r in range(1, 16):
                v = v + plsc.load_gather(acc, [iota16 + (base + r)])
            acc[pl.ds(b * 16, 16)] = v
            return carry

        def red_cnt(b, carry):
            base = b * 256
            v = plsc.load_gather(cnt, [iota16 + base])
            for r in range(1, 16):
                v = v + plsc.load_gather(cnt, [iota16 + (base + r)])
            cnt[pl.ds(b * 16, 16)] = v
            return carry

        lax.fori_loop(0, P // 16, red_acc, 0)
        lax.fori_loop(0, HP // 16, red_cnt, 0)
        pltpu.sync_copy(acc.at[pl.ds(0, P)], mse_out.at[wid])
        pltpu.sync_copy(cnt.at[pl.ds(0, HP)], cnt_out.at[wid])

    return _sc_body


_sc_segment = functools.partial(
    pl.kernel,
    out_type=(jax.ShapeDtypeStruct((NW, P), jnp.float32),
              jax.ShapeDtypeStruct((NW, HP), jnp.int32)),
    mesh=plsc.VectorSubcoreMesh(core_axis_name="c", subcore_axis_name="s"),
    scratch_types=[
        pltpu.VMEM((16 * P,), jnp.float32),
        pltpu.VMEM((16 * HP,), jnp.int32),
        pltpu.VMEM((CH,), jnp.float32),
        pltpu.VMEM((CH,), jnp.float32),
        pltpu.VMEM((CH,), jnp.int32),
        pltpu.VMEM((CH,), jnp.int32),
        pltpu.SemaphoreType.DMA,
    ],
    compiler_params=pltpu.CompilerParams(needs_layout_passes=False,
                                         use_tc_tiling_on_sc=False),
)(_make_sc_body(NS // CH))


def _final_body(mse_a, mse_b, cnt_a, cnt_b, out_ref):
    sum_mse = (jnp.sum(mse_a[...], axis=0, keepdims=True)
               + jnp.sum(mse_b[...], axis=0, keepdims=True))
    low = jnp.zeros((1, HP), jnp.float32)
    high = jnp.zeros((1, HP), jnp.float32)
    for ref in (cnt_a, cnt_b):
        packed = ref[...]
        low = low + jnp.sum((packed & 0xFFFF).astype(jnp.float32),
                            axis=0, keepdims=True)
        high = high + jnp.sum(
            (lax.shift_right_logical(packed, 16) & 0xFFFF)
            .astype(jnp.float32), axis=0, keepdims=True)
    counts = jnp.concatenate([low, high], axis=1)
    pids = lax.broadcasted_iota(jnp.int32, (1, P), 1).astype(jnp.float32)
    present = (counts > 0.0) & (pids != 0.0)
    xi_sum = pids * counts
    weighted = pids * sum_mse
    terms = jnp.where(present,
                      weighted / jnp.where(xi_sum > 0.0, xi_sum, 1.0),
                      0.0)
    k_cnt = jnp.sum(present.astype(jnp.float32))
    out_ref[0, 0] = 100.0 * jnp.sum(terms) / k_cnt


def kernel(W, beta, H, pred, Y, particle_id, track_params, reconstructable):
    parts = []
    eps = jnp.float32(0.0)
    zero_i = jnp.int32(0)
    for s in range(NSLICE):
        lo, hi = s * NS, (s + 1) * NS
        mse = jnp.sum((pred[lo:hi] - track_params[lo:hi] + eps) ** 2, axis=1)
        pid_eff = jnp.where(reconstructable[lo:hi] > zero_i,
                            particle_id[lo:hi], 0)
        eps = lax.optimization_barrier(jnp.minimum(jnp.min(mse), 0.0))
        zero_i = lax.optimization_barrier(jnp.minimum(jnp.min(pid_eff), 0))
        parts.append(_sc_segment(mse, pid_eff))
    (mse_a, cnt_a), (mse_b, cnt_b) = parts
    out = pl.pallas_call(
        _final_body,
        out_shape=jax.ShapeDtypeStruct((1, 1), jnp.float32),
        out_specs=pl.BlockSpec(memory_space=pltpu.SMEM),
    )(mse_a, mse_b, cnt_a, cnt_b)
    return out[0, 0]

# --- scband reference (transcript-rebuilt; emitter-appended) ---
"""Pipeline reference for scband-object-loss-82386062672211 (READ-ONLY COPY).

The authoritative reference and input builder live on the scoring server;
editing this copy changes nothing except your own understanding.
"""

import jax, jax.numpy as jnp
import numpy as np

N = 2000000
D = 5
NUM_PIDS = 5000


def setup_inputs(seed: int = 0) -> dict:
    key = jax.random.key(seed)
    ks = jax.random.split(key, 8)
    W = jax.random.normal(ks[0], (N,), dtype=jnp.float32)
    beta = jax.random.uniform(ks[1], (N,), dtype=jnp.float32, minval=0.0, maxval=1.0)
    H = jax.random.normal(ks[2], (N, 8), dtype=jnp.float32)
    pred = jax.random.normal(ks[3], (N, D), dtype=jnp.float32)
    Y = jax.random.normal(ks[4], (N,), dtype=jnp.float32)
    particle_id = jax.random.randint(ks[5], (N,), 0, NUM_PIDS, dtype=jnp.int32)
    track_params = jax.random.normal(ks[6], (N, D), dtype=jnp.float32)
    reconstructable = jax.random.randint(ks[7], (N,), 0, 2, dtype=jnp.int32)
    return {"W": W, "beta": beta, "H": H, "pred": pred, "Y": Y,
            "particle_id": particle_id, "track_params": track_params,
            "reconstructable": reconstructable}


def reference(W, beta, H, pred, Y, particle_id, track_params, reconstructable):
    # mask = reconstructable > 0  (fixed-shape masked equivalent of gather)
    mask = reconstructable > 0
    pid_m = jnp.where(mask, particle_id, 0)
    beta_m = jnp.where(mask, beta, 0.0)

    # object_loss (mode='efficiency')
    n = (pid_m == 0).astype(jnp.int32)
    xi = (1 - n).astype(jnp.float32) * jnp.arctanh(beta_m) ** 2  # computed, unused in efficiency mode
    mse = jnp.sum((pred - track_params) ** 2, axis=1)  # MSE reduction='none' summed over dim 1

    # torch loop over unique non-zero pids, vectorized with segment reductions:
    #   M = (pid == p); xi_p = M * p; weight = 1/sum(xi_p); loss += weight * sum(mse * xi_p)
    counts = jnp.bincount(pid_m, length=NUM_PIDS)
    sum_mse = jax.ops.segment_sum(mse, pid_m, num_segments=NUM_PIDS)
    pids = jnp.arange(NUM_PIDS)
    xi_sum = (pids * counts).astype(jnp.float32)          # sum(xi_p) = p * count_p
    weighted = pids.astype(jnp.float32) * sum_mse         # sum(mse * xi_p) = p * sum_mse_p
    present = (counts > 0) & (pids != 0)
    terms = jnp.where(present, weighted / jnp.where(xi_sum > 0.0, xi_sum, 1.0), 0.0)
    K = jnp.sum(present).astype(jnp.float32)
    loss = jnp.sum(terms)
    return 100.0 * loss / K

if __name__ == "__main__":
    import jax
    _d = setup_inputs()
    print(jax.jit(kernel)(*tuple(_d.values())))

</pallas_src>

<mosaic_0001>
#map = affine_map<(d0, d1) -> (0)>
#map1 = affine_map<(d0, d1) -> (0, 0)>
module attributes {stable_mosaic.version = 14 : i64} {
  func.func @_sc_body(%arg0: i32, %arg1: i32, %arg2: memref<1000000xf32, #tpu.memory_space<hbm>>, %arg3: memref<1000000xi32, #tpu.memory_space<hbm>>, %arg4: memref<32x5120xf32, #tpu.memory_space<hbm>>, %arg5: memref<32x2560xi32, #tpu.memory_space<hbm>>, %arg6: memref<81920xf32, #tpu.memory_space<vmem>>, %arg7: memref<40960xi32, #tpu.memory_space<vmem>>, %arg8: memref<1600xf32, #tpu.memory_space<vmem>>, %arg9: memref<1600xf32, #tpu.memory_space<vmem>>, %arg10: memref<1600xi32, #tpu.memory_space<vmem>>, %arg11: memref<1600xi32, #tpu.memory_space<vmem>>, %arg12: memref<!tpu.dma_semaphore, #tpu.memory_space<semaphore_mem>>) attributes {dimension_semantics = [#tpu.dimension_semantics<core_parallel>, #tpu.dimension_semantics<subcore_parallel>], iteration_bounds = array<i64: 2, 16>, scalar_prefetch = 0 : i64, scratch_operands = 7 : i64, tpu.core_type = #tpu.core_type<sc_vector_subcore>, window_params = [{transform_indices = #map}, {transform_indices = #map}, {transform_indices = #map1}, {transform_indices = #map1}]} {
    %mul3A = arith.constant 2 : i32
    %mul3A_0 = arith.muli %arg1, %mul3A : i32
    %add3A = arith.addi %mul3A_0, %arg0 : i32
    %iota3A = tpu.iota {dimensions = array<i32: 0>} : vector<16xi32>
    %mul3A_1 = arith.constant 16 : i32
    %mul3A_2 = vector.broadcast %mul3A_1 : i32 to vector<16xi32>
    %mul3A_3 = arith.muli %iota3A, %mul3A_2 : vector<16xi32>
    %broadcast_in_dim3A = arith.constant 0.000000e+00 : f32
    %broadcast_in_dim3A_4 = vector.broadcast %broadcast_in_dim3A : f32 to vector<16xf32>
    %broadcast_in_dim3A_5 = arith.constant 0 : i32
    %broadcast_in_dim3A_6 = vector.broadcast %broadcast_in_dim3A_5 : i32 to vector<16xi32>
    %scan3A = arith.constant 0 : i32
    %scan3A_7 = arith.constant 0 : i32
    %scan3A_8 = arith.constant 640 : i32
    %scan3A_9 = arith.addi %scan3A_7, %scan3A_8 : i32
    %scan3A_10 = arith.constant 1 : i32
    scf.for %scan3A_43 = %scan3A_7 to %scan3A_9 step %scan3A_10  : i32 {
      %mul3A_44 = arith.constant 8 : i32
      %mul3A_45 = arith.muli %scan3A_43, %mul3A_44 : i32
      %add3A_46 = arith.constant 0 : i32
      %add3A_47 = arith.addi %mul3A_45, %add3A_46 : i32
      %mul3A_48 = arith.constant 16 : i32
      %mul3A_49 = arith.muli %add3A_47, %mul3A_48 : i32
      %swap3A = arith.index_cast %mul3A_49 : i32 to index
      %swap3A_50 = tpu.vector_load %arg6[%swap3A] {strides = array<i32>} : memref<81920xf32, #tpu.memory_space<vmem>>, vector<16xf32>,
      tpu.vector_store %arg6[%swap3A], %broadcast_in_dim3A_4 {strides = array<i32>} : memref<81920xf32, #tpu.memory_space<vmem>>, vector<16xf32>,
      %mul3A_51 = arith.constant 8 : i32
      %mul3A_52 = arith.muli %scan3A_43, %mul3A_51 : i32
      %add3A_53 = arith.constant 1 : i32
      %add3A_54 = arith.addi %mul3A_52, %add3A_53 : i32
      %mul3A_55 = arith.constant 16 : i32
      %mul3A_56 = arith.muli %add3A_54, %mul3A_55 : i32
      %swap3A_57 = arith.index_cast %mul3A_56 : i32 to index
      %swap3A_58 = tpu.vector_load %arg6[%swap3A_57] {strides = array<i32>} : memref<81920xf32, #tpu.memory_space<vmem>>, vector<16xf32>,
      tpu.vector_store %arg6[%swap3A_57], %broadcast_in_dim3A_4 {strides = array<i32>} : memref<81920xf32, #tpu.memory_space<vmem>>, vector<16xf32>,
      %mul3A_59 = arith.constant 8 : i32
      %mul3A_60 = arith.muli %scan3A_43, %mul3A_59 : i32
      %add3A_61 = arith.constant 2 : i32
      %add3A_62 = arith.addi %mul3A_60, %add3A_61 : i32
      %mul3A_63 = arith.constant 16 : i32
      %mul3A_64 = arith.muli %add3A_62, %mul3A_63 : i32
      %swap3A_65 = arith.index_cast %mul3A_64 : i32 to index
      %swap3A_66 = tpu.vector_load %arg6[%swap3A_65] {strides = array<i32>} : memref<81920xf32, #tpu.memory_space<vmem>>, vector<16xf32>,
      tpu.vector_store %arg6[%swap3A_65], %broadcast_in_dim3A_4 {strides = array<i32>} : memref<81920xf32, #tpu.memory_space<vmem>>, vector<16xf32>,
      %mul3A_67 = arith.constant 8 : i32
      %mul3A_68 = arith.muli %scan3A_43, %mul3A_67 : i32
      %add3A_69 = arith.constant 3 : i32
      %add3A_70 = arith.addi %mul3A_68, %add3A_69 : i32
      %mul3A_71 = arith.constant 16 : i32
      %mul3A_72 = arith.muli %add3A_70, %mul3A_71 : i32
      %swap3A_73 = arith.index_cast %mul3A_72 : i32 to index
      %swap3A_74 = tpu.vector_load %arg6[%swap3A_73] {strides = array<i32>} : memref<81920xf32, #tpu.memory_space<vmem>>, vector<16xf32>,
      tpu.vector_store %arg6[%swap3A_73], %broadcast_in_dim3A_4 {strides = array<i32>} : memref<81920xf32, #tpu.memory_space<vmem>>, vector<16xf32>,
      %mul3A_75 = arith.constant 8 : i32
      %mul3A_76 = arith.muli %scan3A_43, %mul3A_75 : i32
      %add3A_77 = arith.constant 4 : i32
      %add3A_78 = arith.addi %mul3A_76, %add3A_77 : i32
      %mul3A_79 = arith.constant 16 : i32
      %mul3A_80 = arith.muli %add3A_78, %mul3A_79 : i32
      %swap3A_81 = arith.index_cast %mul3A_80 : i32 to index
      %swap3A_82 = tpu.vector_load %arg6[%swap3A_81] {strides = array<i32>} : memref<81920xf32, #tpu.memory_space<vmem>>, vector<16xf32>,
      tpu.vector_store %arg6[%swap3A_81], %broadcast_in_dim3A_4 {strides = array<i32>} : memref<81920xf32, #tpu.memory_space<vmem>>, vector<16xf32>,
      %mul3A_83 = arith.constant 8 : i32
      %mul3A_84 = arith.muli %scan3A_43, %mul3A_83 : i32
      %add3A_85 = arith.constant 5 : i32
      %add3A_86 = arith.addi %mul3A_84, %add3A_85 : i32
      %mul3A_87 = arith.constant 16 : i32
      %mul3A_88 = arith.muli %add3A_86, %mul3A_87 : i32
      %swap3A_89 = arith.index_cast %mul3A_88 : i32 to index
      %swap3A_90 = tpu.vector_load %arg6[%swap3A_89] {strides = array<i32>} : memref<81920xf32, #tpu.memory_space<vmem>>, vector<16xf32>,
      tpu.vector_store %arg6[%swap3A_89], %broadcast_in_dim3A_4 {strides = array<i32>} : memref<81920xf32, #tpu.memory_space<vmem>>, vector<16xf32>,
      %mul3A_91 = arith.constant 8 : i32
      %mul3A_92 = arith.muli %scan3A_43, %mul3A_91 : i32
      %add3A_93 = arith.constant 6 : i32
      %add3A_94 = arith.addi %mul3A_92, %add3A_93 : i32
      %mul3A_95 = arith.constant 16 : i32
      %mul3A_96 = arith.muli %add3A_94, %mul3A_95 : i32
      %swap3A_97 = arith.index_cast %mul3A_96 : i32 to index
      %swap3A_98 = tpu.vector_load %arg6[%swap3A_97] {strides = array<i32>} : memref<81920xf32, #tpu.memory_space<vmem>>, vector<16xf32>,
      tpu.vector_store %arg6[%swap3A_97], %broadcast_in_dim3A_4 {strides = array<i32>} : memref<81920xf32, #tpu.memory_space<vmem>>, vector<16xf32>,
      %mul3A_99 = arith.constant 8 : i32
      %mul3A_100 = arith.muli %scan3A_43, %mul3A_99 : i32
      %add3A_101 = arith.constant 7 : i32
      %add3A_102 = arith.addi %mul3A_100, %add3A_101 : i32
      %mul3A_103 = arith.constant 16 : i32
      %mul3A_104 = arith.muli %add3A_102, %mul3A_103 : i32
      %swap3A_105 = arith.index_cast %mul3A_104 : i32 to index
      %swap3A_106 = tpu.vector_load %arg6[%swap3A_105] {strides = array<i32>} : memref<81920xf32, #tpu.memory_space<vmem>>, vector<16xf32>,
      tpu.vector_store %arg6[%swap3A_105], %broadcast_in_dim3A_4 {strides = array<i32>} : memref<81920xf32, #tpu.memory_space<vmem>>, vector<16xf32>,
    }
    %scan3A_11 = arith.constant 640 : i32
    %scan3A_12 = arith.constant 0 : i32
    %scan3A_13 = arith.constant 0 : i32
    %scan3A_14 = arith.constant 320 : i32
    %scan3A_15 = arith.addi %scan3A_13, %scan3A_14 : i32
    %scan3A_16 = arith.constant 1 : i32
    scf.for %scan3A_43 = %scan3A_13 to %scan3A_15 step %scan3A_16  : i32 {
      %mul3A_44 = arith.constant 8 : i32
      %mul3A_45 = arith.muli %scan3A_43, %mul3A_44 : i32
      %add3A_46 = arith.constant 0 : i32
      %add3A_47 = arith.addi %mul3A_45, %add3A_46 : i32
      %mul3A_48 = arith.constant 16 : i32
      %mul3A_49 = arith.muli %add3A_47, %mul3A_48 : i32
      %swap3A = arith.index_cast %mul3A_49 : i32 to index
      %swap3A_50 = tpu.vector_load %arg7[%swap3A] {strides = array<i32>} : memref<40960xi32, #tpu.memory_space<vmem>>, vector<16xi32>,
      tpu.vector_store %arg7[%swap3A], %broadcast_in_dim3A_6 {strides = array<i32>} : memref<40960xi32, #tpu.memory_space<vmem>>, vector<16xi32>,
      %mul3A_51 = arith.constant 8 : i32
      %mul3A_52 = arith.muli %scan3A_43, %mul3A_51 : i32
      %add3A_53 = arith.constant 1 : i32
      %add3A_54 = arith.addi %mul3A_52, %add3A_53 : i32
      %mul3A_55 = arith.constant 16 : i32
      %mul3A_56 = arith.muli %add3A_54, %mul3A_55 : i32
      %swap3A_57 = arith.index_cast %mul3A_56 : i32 to index
      %swap3A_58 = tpu.vector_load %arg7[%swap3A_57] {strides = array<i32>} : memref<40960xi32, #tpu.memory_space<vmem>>, vector<16xi32>,
      tpu.vector_store %arg7[%swap3A_57], %broadcast_in_dim3A_6 {strides = array<i32>} : memref<40960xi32, #tpu.memory_space<vmem>>, vector<16xi32>,
      %mul3A_59 = arith.constant 8 : i32
      %mul3A_60 = arith.muli %scan3A_43, %mul3A_59 : i32
      %add3A_61 = arith.constant 2 : i32
      %add3A_62 = arith.addi %mul3A_60, %add3A_61 : i32
      %mul3A_63 = arith.constant 16 : i32
      %mul3A_64 = arith.muli %add3A_62, %mul3A_63 : i32
      %swap3A_65 = arith.index_cast %mul3A_64 : i32 to index
      %swap3A_66 = tpu.vector_load %arg7[%swap3A_65] {strides = array<i32>} : memref<40960xi32, #tpu.memory_space<vmem>>, vector<16xi32>,
      tpu.vector_store %arg7[%swap3A_65], %broadcast_in_dim3A_6 {strides = array<i32>} : memref<40960xi32, #tpu.memory_space<vmem>>, vector<16xi32>,
      %mul3A_67 = arith.constant 8 : i32
      %mul3A_68 = arith.muli %scan3A_43, %mul3A_67 : i32
      %add3A_69 = arith.constant 3 : i32
      %add3A_70 = arith.addi %mul3A_68, %add3A_69 : i32
      %mul3A_71 = arith.constant 16 : i32
      %mul3A_72 = arith.muli %add3A_70, %mul3A_71 : i32
      %swap3A_73 = arith.index_cast %mul3A_72 : i32 to index
      %swap3A_74 = tpu.vector_load %arg7[%swap3A_73] {strides = array<i32>} : memref<40960xi32, #tpu.memory_space<vmem>>, vector<16xi32>,
      tpu.vector_store %arg7[%swap3A_73], %broadcast_in_dim3A_6 {strides = array<i32>} : memref<40960xi32, #tpu.memory_space<vmem>>, vector<16xi32>,
      %mul3A_75 = arith.constant 8 : i32
      %mul3A_76 = arith.muli %scan3A_43, %mul3A_75 : i32
      %add3A_77 = arith.constant 4 : i32
      %add3A_78 = arith.addi %mul3A_76, %add3A_77 : i32
      %mul3A_79 = arith.constant 16 : i32
      %mul3A_80 = arith.muli %add3A_78, %mul3A_79 : i32
      %swap3A_81 = arith.index_cast %mul3A_80 : i32 to index
      %swap3A_82 = tpu.vector_load %arg7[%swap3A_81] {strides = array<i32>} : memref<40960xi32, #tpu.memory_space<vmem>>, vector<16xi32>,
      tpu.vector_store %arg7[%swap3A_81], %broadcast_in_dim3A_6 {strides = array<i32>} : memref<40960xi32, #tpu.memory_space<vmem>>, vector<16xi32>,
      %mul3A_83 = arith.constant 8 : i32
      %mul3A_84 = arith.muli %scan3A_43, %mul3A_83 : i32
      %add3A_85 = arith.constant 5 : i32
      %add3A_86 = arith.addi %mul3A_84, %add3A_85 : i32
      %mul3A_87 = arith.constant 16 : i32
      %mul3A_88 = arith.muli %add3A_86, %mul3A_87 : i32
      %swap3A_89 = arith.index_cast %mul3A_88 : i32 to index
      %swap3A_90 = tpu.vector_load %arg7[%swap3A_89] {strides = array<i32>} : memref<40960xi32, #tpu.memory_space<vmem>>, vector<16xi32>,
      tpu.vector_store %arg7[%swap3A_89], %broadcast_in_dim3A_6 {strides = array<i32>} : memref<40960xi32, #tpu.memory_space<vmem>>, vector<16xi32>,
      %mul3A_91 = arith.constant 8 : i32
      %mul3A_92 = arith.muli %scan3A_43, %mul3A_91 : i32
      %add3A_93 = arith.constant 6 : i32
      %add3A_94 = arith.addi %mul3A_92, %add3A_93 : i32
      %mul3A_95 = arith.constant 16 : i32
      %mul3A_96 = arith.muli %add3A_94, %mul3A_95 : i32
      %swap3A_97 = arith.index_cast %mul3A_96 : i32 to index
      %swap3A_98 = tpu.vector_load %arg7[%swap3A_97] {strides = array<i32>} : memref<40960xi32, #tpu.memory_space<vmem>>, vector<16xi32>,
      tpu.vector_store %arg7[%swap3A_97], %broadcast_in_dim3A_6 {strides = array<i32>} : memref<40960xi32, #tpu.memory_space<vmem>>, vector<16xi32>,
      %mul3A_99 = arith.constant 8 : i32
      %mul3A_100 = arith.muli %scan3A_43, %mul3A_99 : i32
      %add3A_101 = arith.constant 7 : i32
      %add3A_102 = arith.addi %mul3A_100, %add3A_101 : i32
      %mul3A_103 = arith.constant 16 : i32
      %mul3A_104 = arith.muli %add3A_102, %mul3A_103 : i32
      %swap3A_105 = arith.index_cast %mul3A_104 : i32 to index
      %swap3A_106 = tpu.vector_load %arg7[%swap3A_105] {strides = array<i32>} : memref<40960xi32, #tpu.memory_space<vmem>>, vector<16xi32>,
      tpu.vector_store %arg7[%swap3A_105], %broadcast_in_dim3A_6 {strides = array<i32>} : memref<40960xi32, #tpu.memory_space<vmem>>, vector<16xi32>,
    }
    %scan3A_17 = arith.constant 320 : i32
    %mul3A_18 = arith.constant 1600 : i32
    %mul3A_19 = arith.muli %add3A, %mul3A_18 : i32
    %dma_start3A = tpu.memref_slice %arg2[%mul3A_19] : memref<1000000xf32, #tpu.memory_space<hbm>> -> memref<1600xf32, #tpu.memory_space<hbm>>
    %dma_start3A_20 = tpu.memref_slice %arg2[%mul3A_19] : memref<1000000xf32, #tpu.memory_space<hbm>> -> memref<1600xf32, #tpu.memory_space<hbm>>
    tpu.enqueue_dma source(%dma_start3A_20 : memref<1600xf32, #tpu.memory_space<hbm>>) target(%arg8 : memref<1600xf32, #tpu.memory_space<vmem>>) target_semaphore(%arg12 : memref<!tpu.dma_semaphore, #tpu.memory_space<semaphore_mem>>)
    %mul3A_21 = arith.constant 1600 : i32
    %mul3A_22 = arith.muli %add3A, %mul3A_21 : i32
    %dma_start3A_23 = tpu.memref_slice %arg3[%mul3A_22] : memref<1000000xi32, #tpu.memory_space<hbm>> -> memref<1600xi32, #tpu.memory_space<hbm>>
    %dma_start3A_24 = tpu.memref_slice %arg3[%mul3A_22] : memref<1000000xi32, #tpu.memory_space<hbm>> -> memref<1600xi32, #tpu.memory_space<hbm>>
    tpu.enqueue_dma source(%dma_start3A_24 : memref<1600xi32, #tpu.memory_space<hbm>>) target(%arg10 : memref<1600xi32, #tpu.memory_space<vmem>>) target_semaphore(%arg12 : memref<!tpu.dma_semaphore, #tpu.memory_space<semaphore_mem>>)
    %scan3A_25 = arith.constant 0 : i32
    %scan3A_26 = arith.constant 0 : i32
    %scan3A_27 = arith.constant 10 : i32
    %scan3A_28 = arith.addi %scan3A_26, %scan3A_27 : i32
    %scan3A_29 = arith.constant 1 : i32
    scf.for %scan3A_43 = %scan3A_26 to %scan3A_28 step %scan3A_29  : i32 {
      %mul3A_44 = arith.constant 2 : i32
      %mul3A_45 = arith.muli %mul3A_44, %scan3A_43 : i32
      %mul3A_46 = arith.constant 32 : i32
      %mul3A_47 = arith.muli %mul3A_45, %mul3A_46 : i32
      %add3A_48 = arith.addi %add3A, %mul3A_47 : i32
      %add3A_49 = arith.constant 32 : i32
      %add3A_50 = arith.addi %add3A_48, %add3A_49 : i32
      %add3A_51 = arith.constant 32 : i32
      %add3A_52 = arith.addi %add3A_50, %add3A_51 : i32
      %lt3A = arith.constant 625 : i32
      %lt3A_53 = arith.cmpi slt, %add3A_48, %lt3A : i32
      %convert_element_type3A = arith.extui %lt3A_53 : i1 to i32
      %cond3A = arith.constant 0 : i32
      %cond3A_54 = arith.cmpi ne, %convert_element_type3A, %cond3A : i32
      scf.if %cond3A_54 {
        %mul3A_55 = arith.constant 1600 : i32
        %mul3A_56 = arith.muli %add3A_48, %mul3A_55 : i32
        %dma_wait3A = tpu.memref_slice %arg2[%mul3A_56] : memref<1000000xf32, #tpu.memory_space<hbm>> -> memref<1600xf32, #tpu.memory_space<hbm>>
        %dma_wait3A_57 = tpu.memref_slice %arg2[%mul3A_56] : memref<1000000xf32, #tpu.memory_space<hbm>> -> memref<1600xf32, #tpu.memory_space<hbm>>
        tpu.wait_dma2 semaphore(%arg12 : memref<!tpu.dma_semaphore, #tpu.memory_space<semaphore_mem>>) src(%dma_wait3A_57 : memref<1600xf32, #tpu.memory_space<hbm>>) dst(%arg8 : memref<1600xf32, #tpu.memory_space<vmem>>)
        %mul3A_58 = arith.constant 1600 : i32
        %mul3A_59 = arith.muli %add3A_48, %mul3A_58 : i32
        %dma_wait3A_60 = tpu.memref_slice %arg3[%mul3A_59] : memref<1000000xi32, #tpu.memory_space<hbm>> -> memref<1600xi32, #tpu.memory_space<hbm>>
        %dma_wait3A_61 = tpu.memref_slice %arg3[%mul3A_59] : memref<1000000xi32, #tpu.memory_space<hbm>> -> memref<1600xi32, #tpu.memory_space<hbm>>
        tpu.wait_dma2 semaphore(%arg12 : memref<!tpu.dma_semaphore, #tpu.memory_space<semaphore_mem>>) src(%dma_wait3A_61 : memref<1600xi32, #tpu.memory_space<hbm>>) dst(%arg10 : memref<1600xi32, #tpu.memory_space<vmem>>)
        %lt3A_62 = arith.constant 625 : i32
        %lt3A_63 = arith.cmpi slt, %add3A_50, %lt3A_62 : i32
        %convert_element_type3A_64 = arith.extui %lt3A_63 : i1 to i32
        %cond3A_65 = arith.constant 0 : i32
        %cond3A_66 = arith.cmpi ne, %convert_element_type3A_64, %cond3A_65 : i32
        scf.if %cond3A_66 {
          %mul3A_78 = arith.constant 1600 : i32
          %mul3A_79 = arith.muli %add3A_50, %mul3A_78 : i32
          %dma_start3A_80 = tpu.memref_slice %arg2[%mul3A_79] : memref<1000000xf32, #tpu.memory_space<hbm>> -> memref<1600xf32, #tpu.memory_space<hbm>>
          %dma_start3A_81 = tpu.memref_slice %arg2[%mul3A_79] : memref<1000000xf32, #tpu.memory_space<hbm>> -> memref<1600xf32, #tpu.memory_space<hbm>>
          tpu.enqueue_dma source(%dma_start3A_81 : memref<1600xf32, #tpu.memory_space<hbm>>) target(%arg9 : memref<1600xf32, #tpu.memory_space<vmem>>) target_semaphore(%arg12 : memref<!tpu.dma_semaphore, #tpu.memory_space<semaphore_mem>>)
          %mul3A_82 = arith.constant 1600 : i32
          %mul3A_83 = arith.muli %add3A_50, %mul3A_82 : i32
          %dma_start3A_84 = tpu.memref_slice %arg3[%mul3A_83] : memref<1000000xi32, #tpu.memory_space<hbm>> -> memref<1600xi32, #tpu.memory_space<hbm>>
          %dma_start3A_85 = tpu.memref_slice %arg3[%mul3A_83] : memref<1000000xi32, #tpu.memory_space<hbm>> -> memref<1600xi32, #tpu.memory_space<hbm>>
          tpu.enqueue_dma source(%dma_start3A_85 : memref<1600xi32, #tpu.memory_space<hbm>>) target(%arg11 : memref<1600xi32, #tpu.memory_space<vmem>>) target_semaphore(%arg12 : memref<!tpu.dma_semaphore, #tpu.memory_space<semaphore_mem>>)
        } else {
        }
        %scan3A_67 = arith.constant 0 : i32
        %scan3A_68 = arith.constant 0 : i32
        %scan3A_69 = arith.constant 10 : i32
        %scan3A_70 = arith.addi %scan3A_68, %scan3A_69 : i32
        %scan3A_71 = arith.constant 1 : i32
        scf.for %scan3A_78 = %scan3A_68 to %scan3A_70 step %scan3A_71  : i32 {
          %mul3A_79 = arith.constant 10 : i32
          %mul3A_80 = arith.muli %scan3A_78, %mul3A_79 : i32
          %add3A_81 = arith.constant 0 : i32
          %add3A_82 = arith.addi %mul3A_80, %add3A_81 : i32
          %mul3A_83 = arith.constant 16 : i32
          %mul3A_84 = arith.muli %add3A_82, %mul3A_83 : i32
          %get3A = arith.index_cast %mul3A_84 : i32 to index
          %get3A_85 = tpu.vector_load %arg8[%get3A] {strides = array<i32>} : memref<1600xf32, #tpu.memory_space<vmem>>, vector<16xf32>,
          %get3A_86 = arith.index_cast %mul3A_84 : i32 to index
          %get3A_87 = tpu.vector_load %arg10[%get3A_86] {strides = array<i32>} : memref<1600xi32, #tpu.memory_space<vmem>>, vector<16xi32>,
          %mul3A_88 = arith.constant 16 : i32
          %mul3A_89 = vector.broadcast %mul3A_88 : i32 to vector<16xi32>
          %mul3A_90 = arith.muli %get3A_87, %mul3A_89 : vector<16xi32>
          %add3A_91 = arith.addi %mul3A_90, %iota3A : vector<16xi32>
          tpu.vector_store_idx %arg6[%add3A_91], %get3A_85 {add = true} : memref<81920xf32, #tpu.memory_space<vmem>>[vector<16xi32>], vector<16xf32>,
          %ge3A = arith.constant 2560 : i32
          %ge3A_92 = vector.broadcast %ge3A : i32 to vector<16xi32>
          %ge3A_93 = arith.cmpi sge, %get3A_87, %ge3A_92 : vector<16xi32>
          %jit3A = arith.constant 2560 : i32
          %jit3A_94 = arith.constant 0 : i32
          %broadcast_in_dim3A_95 = vector.broadcast %jit3A : i32 to vector<16xi32>
          %broadcast_in_dim3A_96 = vector.broadcast %jit3A_94 : i32 to vector<16xi32>
          %select_n3A = arith.select %ge3A_93, %broadcast_in_dim3A_95, %broadcast_in_dim3A_96 : vector<16xi1>, vector<16xi32>
          %sub3A = arith.subi %get3A_87, %select_n3A : vector<16xi32>
          %jit3A_97 = arith.constant 65536 : i32
          %jit3A_98 = arith.constant 1 : i32
          %broadcast_in_dim3A_99 = vector.broadcast %jit3A_97 : i32 to vector<16xi32>
          %broadcast_in_dim3A_100 = vector.broadcast %jit3A_98 : i32 to vector<16xi32>
          %select_n3A_101 = arith.select %ge3A_93, %broadcast_in_dim3A_99, %broadcast_in_dim3A_100 : vector<16xi1>, vector<16xi32>
          %mul3A_102 = arith.constant 16 : i32
          %mul3A_103 = vector.broadcast %mul3A_102 : i32 to vector<16xi32>
          %mul3A_104 = arith.muli %sub3A, %mul3A_103 : vector<16xi32>
          %add3A_105 = arith.addi %mul3A_104, %iota3A : vector<16xi32>
          tpu.vector_store_idx %arg7[%add3A_105], %select_n3A_101 {add = true} : memref<40960xi32, #tpu.memory_space<vmem>>[vector<16xi32>], vector<16xi32>,
          %mul3A_106 = arith.constant 10 : i32
          %mul3A_107 = arith.muli %scan3A_78, %mul3A_106 : i32
          %add3A_108 = arith.constant 1 : i32
          %add3A_109 = arith.addi %mul3A_107, %add3A_108 : i32
          %mul3A_110 = arith.constant 16 : i32
          %mul3A_111 = arith.muli %add3A_109, %mul3A_110 : i32
          %get3A_112 = arith.index_cast %mul3A_111 : i32 to index
          %get3A_113 = tpu.vector_load %arg8[%get3A_112] {strides = array<i32>} : memref<1600xf32, #tpu.memory_space<vmem>>, vector<16xf32>,
          %get3A_114 = arith.index_cast %mul3A_111 : i32 to index
          %get3A_115 = tpu.vector_load %arg10[%get3A_114] {strides = array<i32>} : memref<1600xi32, #tpu.memory_space<vmem>>, vector<16xi32>,
          %mul3A_116 = arith.constant 16 : i32
          %mul3A_117 = vector.broadcast %mul3A_116 : i32 to vector<16xi32>
          %mul3A_118 = arith.muli %get3A_115, %mul3A_117 : vector<16xi32>
          %add3A_119 = arith.addi %mul3A_118, %iota3A : vector<16xi32>
          tpu.vector_store_idx %arg6[%add3A_119], %get3A_113 {add = true} : memref<81920xf32, #tpu.memory_space<vmem>>[vector<16xi32>], vector<16xf32>,
          %ge3A_120 = arith.constant 2560 : i32
          %ge3A_121 = vector.broadcast %ge3A_120 : i32 to vector<16xi32>
          %ge3A_122 = arith.cmpi sge, %get3A_115, %ge3A_121 : vector<16xi32>
          %jit3A_123 = arith.constant 2560 : i32
          %jit3A_124 = arith.constant 0 : i32
          %broadcast_in_dim3A_125 = vector.broadcast %jit3A_123 : i32 to vector<16xi32>
          %broadcast_in_dim3A_126 = vector.broadcast %jit3A_124 : i32 to vector<16xi32>
          %select_n3A_127 = arith.select %ge3A_122, %broadcast_in_dim3A_125, %broadcast_in_dim3A_126 : vector<16xi1>, vector<16xi32>
          %sub3A_128 = arith.subi %get3A_115, %select_n3A_127 : vector<16xi32>
          %jit3A_129 = arith.constant 65536 : i32
          %jit3A_130 = arith.constant 1 : i32
          %broadcast_in_dim3A_131 = vector.broadcast %jit3A_129 : i32 to vector<16xi32>
          %broadcast_in_dim3A_132 = vector.broadcast %jit3A_130 : i32 to vector<16xi32>
          %select_n3A_133 = arith.select %ge3A_122, %broadcast_in_dim3A_131, %broadcast_in_dim3A_132 : vector<16xi1>, vector<16xi32>
          %mul3A_134 = arith.constant 16 : i32
          %mul3A_135 = vector.broadcast %mul3A_134 : i32 to vector<16xi32>
          %mul3A_136 = arith.muli %sub3A_128, %mul3A_135 : vector<16xi32>
          %add3A_137 = arith.addi %mul3A_136, %iota3A : vector<16xi32>
          tpu.vector_store_idx %arg7[%add3A_137], %select_n3A_133 {add = true} : memref<40960xi32, #tpu.memory_space<vmem>>[vector<16xi32>], vector<16xi32>,
          %mul3A_138 = arith.constant 10 : i32
          %mul3A_139 = arith.muli %scan3A_78, %mul3A_138 : i32
          %add3A_140 = arith.constant 2 : i32
          %add3A_141 = arith.addi %mul3A_139, %add3A_140 : i32
          %mul3A_142 = arith.constant 16 : i32
          %mul3A_143 = arith.muli %add3A_141, %mul3A_142 : i32
          %get3A_144 = arith.index_cast %mul3A_143 : i32 to index
          %get3A_145 = tpu.vector_load %arg8[%get3A_144] {strides = array<i32>} : memref<1600xf32, #tpu.memory_space<vmem>>, vector<16xf32>,
          %get3A_146 = arith.index_cast %mul3A_143 : i32 to index
          %get3A_147 = tpu.vector_load %arg10[%get3A_146] {strides = array<i32>} : memref<1600xi32, #tpu.memory_space<vmem>>, vector<16xi32>,
          %mul3A_148 = arith.constant 16 : i32
          %mul3A_149 = vector.broadcast %mul3A_148 : i32 to vector<16xi32>
          %mul3A_150 = arith.muli %get3A_147, %mul3A_149 : vector<16xi32>
          %add3A_151 = arith.addi %mul3A_150, %iota3A : vector<16xi32>
          tpu.vector_store_idx %arg6[%add3A_151], %get3A_145 {add = true} : memref<81920xf32, #tpu.memory_space<vmem>>[vector<16xi32>], vector<16xf32>,
          %ge3A_152 = arith.constant 2560 : i32
          %ge3A_153 = vector.broadcast %ge3A_152 : i32 to vector<16xi32>
          %ge3A_154 = arith.cmpi sge, %get3A_147, %ge3A_153 : vector<16xi32>
          %jit3A_155 = arith.constant 2560 : i32
          %jit3A_156 = arith.constant 0 : i32
          %broadcast_in_dim3A_157 = vector.broadcast %jit3A_155 : i32 to vector<16xi32>
          %broadcast_in_dim3A_158 = vector.broadcast %jit3A_156 : i32 to vector<16xi32>
          %select_n3A_159 = arith.select %ge3A_154, %broadcast_in_dim3A_157, %broadcast_in_dim3A_158 : vector<16xi1>, vector<16xi32>
          %sub3A_160 = arith.subi %get3A_147, %select_n3A_159 : vector<16xi32>
          %jit3A_161 = arith.constant 65536 : i32
          %jit3A_162 = arith.constant 1 : i32
          %broadcast_in_dim3A_163 = vector.broadcast %jit3A_161 : i32 to vector<16xi32>
          %broadcast_in_dim3A_164 = vector.broadcast %jit3A_162 : i32 to vector<16xi32>
          %select_n3A_165 = arith.select %ge3A_154, %broadcast_in_dim3A_163, %broadcast_in_dim3A_164 : vector<16xi1>, vector<16xi32>
          %mul3A_166 = arith.constant 16 : i32
          %mul3A_167 = vector.broadcast %mul3A_166 : i32 to vector<16xi32>
          %mul3A_168 = arith.muli %sub3A_160, %mul3A_167 : vector<16xi32>
          %add3A_169 = arith.addi %mul3A_168, %iota3A : vector<16xi32>
          tpu.vector_store_idx %arg7[%add3A_169], %select_n3A_165 {add = true} : memref<40960xi32, #tpu.memory_space<vmem>>[vector<16xi32>], vector<16xi32>,
          %mul3A_170 = arith.constant 10 : i32
          %mul3A_171 = arith.muli %scan3A_78, %mul3A_170 : i32
          %add3A_172 = arith.constant 3 : i32
          %add3A_173 = arith.addi %mul3A_171, %add3A_172 : i32
          %mul3A_174 = arith.constant 16 : i32
          %mul3A_175 = arith.muli %add3A_173, %mul3A_174 : i32
          %get3A_176 = arith.index_cast %mul3A_175 : i32 to index
          %get3A_177 = tpu.vector_load %arg8[%get3A_176] {strides = array<i32>} : memref<1600xf32, #tpu.memory_space<vmem>>, vector<16xf32>,
          %get3A_178 = arith.index_cast %mul3A_175 : i32 to index
          %get3A_179 = tpu.vector_load %arg10[%get3A_178] {strides = array<i32>} : memref<1600xi32, #tpu.memory_space<vmem>>, vector<16xi32>,
          %mul3A_180 = arith.constant 16 : i32
          %mul3A_181 = vector.broadcast %mul3A_180 : i32 to vector<16xi32>
          %mul3A_182 = arith.muli %get3A_179, %mul3A_181 : vector<16xi32>
          %add3A_183 = arith.addi %mul3A_182, %iota3A : vector<16xi32>
          tpu.vector_store_idx %arg6[%add3A_183], %get3A_177 {add = true} : memref<81920xf32, #tpu.memory_space<vmem>>[vector<16xi32>], vector<16xf32>,
          %ge3A_184 = arith.constant 2560 : i32
          %ge3A_185 = vector.broadcast %ge3A_184 : i32 to vector<16xi32>
          %ge3A_186 = arith.cmpi sge, %get3A_179, %ge3A_185 : vector<16xi32>
          %jit3A_187 = arith.constant 2560 : i32
          %jit3A_188 = arith.constant 0 : i32
          %broadcast_in_dim3A_189 = vector.broadcast %jit3A_187 : i32 to vector<16xi32>
          %broadcast_in_dim3A_190 = vector.broadcast %jit3A_188 : i32 to vector<16xi32>
          %select_n3A_191 = arith.select %ge3A_186, %broadcast_in_dim3A_189, %broadcast_in_dim3A_190 : vector<16xi1>, vector<16xi32>
          %sub3A_192 = arith.subi %get3A_179, %select_n3A_191 : vector<16xi32>
          %jit3A_193 = arith.constant 65536 : i32
          %jit3A_194 = arith.constant 1 : i32
          %broadcast_in_dim3A_195 = vector.broadcast %jit3A_193 : i32 to vector<16xi32>
          %broadcast_in_dim3A_196 = vector.broadcast %jit3A_194 : i32 to vector<16xi32>
          %select_n3A_197 = arith.select %ge3A_186, %broadcast_in_dim3A_195, %broadcast_in_dim3A_196 : vector<16xi1>, vector<16xi32>
          %mul3A_198 = arith.constant 16 : i32
          %mul3A_199 = vector.broadcast %mul3A_198 : i32 to vector<16xi32>
          %mul3A_200 = arith.muli %sub3A_192, %mul3A_199 : vector<16xi32>
          %add3A_201 = arith.addi %mul3A_200, %iota3A : vector<16xi32>
          tpu.vector_store_idx %arg7[%add3A_201], %select_n3A_197 {add = true} : memref<40960xi32, #tpu.memory_space<vmem>>[vector<16xi32>], vector<16xi32>,
          %mul3A_202 = arith.constant 10 : i32
          %mul3A_203 = arith.muli %scan3A_78, %mul3A_202 : i32
          %add3A_204 = arith.constant 4 : i32
          %add3A_205 = arith.addi %mul3A_203, %add3A_204 : i32
          %mul3A_206 = arith.constant 16 : i32
          %mul3A_207 = arith.muli %add3A_205, %mul3A_206 : i32
          %get3A_208 = arith.index_cast %mul3A_207 : i32 to index
          %get3A_209 = tpu.vector_load %arg8[%get3A_208] {strides = array<i32>} : memref<1600xf32, #tpu.memory_space<vmem>>, vector<16xf32>,
          %get3A_210 = arith.index_cast %mul3A_207 : i32 to index
          %get3A_211 = tpu.vector_load %arg10[%get3A_210] {strides = array<i32>} : memref<1600xi32, #tpu.memory_space<vmem>>, vector<16xi32>,
          %mul3A_212 = arith.constant 16 : i32
          %mul3A_213 = vector.broadcast %mul3A_212 : i32 to vector<16xi32>
          %mul3A_214 = arith.muli %get3A_211, %mul3A_213 : vector<16xi32>
          %add3A_215 = arith.addi %mul3A_214, %iota3A : vector<16xi32>
          tpu.vector_store_idx %arg6[%add3A_215], %get3A_209 {add = true} : memref<81920xf32, #tpu.memory_space<vmem>>[vector<16xi32>], vector<16xf32>,
          %ge3A_216 = arith.constant 2560 : i32
          %ge3A_217 = vector.broadcast %ge3A_216 : i32 to vector<16xi32>
          %ge3A_218 = arith.cmpi sge, %get3A_211, %ge3A_217 : vector<16xi32>
          %jit3A_219 = arith.constant 2560 : i32
          %jit3A_220 = arith.constant 0 : i32
          %broadcast_in_dim3A_221 = vector.broadcast %jit3A_219 : i32 to vector<16xi32>
          %broadcast_in_dim3A_222 = vector.broadcast %jit3A_220 : i32 to vector<16xi32>
          %select_n3A_223 = arith.select %ge3A_218, %broadcast_in_dim3A_221, %broadcast_in_dim3A_222 : vector<16xi1>, vector<16xi32>
          %sub3A_224 = arith.subi %get3A_211, %select_n3A_223 : vector<16xi32>
          %jit3A_225 = arith.constant 65536 : i32
          %jit3A_226 = arith.constant 1 : i32
          %broadcast_in_dim3A_227 = vector.broadcast %jit3A_225 : i32 to vector<16xi32>
          %broadcast_in_dim3A_228 = vector.broadcast %jit3A_226 : i32 to vector<16xi32>
          %select_n3A_229 = arith.select %ge3A_218, %broadcast_in_dim3A_227, %broadcast_in_dim3A_228 : vector<16xi1>, vector<16xi32>
          %mul3A_230 = arith.constant 16 : i32
          %mul3A_231 = vector.broadcast %mul3A_230 : i32 to vector<16xi32>
          %mul3A_232 = arith.muli %sub3A_224, %mul3A_231 : vector<16xi32>
          %add3A_233 = arith.addi %mul3A_232, %iota3A : vector<16xi32>
          tpu.vector_store_idx %arg7[%add3A_233], %select_n3A_229 {add = true} : memref<40960xi32, #tpu.memory_space<vmem>>[vector<16xi32>], vector<16xi32>,
          %mul3A_234 = arith.constant 10 : i32
          %mul3A_235 = arith.muli %scan3A_78, %mul3A_234 : i32
          %add3A_236 = arith.constant 5 : i32
          %add3A_237 = arith.addi %mul3A_235, %add3A_236 : i32
          %mul3A_238 = arith.constant 16 : i32
          %mul3A_239 = arith.muli %add3A_237, %mul3A_238 : i32
          %get3A_240 = arith.index_cast %mul3A_239 : i32 to index
          %get3A_241 = tpu.vector_load %arg8[%get3A_240] {strides = array<i32>} : memref<1600xf32, #tpu.memory_space<vmem>>, vector<16xf32>,
          %get3A_242 = arith.index_cast %mul3A_239 : i32 to index
          %get3A_243 = tpu.vector_load %arg10[%get3A_242] {strides = array<i32>} : memref<1600xi32, #tpu.memory_space<vmem>>, vector<16xi32>,
          %mul3A_244 = arith.constant 16 : i32
          %mul3A_245 = vector.broadcast %mul3A_244 : i32 to vector<16xi32>
          %mul3A_246 = arith.muli %get3A_243, %mul3A_245 : vector<16xi32>
          %add3A_247 = arith.addi %mul3A_246, %iota3A : vector<16xi32>
          tpu.vector_store_idx %arg6[%add3A_247], %get3A_241 {add = true} : memref<81920xf32, #tpu.memory_space<vmem>>[vector<16xi32>], vector<16xf32>,
          %ge3A_248 = arith.constant 2560 : i32
          %ge3A_249 = vector.broadcast %ge3A_248 : i32 to vector<16xi32>
          %ge3A_250 = arith.cmpi sge, %get3A_243, %ge3A_249 : vector<16xi32>
          %jit3A_251 = arith.constant 2560 : i32
          %jit3A_252 = arith.constant 0 : i32
          %broadcast_in_dim3A_253 = vector.broadcast %jit3A_251 : i32 to vector<16xi32>
          %broadcast_in_dim3A_254 = vector.broadcast %jit3A_252 : i32 to vector<16xi32>
          %select_n3A_255 = arith.select %ge3A_250, %broadcast_in_dim3A_253, %broadcast_in_dim3A_254 : vector<16xi1>, vector<16xi32>
          %sub3A_256 = arith.subi %get3A_243, %select_n3A_255 : vector<16xi32>
          %jit3A_257 = arith.constant 65536 : i32
          %jit3A_258 = arith.constant 1 : i32
          %broadcast_in_dim3A_259 = vector.broadcast %jit3A_257 : i32 to vector<16xi32>
          %broadcast_in_dim3A_260 = vector.broadcast %jit3A_258 : i32 to vector<16xi32>
          %select_n3A_261 = arith.select %ge3A_250, %broadcast_in_dim3A_259, %broadcast_in_dim3A_260 : vector<16xi1>, vector<16xi32>
          %mul3A_262 = arith.constant 16 : i32
          %mul3A_263 = vector.broadcast %mul3A_262 : i32 to vector<16xi32>
          %mul3A_264 = arith.muli %sub3A_256, %mul3A_263 : vector<16xi32>
          %add3A_265 = arith.addi %mul3A_264, %iota3A : vector<16xi32>
          tpu.vector_store_idx %arg7[%add3A_265], %select_n3A_261 {add = true} : memref<40960xi32, #tpu.memory_space<vmem>>[vector<16xi32>], vector<16xi32>,
          %mul3A_266 = arith.constant 10 : i32
          %mul3A_267 = arith.muli %scan3A_78, %mul3A_266 : i32
          %add3A_268 = arith.constant 6 : i32
          %add3A_269 = arith.addi %mul3A_267, %add3A_268 : i32
          %mul3A_270 = arith.constant 16 : i32
          %mul3A_271 = arith.muli %add3A_269, %mul3A_270 : i32
          %get3A_272 = arith.index_cast %mul3A_271 : i32 to index
          %get3A_273 = tpu.vector_load %arg8[%get3A_272] {strides = array<i32>} : memref<1600xf32, #tpu.memory_space<vmem>>, vector<16xf32>,
          %get3A_274 = arith.index_cast %mul3A_271 : i32 to index
          %get3A_275 = tpu.vector_load %arg10[%get3A_274] {strides = array<i32>} : memref<1600xi32, #tpu.memory_space<vmem>>, vector<16xi32>,
          %mul3A_276 = arith.constant 16 : i32
          %mul3A_277 = vector.broadcast %mul3A_276 : i32 to vector<16xi32>
          %mul3A_278 = arith.muli %get3A_275, %mul3A_277 : vector<16xi32>
          %add3A_279 = arith.addi %mul3A_278, %iota3A : vector<16xi32>
          tpu.vector_store_idx %arg6[%add3A_279], %get3A_273 {add = true} : memref<81920xf32, #tpu.memory_space<vmem>>[vector<16xi32>], vector<16xf32>,
          %ge3A_280 = arith.constant 2560 : i32
          %ge3A_281 = vector.broadcast %ge3A_280 : i32 to vector<16xi32>
          %ge3A_282 = arith.cmpi sge, %get3A_275, %ge3A_281 : vector<16xi32>
          %jit3A_283 = arith.constant 2560 : i32
          %jit3A_284 = arith.constant 0 : i32
          %broadcast_in_dim3A_285 = vector.broadcast %jit3A_283 : i32 to vector<16xi32>
          %broadcast_in_dim3A_286 = vector.broadcast %jit3A_284 : i32 to vector<16xi32>
          %select_n3A_287 = arith.select %ge3A_282, %broadcast_in_dim3A_285, %broadcast_in_dim3A_286 : vector<16xi1>, vector<16xi32>
          %sub3A_288 = arith.subi %get3A_275, %select_n3A_287 : vector<16xi32>
          %jit3A_289 = arith.constant 65536 : i32
          %jit3A_290 = arith.constant 1 : i32
          %broadcast_in_dim3A_291 = vector.broadcast %jit3A_289 : i32 to vector<16xi32>
          %broadcast_in_dim3A_292 = vector.broadcast %jit3A_290 : i32 to vector<16xi32>
          %select_n3A_293 = arith.select %ge3A_282, %broadcast_in_dim3A_291, %broadcast_in_dim3A_292 : vector<16xi1>, vector<16xi32>
          %mul3A_294 = arith.constant 16 : i32
          %mul3A_295 = vector.broadcast %mul3A_294 : i32 to vector<16xi32>
          %mul3A_296 = arith.muli %sub3A_288, %mul3A_295 : vector<16xi32>
          %add3A_297 = arith.addi %mul3A_296, %iota3A : vector<16xi32>
          tpu.vector_store_idx %arg7[%add3A_297], %select_n3A_293 {add = true} : memref<40960xi32, #tpu.memory_space<vmem>>[vector<16xi32>], vector<16xi32>,
          %mul3A_298 = arith.constant 10 : i32
          %mul3A_299 = arith.muli %scan3A_78, %mul3A_298 : i32
          %add3A_300 = arith.constant 7 : i32
          %add3A_301 = arith.addi %mul3A_299, %add3A_300 : i32
          %mul3A_302 = arith.constant 16 : i32
          %mul3A_303 = arith.muli %add3A_301, %mul3A_302 : i32
          %get3A_304 = arith.index_cast %mul3A_303 : i32 to index
          %get3A_305 = tpu.vector_load %arg8[%get3A_304] {strides = array<i32>} : memref<1600xf32, #tpu.memory_space<vmem>>, vector<16xf32>,
          %get3A_306 = arith.index_cast %mul3A_303 : i32 to index
          %get3A_307 = tpu.vector_load %arg10[%get3A_306] {strides = array<i32>} : memref<1600xi32, #tpu.memory_space<vmem>>, vector<16xi32>,
          %mul3A_308 = arith.constant 16 : i32
          %mul3A_309 = vector.broadcast %mul3A_308 : i32 to vector<16xi32>
          %mul3A_310 = arith.muli %get3A_307, %mul3A_309 : vector<16xi32>
          %add3A_311 = arith.addi %mul3A_310, %iota3A : vector<16xi32>
          tpu.vector_store_idx %arg6[%add3A_311], %get3A_305 {add = true} : memref<81920xf32, #tpu.memory_space<vmem>>[vector<16xi32>], vector<16xf32>,
          %ge3A_312 = arith.constant 2560 : i32
          %ge3A_313 = vector.broadcast %ge3A_312 : i32 to vector<16xi32>
          %ge3A_314 = arith.cmpi sge, %get3A_307, %ge3A_313 : vector<16xi32>
          %jit3A_315 = arith.constant 2560 : i32
          %jit3A_316 = arith.constant 0 : i32
          %broadcast_in_dim3A_317 = vector.broadcast %jit3A_315 : i32 to vector<16xi32>
          %broadcast_in_dim3A_318 = vector.broadcast %jit3A_316 : i32 to vector<16xi32>
          %select_n3A_319 = arith.select %ge3A_314, %broadcast_in_dim3A_317, %broadcast_in_dim3A_318 : vector<16xi1>, vector<16xi32>
          %sub3A_320 = arith.subi %get3A_307, %select_n3A_319 : vector<16xi32>
          %jit3A_321 = arith.constant 65536 : i32
          %jit3A_322 = arith.constant 1 : i32
          %broadcast_in_dim3A_323 = vector.broadcast %jit3A_321 : i32 to vector<16xi32>
          %broadcast_in_dim3A_324 = vector.broadcast %jit3A_322 : i32 to vector<16xi32>
          %select_n3A_325 = arith.select %ge3A_314, %broadcast_in_dim3A_323, %broadcast_in_dim3A_324 : vector<16xi1>, vector<16xi32>
          %mul3A_326 = arith.constant 16 : i32
          %mul3A_327 = vector.broadcast %mul3A_326 : i32 to vector<16xi32>
          %mul3A_328 = arith.muli %sub3A_320, %mul3A_327 : vector<16xi32>
          %add3A_329 = arith.addi %mul3A_328, %iota3A : vector<16xi32>
          tpu.vector_store_idx %arg7[%add3A_329], %select_n3A_325 {add = true} : memref<40960xi32, #tpu.memory_space<vmem>>[vector<16xi32>], vector<16xi32>,
          %mul3A_330 = arith.constant 10 : i32
          %mul3A_331 = arith.muli %scan3A_78, %mul3A_330 : i32
          %add3A_332 = arith.constant 8 : i32
          %add3A_333 = arith.addi %mul3A_331, %add3A_332 : i32
          %mul3A_334 = arith.constant 16 : i32
          %mul3A_335 = arith.muli %add3A_333, %mul3A_334 : i32
          %get3A_336 = arith.index_cast %mul3A_335 : i32 to index
          %get3A_337 = tpu.vector_load %arg8[%get3A_336] {strides = array<i32>} : memref<1600xf32, #tpu.memory_space<vmem>>, vector<16xf32>,
          %get3A_338 = arith.index_cast %mul3A_335 : i32 to index
          %get3A_339 = tpu.vector_load %arg10[%get3A_338] {strides = array<i32>} : memref<1600xi32, #tpu.memory_space<vmem>>, vector<16xi32>,
          %mul3A_340 = arith.constant 16 : i32
          %mul3A_341 = vector.broadcast %mul3A_340 : i32 to vector<16xi32>
          %mul3A_342 = arith.muli %get3A_339, %mul3A_341 : vector<16xi32>
          %add3A_343 = arith.addi %mul3A_342, %iota3A : vector<16xi32>
          tpu.vector_store_idx %arg6[%add3A_343], %get3A_337 {add = true} : memref<81920xf32, #tpu.memory_space<vmem>>[vector<16xi32>], vector<16xf32>,
          %ge3A_344 = arith.constant 2560 : i32
          %ge3A_345 = vector.broadcast %ge3A_344 : i32 to vector<16xi32>
          %ge3A_346 = arith.cmpi sge, %get3A_339, %ge3A_345 : vector<16xi32>
          %jit3A_347 = arith.constant 2560 : i32
          %jit3A_348 = arith.constant 0 : i32
          %broadcast_in_dim3A_349 = vector.broadcast %jit3A_347 : i32 to vector<16xi32>
          %broadcast_in_dim3A_350 = vector.broadcast %jit3A_348 : i32 to vector<16xi32>
          %select_n3A_351 = arith.select %ge3A_346, %broadcast_in_dim3A_349, %broadcast_in_dim3A_350 : vector<16xi1>, vector<16xi32>
          %sub3A_352 = arith.subi %get3A_339, %select_n3A_351 : vector<16xi32>
          %jit3A_353 = arith.constant 65536 : i32
          %jit3A_354 = arith.constant 1 : i32
          %broadcast_in_dim3A_355 = vector.broadcast %jit3A_353 : i32 to vector<16xi32>
          %broadcast_in_dim3A_356 = vector.broadcast %jit3A_354 : i32 to vector<16xi32>
          %select_n3A_357 = arith.select %ge3A_346, %broadcast_in_dim3A_355, %broadcast_in_dim3A_356 : vector<16xi1>, vector<16xi32>
          %mul3A_358 = arith.constant 16 : i32
          %mul3A_359 = vector.broadcast %mul3A_358 : i32 to vector<16xi32>
          %mul3A_360 = arith.muli %sub3A_352, %mul3A_359 : vector<16xi32>
          %add3A_361 = arith.addi %mul3A_360, %iota3A : vector<16xi32>
          tpu.vector_store_idx %arg7[%add3A_361], %select_n3A_357 {add = true} : memref<40960xi32, #tpu.memory_space<vmem>>[vector<16xi32>], vector<16xi32>,
          %mul3A_362 = arith.constant 10 : i32
          %mul3A_363 = arith.muli %scan3A_78, %mul3A_362 : i32
          %add3A_364 = arith.constant 9 : i32
          %add3A_365 = arith.addi %mul3A_363, %add3A_364 : i32
          %mul3A_366 = arith.constant 16 : i32
          %mul3A_367 = arith.muli %add3A_365, %mul3A_366 : i32
          %get3A_368 = arith.index_cast %mul3A_367 : i32 to index
          %get3A_369 = tpu.vector_load %arg8[%get3A_368] {strides = array<i32>} : memref<1600xf32, #tpu.memory_space<vmem>>, vector<16xf32>,
          %get3A_370 = arith.index_cast %mul3A_367 : i32 to index
          %get3A_371 = tpu.vector_load %arg10[%get3A_370] {strides = array<i32>} : memref<1600xi32, #tpu.memory_space<vmem>>, vector<16xi32>,
          %mul3A_372 = arith.constant 16 : i32
          %mul3A_373 = vector.broadcast %mul3A_372 : i32 to vector<16xi32>
          %mul3A_374 = arith.muli %get3A_371, %mul3A_373 : vector<16xi32>
          %add3A_375 = arith.addi %mul3A_374, %iota3A : vector<16xi32>
          tpu.vector_store_idx %arg6[%add3A_375], %get3A_369 {add = true} : memref<81920xf32, #tpu.memory_space<vmem>>[vector<16xi32>], vector<16xf32>,
          %ge3A_376 = arith.constant 2560 : i32
          %ge3A_377 = vector.broadcast %ge3A_376 : i32 to vector<16xi32>
          %ge3A_378 = arith.cmpi sge, %get3A_371, %ge3A_377 : vector<16xi32>
          %jit3A_379 = arith.constant 2560 : i32
          %jit3A_380 = arith.constant 0 : i32
          %broadcast_in_dim3A_381 = vector.broadcast %jit3A_379 : i32 to vector<16xi32>
          %broadcast_in_dim3A_382 = vector.broadcast %jit3A_380 : i32 to vector<16xi32>
          %select_n3A_383 = arith.select %ge3A_378, %broadcast_in_dim3A_381, %broadcast_in_dim3A_382 : vector<16xi1>, vector<16xi32>
          %sub3A_384 = arith.subi %get3A_371, %select_n3A_383 : vector<16xi32>
          %jit3A_385 = arith.constant 65536 : i32
          %jit3A_386 = arith.constant 1 : i32
          %broadcast_in_dim3A_387 = vector.broadcast %jit3A_385 : i32 to vector<16xi32>
          %broadcast_in_dim3A_388 = vector.broadcast %jit3A_386 : i32 to vector<16xi32>
          %select_n3A_389 = arith.select %ge3A_378, %broadcast_in_dim3A_387, %broadcast_in_dim3A_388 : vector<16xi1>, vector<16xi32>
          %mul3A_390 = arith.constant 16 : i32
          %mul3A_391 = vector.broadcast %mul3A_390 : i32 to vector<16xi32>
          %mul3A_392 = arith.muli %sub3A_384, %mul3A_391 : vector<16xi32>
          %add3A_393 = arith.addi %mul3A_392, %iota3A : vector<16xi32>
          tpu.vector_store_idx %arg7[%add3A_393], %select_n3A_389 {add = true} : memref<40960xi32, #tpu.memory_space<vmem>>[vector<16xi32>], vector<16xi32>,
        }
        %scan3A_72 = arith.constant 10 : i32
        %lt3A_73 = arith.constant 625 : i32
        %lt3A_74 = arith.cmpi slt, %add3A_50, %lt3A_73 : i32
        %convert_element_type3A_75 = arith.extui %lt3A_74 : i1 to i32
        %cond3A_76 = arith.constant 0 : i32
        %cond3A_77 = arith.cmpi ne, %convert_element_type3A_75, %cond3A_76 : i32
        scf.if %cond3A_77 {
          %mul3A_78 = arith.constant 1600 : i32
          %mul3A_79 = arith.muli %add3A_50, %mul3A_78 : i32
          %dma_wait3A_80 = tpu.memref_slice %arg2[%mul3A_79] : memref<1000000xf32, #tpu.memory_space<hbm>> -> memref<1600xf32, #tpu.memory_space<hbm>>
          %dma_wait3A_81 = tpu.memref_slice %arg2[%mul3A_79] : memref<1000000xf32, #tpu.memory_space<hbm>> -> memref<1600xf32, #tpu.memory_space<hbm>>
          tpu.wait_dma2 semaphore(%arg12 : memref<!tpu.dma_semaphore, #tpu.memory_space<semaphore_mem>>) src(%dma_wait3A_81 : memref<1600xf32, #tpu.memory_space<hbm>>) dst(%arg9 : memref<1600xf32, #tpu.memory_space<vmem>>)
          %mul3A_82 = arith.constant 1600 : i32
          %mul3A_83 = arith.muli %add3A_50, %mul3A_82 : i32
          %dma_wait3A_84 = tpu.memref_slice %arg3[%mul3A_83] : memref<1000000xi32, #tpu.memory_space<hbm>> -> memref<1600xi32, #tpu.memory_space<hbm>>
          %dma_wait3A_85 = tpu.memref_slice %arg3[%mul3A_83] : memref<1000000xi32, #tpu.memory_space<hbm>> -> memref<1600xi32, #tpu.memory_space<hbm>>
          tpu.wait_dma2 semaphore(%arg12 : memref<!tpu.dma_semaphore, #tpu.memory_space<semaphore_mem>>) src(%dma_wait3A_85 : memref<1600xi32, #tpu.memory_space<hbm>>) dst(%arg11 : memref<1600xi32, #tpu.memory_space<vmem>>)
          %lt3A_86 = arith.constant 625 : i32
          %lt3A_87 = arith.cmpi slt, %add3A_52, %lt3A_86 : i32
          %convert_element_type3A_88 = arith.extui %lt3A_87 : i1 to i32
          %cond3A_89 = arith.constant 0 : i32
          %cond3A_90 = arith.cmpi ne, %convert_element_type3A_88, %cond3A_89 : i32
          scf.if %cond3A_90 {
            %mul3A_97 = arith.constant 1600 : i32
            %mul3A_98 = arith.muli %add3A_52, %mul3A_97 : i32
            %dma_start3A_99 = tpu.memref_slice %arg2[%mul3A_98] : memref<1000000xf32, #tpu.memory_space<hbm>> -> memref<1600xf32, #tpu.memory_space<hbm>>
            %dma_start3A_100 = tpu.memref_slice %arg2[%mul3A_98] : memref<1000000xf32, #tpu.memory_space<hbm>> -> memref<1600xf32, #tpu.memory_space<hbm>>
            tpu.enqueue_dma source(%dma_start3A_100 : memref<1600xf32, #tpu.memory_space<hbm>>) target(%arg8 : memref<1600xf32, #tpu.memory_space<vmem>>) target_semaphore(%arg12 : memref<!tpu.dma_semaphore, #tpu.memory_space<semaphore_mem>>)
            %mul3A_101 = arith.constant 1600 : i32
            %mul3A_102 = arith.muli %add3A_52, %mul3A_101 : i32
            %dma_start3A_103 = tpu.memref_slice %arg3[%mul3A_102] : memref<1000000xi32, #tpu.memory_space<hbm>> -> memref<1600xi32, #tpu.memory_space<hbm>>
            %dma_start3A_104 = tpu.memref_slice %arg3[%mul3A_102] : memref<1000000xi32, #tpu.memory_space<hbm>> -> memref<1600xi32, #tpu.memory_space<hbm>>
            tpu.enqueue_dma source(%dma_start3A_104 : memref<1600xi32, #tpu.memory_space<hbm>>) target(%arg10 : memref<1600xi32, #tpu.memory_space<vmem>>) target_semaphore(%arg12 : memref<!tpu.dma_semaphore, #tpu.memory_space<semaphore_mem>>)
          } else {
          }
          %scan3A_91 = arith.constant 0 : i32
          %scan3A_92 = arith.constant 0 : i32
          %scan3A_93 = arith.constant 10 : i32
          %scan3A_94 = arith.addi %scan3A_92, %scan3A_93 : i32
          %scan3A_95 = arith.constant 1 : i32
          scf.for %scan3A_97 = %scan3A_92 to %scan3A_94 step %scan3A_95  : i32 {
            %mul3A_98 = arith.constant 10 : i32
            %mul3A_99 = arith.muli %scan3A_97, %mul3A_98 : i32
            %add3A_100 = arith.constant 0 : i32
            %add3A_101 = arith.addi %mul3A_99, %add3A_100 : i32
            %mul3A_102 = arith.constant 16 : i32
            %mul3A_103 = arith.muli %add3A_101, %mul3A_102 : i32
            %get3A = arith.index_cast %mul3A_103 : i32 to index
            %get3A_104 = tpu.vector_load %arg9[%get3A] {strides = array<i32>} : memref<1600xf32, #tpu.memory_space<vmem>>, vector<16xf32>,
            %get3A_105 = arith.index_cast %mul3A_103 : i32 to index
            %get3A_106 = tpu.vector_load %arg11[%get3A_105] {strides = array<i32>} : memref<1600xi32, #tpu.memory_space<vmem>>, vector<16xi32>,
            %mul3A_107 = arith.constant 16 : i32
            %mul3A_108 = vector.broadcast %mul3A_107 : i32 to vector<16xi32>
            %mul3A_109 = arith.muli %get3A_106, %mul3A_108 : vector<16xi32>
            %add3A_110 = arith.addi %mul3A_109, %iota3A : vector<16xi32>
            tpu.vector_store_idx %arg6[%add3A_110], %get3A_104 {add = true} : memref<81920xf32, #tpu.memory_space<vmem>>[vector<16xi32>], vector<16xf32>,
            %ge3A = arith.constant 2560 : i32
            %ge3A_111 = vector.broadcast %ge3A : i32 to vector<16xi32>
            %ge3A_112 = arith.cmpi sge, %get3A_106, %ge3A_111 : vector<16xi32>
            %jit3A = arith.constant 2560 : i32
            %jit3A_113 = arith.constant 0 : i32
            %broadcast_in_dim3A_114 = vector.broadcast %jit3A : i32 to vector<16xi32>
            %broadcast_in_dim3A_115 = vector.broadcast %jit3A_113 : i32 to vector<16xi32>
            %select_n3A = arith.select %ge3A_112, %broadcast_in_dim3A_114, %broadcast_in_dim3A_115 : vector<16xi1>, vector<16xi32>
            %sub3A = arith.subi %get3A_106, %select_n3A : vector<16xi32>
            %jit3A_116 = arith.constant 65536 : i32
            %jit3A_117 = arith.constant 1 : i32
            %broadcast_in_dim3A_118 = vector.broadcast %jit3A_116 : i32 to vector<16xi32>
            %broadcast_in_dim3A_119 = vector.broadcast %jit3A_117 : i32 to vector<16xi32>
            %select_n3A_120 = arith.select %ge3A_112, %broadcast_in_dim3A_118, %broadcast_in_dim3A_119 : vector<16xi1>, vector<16xi32>
            %mul3A_121 = arith.constant 16 : i32
            %mul3A_122 = vector.broadcast %mul3A_121 : i32 to vector<16xi32>
            %mul3A_123 = arith.muli %sub3A, %mul3A_122 : vector<16xi32>
            %add3A_124 = arith.addi %mul3A_123, %iota3A : vector<16xi32>
            tpu.vector_store_idx %arg7[%add3A_124], %select_n3A_120 {add = true} : memref<40960xi32, #tpu.memory_space<vmem>>[vector<16xi32>], vector<16xi32>,
            %mul3A_125 = arith.constant 10 : i32
            %mul3A_126 = arith.muli %scan3A_97, %mul3A_125 : i32
            %add3A_127 = arith.constant 1 : i32
            %add3A_128 = arith.addi %mul3A_126, %add3A_127 : i32
            %mul3A_129 = arith.constant 16 : i32
            %mul3A_130 = arith.muli %add3A_128, %mul3A_129 : i32
            %get3A_131 = arith.index_cast %mul3A_130 : i32 to index
            %get3A_132 = tpu.vector_load %arg9[%get3A_131] {strides = array<i32>} : memref<1600xf32, #tpu.memory_space<vmem>>, vector<16xf32>,
            %get3A_133 = arith.index_cast %mul3A_130 : i32 to index
            %get3A_134 = tpu.vector_load %arg11[%get3A_133] {strides = array<i32>} : memref<1600xi32, #tpu.memory_space<vmem>>, vector<16xi32>,
            %mul3A_135 = arith.constant 16 : i32
            %mul3A_136 = vector.broadcast %mul3A_135 : i32 to vector<16xi32>
            %mul3A_137 = arith.muli %get3A_134, %mul3A_136 : vector<16xi32>
            %add3A_138 = arith.addi %mul3A_137, %iota3A : vector<16xi32>
            tpu.vector_store_idx %arg6[%add3A_138], %get3A_132 {add = true} : memref<81920xf32, #tpu.memory_space<vmem>>[vector<16xi32>], vector<16xf32>,
            %ge3A_139 = arith.constant 2560 : i32
            %ge3A_140 = vector.broadcast %ge3A_139 : i32 to vector<16xi32>
            %ge3A_141 = arith.cmpi sge, %get3A_134, %ge3A_140 : vector<16xi32>
            %jit3A_142 = arith.constant 2560 : i32
            %jit3A_143 = arith.constant 0 : i32
            %broadcast_in_dim3A_144 = vector.broadcast %jit3A_142 : i32 to vector<16xi32>
            %broadcast_in_dim3A_145 = vector.broadcast %jit3A_143 : i32 to vector<16xi32>
            %select_n3A_146 = arith.select %ge3A_141, %broadcast_in_dim3A_144, %broadcast_in_dim3A_145 : vector<16xi1>, vector<16xi32>
            %sub3A_147 = arith.subi %get3A_134, %select_n3A_146 : vector<16xi32>
            %jit3A_148 = arith.constant 65536 : i32
            %jit3A_149 = arith.constant 1 : i32
            %broadcast_in_dim3A_150 = vector.broadcast %jit3A_148 : i32 to vector<16xi32>
            %broadcast_in_dim3A_151 = vector.broadcast %jit3A_149 : i32 to vector<16xi32>
            %select_n3A_152 = arith.select %ge3A_141, %broadcast_in_dim3A_150, %broadcast_in_dim3A_151 : vector<16xi1>, vector<16xi32>
            %mul3A_153 = arith.constant 16 : i32
            %mul3A_154 = vector.broadcast %mul3A_153 : i32 to vector<16xi32>
            %mul3A_155 = arith.muli %sub3A_147, %mul3A_154 : vector<16xi32>
            %add3A_156 = arith.addi %mul3A_155, %iota3A : vector<16xi32>
            tpu.vector_store_idx %arg7[%add3A_156], %select_n3A_152 {add = true} : memref<40960xi32, #tpu.memory_space<vmem>>[vector<16xi32>], vector<16xi32>,
            %mul3A_157 = arith.constant 10 : i32
            %mul3A_158 = arith.muli %scan3A_97, %mul3A_157 : i32
            %add3A_159 = arith.constant 2 : i32
            %add3A_160 = arith.addi %mul3A_158, %add3A_159 : i32
            %mul3A_161 = arith.constant 16 : i32
            %mul3A_162 = arith.muli %add3A_160, %mul3A_161 : i32
            %get3A_163 = arith.index_cast %mul3A_162 : i32 to index
            %get3A_164 = tpu.vector_load %arg9[%get3A_163] {strides = array<i32>} : memref<1600xf32, #tpu.memory_space<vmem>>, vector<16xf32>,
            %get3A_165 = arith.index_cast %mul3A_162 : i32 to index
            %get3A_166 = tpu.vector_load %arg11[%get3A_165] {strides = array<i32>} : memref<1600xi32, #tpu.memory_space<vmem>>, vector<16xi32>,
            %mul3A_167 = arith.constant 16 : i32
            %mul3A_168 = vector.broadcast %mul3A_167 : i32 to vector<16xi32>
            %mul3A_169 = arith.muli %get3A_166, %mul3A_168 : vector<16xi32>
            %add3A_170 = arith.addi %mul3A_169, %iota3A : vector<16xi32>
            tpu.vector_store_idx %arg6[%add3A_170], %get3A_164 {add = true} : memref<81920xf32, #tpu.memory_space<vmem>>[vector<16xi32>], vector<16xf32>,
            %ge3A_171 = arith.constant 2560 : i32
            %ge3A_172 = vector.broadcast %ge3A_171 : i32 to vector<16xi32>
            %ge3A_173 = arith.cmpi sge, %get3A_166, %ge3A_172 : vector<16xi32>
            %jit3A_174 = arith.constant 2560 : i32
            %jit3A_175 = arith.constant 0 : i32
            %broadcast_in_dim3A_176 = vector.broadcast %jit3A_174 : i32 to vector<16xi32>
            %broadcast_in_dim3A_177 = vector.broadcast %jit3A_175 : i32 to vector<16xi32>
            %select_n3A_178 = arith.select %ge3A_173, %broadcast_in_dim3A_176, %broadcast_in_dim3A_177 : vector<16xi1>, vector<16xi32>
            %sub3A_179 = arith.subi %get3A_166, %select_n3A_178 : vector<16xi32>
            %jit3A_180 = arith.constant 65536 : i32
            %jit3A_181 = arith.constant 1 : i32
            %broadcast_in_dim3A_182 = vector.broadcast %jit3A_180 : i32 to vector<16xi32>
            %broadcast_in_dim3A_183 = vector.broadcast %jit3A_181 : i32 to vector<16xi32>
            %select_n3A_184 = arith.select %ge3A_173, %broadcast_in_dim3A_182, %broadcast_in_dim3A_183 : vector<16xi1>, vector<16xi32>
            %mul3A_185 = arith.constant 16 : i32
            %mul3A_186 = vector.broadcast %mul3A_185 : i32 to vector<16xi32>
            %mul3A_187 = arith.muli %sub3A_179, %mul3A_186 : vector<16xi32>
            %add3A_188 = arith.addi %mul3A_187, %iota3A : vector<16xi32>
            tpu.vector_store_idx %arg7[%add3A_188], %select_n3A_184 {add = true} : memref<40960xi32, #tpu.memory_space<vmem>>[vector<16xi32>], vector<16xi32>,
            %mul3A_189 = arith.constant 10 : i32
            %mul3A_190 = arith.muli %scan3A_97, %mul3A_189 : i32
            %add3A_191 = arith.constant 3 : i32
            %add3A_192 = arith.addi %mul3A_190, %add3A_191 : i32
            %mul3A_193 = arith.constant 16 : i32
            %mul3A_194 = arith.muli %add3A_192, %mul3A_193 : i32
            %get3A_195 = arith.index_cast %mul3A_194 : i32 to index
            %get3A_196 = tpu.vector_load %arg9[%get3A_195] {strides = array<i32>} : memref<1600xf32, #tpu.memory_space<vmem>>, vector<16xf32>,
            %get3A_197 = arith.index_cast %mul3A_194 : i32 to index
            %get3A_198 = tpu.vector_load %arg11[%get3A_197] {strides = array<i32>} : memref<1600xi32, #tpu.memory_space<vmem>>, vector<16xi32>,
            %mul3A_199 = arith.constant 16 : i32
            %mul3A_200 = vector.broadcast %mul3A_199 : i32 to vector<16xi32>
            %mul3A_201 = arith.muli %get3A_198, %mul3A_200 : vector<16xi32>
            %add3A_202 = arith.addi %mul3A_201, %iota3A : vector<16xi32>
            tpu.vector_store_idx %arg6[%add3A_202], %get3A_196 {add = true} : memref<81920xf32, #tpu.memory_space<vmem>>[vector<16xi32>], vector<16xf32>,
            %ge3A_203 = arith.constant 2560 : i32
            %ge3A_204 = vector.broadcast %ge3A_203 : i32 to vector<16xi32>
            %ge3A_205 = arith.cmpi sge, %get3A_198, %ge3A_204 : vector<16xi32>
            %jit3A_206 = arith.constant 2560 : i32
            %jit3A_207 = arith.constant 0 : i32
            %broadcast_in_dim3A_208 = vector.broadcast %jit3A_206 : i32 to vector<16xi32>
            %broadcast_in_dim3A_209 = vector.broadcast %jit3A_207 : i32 to vector<16xi32>
            %select_n3A_210 = arith.select %ge3A_205, %broadcast_in_dim3A_208, %broadcast_in_dim3A_209 : vector<16xi1>, vector<16xi32>
            %sub3A_211 = arith.subi %get3A_198, %select_n3A_210 : vector<16xi32>
            %jit3A_212 = arith.constant 65536 : i32
            %jit3A_213 = arith.constant 1 : i32
            %broadcast_in_dim3A_214 = vector.broadcast %jit3A_212 : i32 to vector<16xi32>
            %broadcast_in_dim3A_215 = vector.broadcast %jit3A_213 : i32 to vector<16xi32>
            %select_n3A_216 = arith.select %ge3A_205, %broadcast_in_dim3A_214, %broadcast_in_dim3A_215 : vector<16xi1>, vector<16xi32>
            %mul3A_217 = arith.constant 16 : i32
            %mul3A_218 = vector.broadcast %mul3A_217 : i32 to vector<16xi32>
            %mul3A_219 = arith.muli %sub3A_211, %mul3A_218 : vector<16xi32>
            %add3A_220 = arith.addi %mul3A_219, %iota3A : vector<16xi32>
            tpu.vector_store_idx %arg7[%add3A_220], %select_n3A_216 {add = true} : memref<40960xi32, #tpu.memory_space<vmem>>[vector<16xi32>], vector<16xi32>,
            %mul3A_221 = arith.constant 10 : i32
            %mul3A_222 = arith.muli %scan3A_97, %mul3A_221 : i32
            %add3A_223 = arith.constant 4 : i32
            %add3A_224 = arith.addi %mul3A_222, %add3A_223 : i32
            %mul3A_225 = arith.constant 16 : i32
            %mul3A_226 = arith.muli %add3A_224, %mul3A_225 : i32
            %get3A_227 = arith.index_cast %mul3A_226 : i32 to index
            %get3A_228 = tpu.vector_load %arg9[%get3A_227] {strides = array<i32>} : memref<1600xf32, #tpu.memory_space<vmem>>, vector<16xf32>,
            %get3A_229 = arith.index_cast %mul3A_226 : i32 to index
            %get3A_230 = tpu.vector_load %arg11[%get3A_229] {strides = array<i32>} : memref<1600xi32, #tpu.memory_space<vmem>>, vector<16xi32>,
            %mul3A_231 = arith.constant 16 : i32
            %mul3A_232 = vector.broadcast %mul3A_231 : i32 to vector<16xi32>
            %mul3A_233 = arith.muli %get3A_230, %mul3A_232 : vector<16xi32>
            %add3A_234 = arith.addi %mul3A_233, %iota3A : vector<16xi32>
            tpu.vector_store_idx %arg6[%add3A_234], %get3A_228 {add = true} : memref<81920xf32, #tpu.memory_space<vmem>>[vector<16xi32>], vector<16xf32>,
            %ge3A_235 = arith.constant 2560 : i32
            %ge3A_236 = vector.broadcast %ge3A_235 : i32 to vector<16xi32>
            %ge3A_237 = arith.cmpi sge, %get3A_230, %ge3A_236 : vector<16xi32>
            %jit3A_238 = arith.constant 2560 : i32
            %jit3A_239 = arith.constant 0 : i32
            %broadcast_in_dim3A_240 = vector.broadcast %jit3A_238 : i32 to vector<16xi32>
            %broadcast_in_dim3A_241 = vector.broadcast %jit3A_239 : i32 to vector<16xi32>
            %select_n3A_242 = arith.select %ge3A_237, %broadcast_in_dim3A_240, %broadcast_in_dim3A_241 : vector<16xi1>, vector<16xi32>
            %sub3A_243 = arith.subi %get3A_230, %select_n3A_242 : vector<16xi32>
            %jit3A_244 = arith.constant 65536 : i32
            %jit3A_245 = arith.constant 1 : i32
            %broadcast_in_dim3A_246 = vector.broadcast %jit3A_244 : i32 to vector<16xi32>
            %broadcast_in_dim3A_247 = vector.broadcast %jit3A_245 : i32 to vector<16xi32>
            %select_n3A_248 = arith.select %ge3A_237, %broadcast_in_dim3A_246, %broadcast_in_dim3A_247 : vector<16xi1>, vector<16xi32>
            %mul3A_249 = arith.constant 16 : i32
            %mul3A_250 = vector.broadcast %mul3A_249 : i32 to vector<16xi32>
            %mul3A_251 = arith.muli %sub3A_243, %mul3A_250 : vector<16xi32>
            %add3A_252 = arith.addi %mul3A_251, %iota3A : vector<16xi32>
            tpu.vector_store_idx %arg7[%add3A_252], %select_n3A_248 {add = true} : memref<40960xi32, #tpu.memory_space<vmem>>[vector<16xi32>], vector<16xi32>,
            %mul3A_253 = arith.constant 10 : i32
            %mul3A_254 = arith.muli %scan3A_97, %mul3A_253 : i32
            %add3A_255 = arith.constant 5 : i32
            %add3A_256 = arith.addi %mul3A_254, %add3A_255 : i32
            %mul3A_257 = arith.constant 16 : i32
            %mul3A_258 = arith.muli %add3A_256, %mul3A_257 : i32
            %get3A_259 = arith.index_cast %mul3A_258 : i32 to index
            %get3A_260 = tpu.vector_load %arg9[%get3A_259] {strides = array<i32>} : memref<1600xf32, #tpu.memory_space<vmem>>, vector<16xf32>,
            %get3A_261 = arith.index_cast %mul3A_258 : i32 to index
            %get3A_262 = tpu.vector_load %arg11[%get3A_261] {strides = array<i32>} : memref<1600xi32, #tpu.memory_space<vmem>>, vector<16xi32>,
            %mul3A_263 = arith.constant 16 : i32
            %mul3A_264 = vector.broadcast %mul3A_263 : i32 to vector<16xi32>
            %mul3A_265 = arith.muli %get3A_262, %mul3A_264 : vector<16xi32>
            %add3A_266 = arith.addi %mul3A_265, %iota3A : vector<16xi32>
            tpu.vector_store_idx %arg6[%add3A_266], %get3A_260 {add = true} : memref<81920xf32, #tpu.memory_space<vmem>>[vector<16xi32>], vector<16xf32>,
            %ge3A_267 = arith.constant 2560 : i32
            %ge3A_268 = vector.broadcast %ge3A_267 : i32 to vector<16xi32>
            %ge3A_269 = arith.cmpi sge, %get3A_262, %ge3A_268 : vector<16xi32>
            %jit3A_270 = arith.constant 2560 : i32
            %jit3A_271 = arith.constant 0 : i32
            %broadcast_in_dim3A_272 = vector.broadcast %jit3A_270 : i32 to vector<16xi32>
            %broadcast_in_dim3A_273 = vector.broadcast %jit3A_271 : i32 to vector<16xi32>
            %select_n3A_274 = arith.select %ge3A_269, %broadcast_in_dim3A_272, %broadcast_in_dim3A_273 : vector<16xi1>, vector<16xi32>
            %sub3A_275 = arith.subi %get3A_262, %select_n3A_274 : vector<16xi32>
            %jit3A_276 = arith.constant 65536 : i32
            %jit3A_277 = arith.constant 1 : i32
            %broadcast_in_dim3A_278 = vector.broadcast %jit3A_276 : i32 to vector<16xi32>
            %broadcast_in_dim3A_279 = vector.broadcast %jit3A_277 : i32 to vector<16xi32>
            %select_n3A_280 = arith.select %ge3A_269, %broadcast_in_dim3A_278, %broadcast_in_dim3A_279 : vector<16xi1>, vector<16xi32>
            %mul3A_281 = arith.constant 16 : i32
            %mul3A_282 = vector.broadcast %mul3A_281 : i32 to vector<16xi32>
            %mul3A_283 = arith.muli %sub3A_275, %mul3A_282 : vector<16xi32>
            %add3A_284 = arith.addi %mul3A_283, %iota3A : vector<16xi32>
            tpu.vector_store_idx %arg7[%add3A_284], %select_n3A_280 {add = true} : memref<40960xi32, #tpu.memory_space<vmem>>[vector<16xi32>], vector<16xi32>,
            %mul3A_285 = arith.constant 10 : i32
            %mul3A_286 = arith.muli %scan3A_97, %mul3A_285 : i32
            %add3A_287 = arith.constant 6 : i32
            %add3A_288 = arith.addi %mul3A_286, %add3A_287 : i32
            %mul3A_289 = arith.constant 16 : i32
            %mul3A_290 = arith.muli %add3A_288, %mul3A_289 : i32
            %get3A_291 = arith.index_cast %mul3A_290 : i32 to index
            %get3A_292 = tpu.vector_load %arg9[%get3A_291] {strides = array<i32>} : memref<1600xf32, #tpu.memory_space<vmem>>, vector<16xf32>,
            %get3A_293 = arith.index_cast %mul3A_290 : i32 to index
            %get3A_294 = tpu.vector_load %arg11[%get3A_293] {strides = array<i32>} : memref<1600xi32, #tpu.memory_space<vmem>>, vector<16xi32>,
            %mul3A_295 = arith.constant 16 : i32
            %mul3A_296 = vector.broadcast %mul3A_295 : i32 to vector<16xi32>
            %mul3A_297 = arith.muli %get3A_294, %mul3A_296 : vector<16xi32>
            %add3A_298 = arith.addi %mul3A_297, %iota3A : vector<16xi32>
            tpu.vector_store_idx %arg6[%add3A_298], %get3A_292 {add = true} : memref<81920xf32, #tpu.memory_space<vmem>>[vector<16xi32>], vector<16xf32>,
            %ge3A_299 = arith.constant 2560 : i32
            %ge3A_300 = vector.broadcast %ge3A_299 : i32 to vector<16xi32>
            %ge3A_301 = arith.cmpi sge, %get3A_294, %ge3A_300 : vector<16xi32>
            %jit3A_302 = arith.constant 2560 : i32
            %jit3A_303 = arith.constant 0 : i32
            %broadcast_in_dim3A_304 = vector.broadcast %jit3A_302 : i32 to vector<16xi32>
            %broadcast_in_dim3A_305 = vector.broadcast %jit3A_303 : i32 to vector<16xi32>
            %select_n3A_306 = arith.select %ge3A_301, %broadcast_in_dim3A_304, %broadcast_in_dim3A_305 : vector<16xi1>, vector<16xi32>
            %sub3A_307 = arith.subi %get3A_294, %select_n3A_306 : vector<16xi32>
            %jit3A_308 = arith.constant 65536 : i32
            %jit3A_309 = arith.constant 1 : i32
            %broadcast_in_dim3A_310 = vector.broadcast %jit3A_308 : i32 to vector<16xi32>
            %broadcast_in_dim3A_311 = vector.broadcast %jit3A_309 : i32 to vector<16xi32>
            %select_n3A_312 = arith.select %ge3A_301, %broadcast_in_dim3A_310, %broadcast_in_dim3A_311 : vector<16xi1>, vector<16xi32>
            %mul3A_313 = arith.constant 16 : i32
            %mul3A_314 = vector.broadcast %mul3A_313 : i32 to vector<16xi32>
            %mul3A_315 = arith.muli %sub3A_307, %mul3A_314 : vector<16xi32>
            %add3A_316 = arith.addi %mul3A_315, %iota3A : vector<16xi32>
            tpu.vector_store_idx %arg7[%add3A_316], %select_n3A_312 {add = true} : memref<40960xi32, #tpu.memory_space<vmem>>[vector<16xi32>], vector<16xi32>,
            %mul3A_317 = arith.constant 10 : i32
            %mul3A_318 = arith.muli %scan3A_97, %mul3A_317 : i32
            %add3A_319 = arith.constant 7 : i32
            %add3A_320 = arith.addi %mul3A_318, %add3A_319 : i32
            %mul3A_321 = arith.constant 16 : i32
            %mul3A_322 = arith.muli %add3A_320, %mul3A_321 : i32
            %get3A_323 = arith.index_cast %mul3A_322 : i32 to index
            %get3A_324 = tpu.vector_load %arg9[%get3A_323] {strides = array<i32>} : memref<1600xf32, #tpu.memory_space<vmem>>, vector<16xf32>,
            %get3A_325 = arith.index_cast %mul3A_322 : i32 to index
            %get3A_326 = tpu.vector_load %arg11[%get3A_325] {strides = array<i32>} : memref<1600xi32, #tpu.memory_space<vmem>>, vector<16xi32>,
            %mul3A_327 = arith.constant 16 : i32
            %mul3A_328 = vector.broadcast %mul3A_327 : i32 to vector<16xi32>
            %mul3A_329 = arith.muli %get3A_326, %mul3A_328 : vector<16xi32>
            %add3A_330 = arith.addi %mul3A_329, %iota3A : vector<16xi32>
            tpu.vector_store_idx %arg6[%add3A_330], %get3A_324 {add = true} : memref<81920xf32, #tpu.memory_space<vmem>>[vector<16xi32>], vector<16xf32>,
            %ge3A_331 = arith.constant 2560 : i32
            %ge3A_332 = vector.broadcast %ge3A_331 : i32 to vector<16xi32>
            %ge3A_333 = arith.cmpi sge, %get3A_326, %ge3A_332 : vector<16xi32>
            %jit3A_334 = arith.constant 2560 : i32
            %jit3A_335 = arith.constant 0 : i32
            %broadcast_in_dim3A_336 = vector.broadcast %jit3A_334 : i32 to vector<16xi32>
            %broadcast_in_dim3A_337 = vector.broadcast %jit3A_335 : i32 to vector<16xi32>
            %select_n3A_338 = arith.select %ge3A_333, %broadcast_in_dim3A_336, %broadcast_in_dim3A_337 : vector<16xi1>, vector<16xi32>
            %sub3A_339 = arith.subi %get3A_326, %select_n3A_338 : vector<16xi32>
            %jit3A_340 = arith.constant 65536 : i32
            %jit3A_341 = arith.constant 1 : i32
            %broadcast_in_dim3A_342 = vector.broadcast %jit3A_340 : i32 to vector<16xi32>
            %broadcast_in_dim3A_343 = vector.broadcast %jit3A_341 : i32 to vector<16xi32>
            %select_n3A_344 = arith.select %ge3A_333, %broadcast_in_dim3A_342, %broadcast_in_dim3A_343 : vector<16xi1>, vector<16xi32>
            %mul3A_345 = arith.constant 16 : i32
            %mul3A_346 = vector.broadcast %mul3A_345 : i32 to vector<16xi32>
            %mul3A_347 = arith.muli %sub3A_339, %mul3A_346 : vector<16xi32>
            %add3A_348 = arith.addi %mul3A_347, %iota3A : vector<16xi32>
            tpu.vector_store_idx %arg7[%add3A_348], %select_n3A_344 {add = true} : memref<40960xi32, #tpu.memory_space<vmem>>[vector<16xi32>], vector<16xi32>,
            %mul3A_349 = arith.constant 10 : i32
            %mul3A_350 = arith.muli %scan3A_97, %mul3A_349 : i32
            %add3A_351 = arith.constant 8 : i32
            %add3A_352 = arith.addi %mul3A_350, %add3A_351 : i32
            %mul3A_353 = arith.constant 16 : i32
            %mul3A_354 = arith.muli %add3A_352, %mul3A_353 : i32
            %get3A_355 = arith.index_cast %mul3A_354 : i32 to index
            %get3A_356 = tpu.vector_load %arg9[%get3A_355] {strides = array<i32>} : memref<1600xf32, #tpu.memory_space<vmem>>, vector<16xf32>,
            %get3A_357 = arith.index_cast %mul3A_354 : i32 to index
            %get3A_358 = tpu.vector_load %arg11[%get3A_357] {strides = array<i32>} : memref<1600xi32, #tpu.memory_space<vmem>>, vector<16xi32>,
            %mul3A_359 = arith.constant 16 : i32
            %mul3A_360 = vector.broadcast %mul3A_359 : i32 to vector<16xi32>
            %mul3A_361 = arith.muli %get3A_358, %mul3A_360 : vector<16xi32>
            %add3A_362 = arith.addi %mul3A_361, %iota3A : vector<16xi32>
            tpu.vector_store_idx %arg6[%add3A_362], %get3A_356 {add = true} : memref<81920xf32, #tpu.memory_space<vmem>>[vector<16xi32>], vector<16xf32>,
            %ge3A_363 = arith.constant 2560 : i32
            %ge3A_364 = vector.broadcast %ge3A_363 : i32 to vector<16xi32>
            %ge3A_365 = arith.cmpi sge, %get3A_358, %ge3A_364 : vector<16xi32>
            %jit3A_366 = arith.constant 2560 : i32
            %jit3A_367 = arith.constant 0 : i32
            %broadcast_in_dim3A_368 = vector.broadcast %jit3A_366 : i32 to vector<16xi32>
            %broadcast_in_dim3A_369 = vector.broadcast %jit3A_367 : i32 to vector<16xi32>
            %select_n3A_370 = arith.select %ge3A_365, %broadcast_in_dim3A_368, %broadcast_in_dim3A_369 : vector<16xi1>, vector<16xi32>
            %sub3A_371 = arith.subi %get3A_358, %select_n3A_370 : vector<16xi32>
            %jit3A_372 = arith.constant 65536 : i32
            %jit3A_373 = arith.constant 1 : i32
            %broadcast_in_dim3A_374 = vector.broadcast %jit3A_372 : i32 to vector<16xi32>
            %broadcast_in_dim3A_375 = vector.broadcast %jit3A_373 : i32 to vector<16xi32>
            %select_n3A_376 = arith.select %ge3A_365, %broadcast_in_dim3A_374, %broadcast_in_dim3A_375 : vector<16xi1>, vector<16xi32>
            %mul3A_377 = arith.constant 16 : i32
            %mul3A_378 = vector.broadcast %mul3A_377 : i32 to vector<16xi32>
            %mul3A_379 = arith.muli %sub3A_371, %mul3A_378 : vector<16xi32>
            %add3A_380 = arith.addi %mul3A_379, %iota3A : vector<16xi32>
            tpu.vector_store_idx %arg7[%add3A_380], %select_n3A_376 {add = true} : memref<40960xi32, #tpu.memory_space<vmem>>[vector<16xi32>], vector<16xi32>,
            %mul3A_381 = arith.constant 10 : i32
            %mul3A_382 = arith.muli %scan3A_97, %mul3A_381 : i32
            %add3A_383 = arith.constant 9 : i32
            %add3A_384 = arith.addi %mul3A_382, %add3A_383 : i32
            %mul3A_385 = arith.constant 16 : i32
            %mul3A_386 = arith.muli %add3A_384, %mul3A_385 : i32
            %get3A_387 = arith.index_cast %mul3A_386 : i32 to index
            %get3A_388 = tpu.vector_load %arg9[%get3A_387] {strides = array<i32>} : memref<1600xf32, #tpu.memory_space<vmem>>, vector<16xf32>,
            %get3A_389 = arith.index_cast %mul3A_386 : i32 to index
            %get3A_390 = tpu.vector_load %arg11[%get3A_389] {strides = array<i32>} : memref<1600xi32, #tpu.memory_space<vmem>>, vector<16xi32>,
            %mul3A_391 = arith.constant 16 : i32
            %mul3A_392 = vector.broadcast %mul3A_391 : i32 to vector<16xi32>
            %mul3A_393 = arith.muli %get3A_390, %mul3A_392 : vector<16xi32>
            %add3A_394 = arith.addi %mul3A_393, %iota3A : vector<16xi32>
            tpu.vector_store_idx %arg6[%add3A_394], %get3A_388 {add = true} : memref<81920xf32, #tpu.memory_space<vmem>>[vector<16xi32>], vector<16xf32>,
            %ge3A_395 = arith.constant 2560 : i32
            %ge3A_396 = vector.broadcast %ge3A_395 : i32 to vector<16xi32>
            %ge3A_397 = arith.cmpi sge, %get3A_390, %ge3A_396 : vector<16xi32>
            %jit3A_398 = arith.constant 2560 : i32
            %jit3A_399 = arith.constant 0 : i32
            %broadcast_in_dim3A_400 = vector.broadcast %jit3A_398 : i32 to vector<16xi32>
            %broadcast_in_dim3A_401 = vector.broadcast %jit3A_399 : i32 to vector<16xi32>
            %select_n3A_402 = arith.select %ge3A_397, %broadcast_in_dim3A_400, %broadcast_in_dim3A_401 : vector<16xi1>, vector<16xi32>
            %sub3A_403 = arith.subi %get3A_390, %select_n3A_402 : vector<16xi32>
            %jit3A_404 = arith.constant 65536 : i32
            %jit3A_405 = arith.constant 1 : i32
            %broadcast_in_dim3A_406 = vector.broadcast %jit3A_404 : i32 to vector<16xi32>
            %broadcast_in_dim3A_407 = vector.broadcast %jit3A_405 : i32 to vector<16xi32>
            %select_n3A_408 = arith.select %ge3A_397, %broadcast_in_dim3A_406, %broadcast_in_dim3A_407 : vector<16xi1>, vector<16xi32>
            %mul3A_409 = arith.constant 16 : i32
            %mul3A_410 = vector.broadcast %mul3A_409 : i32 to vector<16xi32>
            %mul3A_411 = arith.muli %sub3A_403, %mul3A_410 : vector<16xi32>
            %add3A_412 = arith.addi %mul3A_411, %iota3A : vector<16xi32>
            tpu.vector_store_idx %arg7[%add3A_412], %select_n3A_408 {add = true} : memref<40960xi32, #tpu.memory_space<vmem>>[vector<16xi32>], vector<16xi32>,
          }
          %scan3A_96 = arith.constant 10 : i32
        } else {
        }
      } else {
      }
    }
    %scan3A_30 = arith.constant 10 : i32
    %scan3A_31 = arith.constant 0 : i32
    %scan3A_32 = arith.constant 0 : i32
    %scan3A_33 = arith.constant 320 : i32
    %scan3A_34 = arith.addi %scan3A_32, %scan3A_33 : i32
    %scan3A_35 = arith.constant 1 : i32
    scf.for %scan3A_43 = %scan3A_32 to %scan3A_34 step %scan3A_35  : i32 {
      %mul3A_44 = arith.constant 256 : i32
      %mul3A_45 = arith.muli %scan3A_43, %mul3A_44 : i32
      %add3A_46 = vector.broadcast %mul3A_45 : i32 to vector<16xi32>
      %add3A_47 = arith.addi %mul3A_3, %add3A_46 : vector<16xi32>
      %gather3A = tpu.vector_load_idx %arg6[%add3A_47] : memref<81920xf32, #tpu.memory_space<vmem>>[vector<16xi32>], vector<16xf32>,
      %add3A_48 = arith.constant 1 : i32
      %add3A_49 = arith.addi %mul3A_45, %add3A_48 : i32
      %add3A_50 = vector.broadcast %add3A_49 : i32 to vector<16xi32>
      %add3A_51 = arith.addi %mul3A_3, %add3A_50 : vector<16xi32>
      %gather3A_52 = tpu.vector_load_idx %arg6[%add3A_51] : memref<81920xf32, #tpu.memory_space<vmem>>[vector<16xi32>], vector<16xf32>,
      %add3A_53 = arith.addf %gather3A, %gather3A_52 : vector<16xf32>
      %add3A_54 = arith.constant 2 : i32
      %add3A_55 = arith.addi %mul3A_45, %add3A_54 : i32
      %add3A_56 = vector.broadcast %add3A_55 : i32 to vector<16xi32>
      %add3A_57 = arith.addi %mul3A_3, %add3A_56 : vector<16xi32>
      %gather3A_58 = tpu.vector_load_idx %arg6[%add3A_57] : memref<81920xf32, #tpu.memory_space<vmem>>[vector<16xi32>], vector<16xf32>,
      %add3A_59 = arith.addf %add3A_53, %gather3A_58 : vector<16xf32>
      %add3A_60 = arith.constant 3 : i32
      %add3A_61 = arith.addi %mul3A_45, %add3A_60 : i32
      %add3A_62 = vector.broadcast %add3A_61 : i32 to vector<16xi32>
      %add3A_63 = arith.addi %mul3A_3, %add3A_62 : vector<16xi32>
      %gather3A_64 = tpu.vector_load_idx %arg6[%add3A_63] : memref<81920xf32, #tpu.memory_space<vmem>>[vector<16xi32>], vector<16xf32>,
      %add3A_65 = arith.addf %add3A_59, %gather3A_64 : vector<16xf32>
      %add3A_66 = arith.constant 4 : i32
      %add3A_67 = arith.addi %mul3A_45, %add3A_66 : i32
      %add3A_68 = vector.broadcast %add3A_67 : i32 to vector<16xi32>
      %add3A_69 = arith.addi %mul3A_3, %add3A_68 : vector<16xi32>
      %gather3A_70 = tpu.vector_load_idx %arg6[%add3A_69] : memref<81920xf32, #tpu.memory_space<vmem>>[vector<16xi32>], vector<16xf32>,
      %add3A_71 = arith.addf %add3A_65, %gather3A_70 : vector<16xf32>
      %add3A_72 = arith.constant 5 : i32
      %add3A_73 = arith.addi %mul3A_45, %add3A_72 : i32
      %add3A_74 = vector.broadcast %add3A_73 : i32 to vector<16xi32>
      %add3A_75 = arith.addi %mul3A_3, %add3A_74 : vector<16xi32>
      %gather3A_76 = tpu.vector_load_idx %arg6[%add3A_75] : memref<81920xf32, #tpu.memory_space<vmem>>[vector<16xi32>], vector<16xf32>,
      %add3A_77 = arith.addf %add3A_71, %gather3A_76 : vector<16xf32>
      %add3A_78 = arith.constant 6 : i32
      %add3A_79 = arith.addi %mul3A_45, %add3A_78 : i32
      %add3A_80 = vector.broadcast %add3A_79 : i32 to vector<16xi32>
      %add3A_81 = arith.addi %mul3A_3, %add3A_80 : vector<16xi32>
      %gather3A_82 = tpu.vector_load_idx %arg6[%add3A_81] : memref<81920xf32, #tpu.memory_space<vmem>>[vector<16xi32>], vector<16xf32>,
      %add3A_83 = arith.addf %add3A_77, %gather3A_82 : vector<16xf32>
      %add3A_84 = arith.constant 7 : i32
      %add3A_85 = arith.addi %mul3A_45, %add3A_84 : i32
      %add3A_86 = vector.broadcast %add3A_85 : i32 to vector<16xi32>
      %add3A_87 = arith.addi %mul3A_3, %add3A_86 : vector<16xi32>
      %gather3A_88 = tpu.vector_load_idx %arg6[%add3A_87] : memref<81920xf32, #tpu.memory_space<vmem>>[vector<16xi32>], vector<16xf32>,
      %add3A_89 = arith.addf %add3A_83, %gather3A_88 : vector<16xf32>
      %add3A_90 = arith.constant 8 : i32
      %add3A_91 = arith.addi %mul3A_45, %add3A_90 : i32
      %add3A_92 = vector.broadcast %add3A_91 : i32 to vector<16xi32>
      %add3A_93 = arith.addi %mul3A_3, %add3A_92 : vector<16xi32>
      %gather3A_94 = tpu.vector_load_idx %arg6[%add3A_93] : memref<81920xf32, #tpu.memory_space<vmem>>[vector<16xi32>], vector<16xf32>,
      %add3A_95 = arith.addf %add3A_89, %gather3A_94 : vector<16xf32>
      %add3A_96 = arith.constant 9 : i32
      %add3A_97 = arith.addi %mul3A_45, %add3A_96 : i32
      %add3A_98 = vector.broadcast %add3A_97 : i32 to vector<16xi32>
      %add3A_99 = arith.addi %mul3A_3, %add3A_98 : vector<16xi32>
      %gather3A_100 = tpu.vector_load_idx %arg6[%add3A_99] : memref<81920xf32, #tpu.memory_space<vmem>>[vector<16xi32>], vector<16xf32>,
      %add3A_101 = arith.addf %add3A_95, %gather3A_100 : vector<16xf32>
      %add3A_102 = arith.constant 10 : i32
      %add3A_103 = arith.addi %mul3A_45, %add3A_102 : i32
      %add3A_104 = vector.broadcast %add3A_103 : i32 to vector<16xi32>
      %add3A_105 = arith.addi %mul3A_3, %add3A_104 : vector<16xi32>
      %gather3A_106 = tpu.vector_load_idx %arg6[%add3A_105] : memref<81920xf32, #tpu.memory_space<vmem>>[vector<16xi32>], vector<16xf32>,
      %add3A_107 = arith.addf %add3A_101, %gather3A_106 : vector<16xf32>
      %add3A_108 = arith.constant 11 : i32
      %add3A_109 = arith.addi %mul3A_45, %add3A_108 : i32
      %add3A_110 = vector.broadcast %add3A_109 : i32 to vector<16xi32>
      %add3A_111 = arith.addi %mul3A_3, %add3A_110 : vector<16xi32>
      %gather3A_112 = tpu.vector_load_idx %arg6[%add3A_111] : memref<81920xf32, #tpu.memory_space<vmem>>[vector<16xi32>], vector<16xf32>,
      %add3A_113 = arith.addf %add3A_107, %gather3A_112 : vector<16xf32>
      %add3A_114 = arith.constant 12 : i32
      %add3A_115 = arith.addi %mul3A_45, %add3A_114 : i32
      %add3A_116 = vector.broadcast %add3A_115 : i32 to vector<16xi32>
      %add3A_117 = arith.addi %mul3A_3, %add3A_116 : vector<16xi32>
      %gather3A_118 = tpu.vector_load_idx %arg6[%add3A_117] : memref<81920xf32, #tpu.memory_space<vmem>>[vector<16xi32>], vector<16xf32>,
      %add3A_119 = arith.addf %add3A_113, %gather3A_118 : vector<16xf32>
      %add3A_120 = arith.constant 13 : i32
      %add3A_121 = arith.addi %mul3A_45, %add3A_120 : i32
      %add3A_122 = vector.broadcast %add3A_121 : i32 to vector<16xi32>
      %add3A_123 = arith.addi %mul3A_3, %add3A_122 : vector<16xi32>
      %gather3A_124 = tpu.vector_load_idx %arg6[%add3A_123] : memref<81920xf32, #tpu.memory_space<vmem>>[vector<16xi32>], vector<16xf32>,
      %add3A_125 = arith.addf %add3A_119, %gather3A_124 : vector<16xf32>
      %add3A_126 = arith.constant 14 : i32
      %add3A_127 = arith.addi %mul3A_45, %add3A_126 : i32
      %add3A_128 = vector.broadcast %add3A_127 : i32 to vector<16xi32>
      %add3A_129 = arith.addi %mul3A_3, %add3A_128 : vector<16xi32>
      %gather3A_130 = tpu.vector_load_idx %arg6[%add3A_129] : memref<81920xf32, #tpu.memory_space<vmem>>[vector<16xi32>], vector<16xf32>,
      %add3A_131 = arith.addf %add3A_125, %gather3A_130 : vector<16xf32>
      %add3A_132 = arith.constant 15 : i32
      %add3A_133 = arith.addi %mul3A_45, %add3A_132 : i32
      %add3A_134 = vector.broadcast %add3A_133 : i32 to vector<16xi32>
      %add3A_135 = arith.addi %mul3A_3, %add3A_134 : vector<16xi32>
      %gather3A_136 = tpu.vector_load_idx %arg6[%add3A_135] : memref<81920xf32, #tpu.memory_space<vmem>>[vector<16xi32>], vector<16xf32>,
      %add3A_137 = arith.addf %add3A_131, %gather3A_136 : vector<16xf32>
      %mul3A_138 = arith.constant 16 : i32
      %mul3A_139 = arith.muli %scan3A_43, %mul3A_138 : i32
      %swap3A = arith.index_cast %mul3A_139 : i32 to index
      %swap3A_140 = tpu.vector_load %arg6[%swap3A] {strides = array<i32>} : memref<81920xf32, #tpu.memory_space<vmem>>, vector<16xf32>,
      tpu.vector_store %arg6[%swap3A], %add3A_137 {strides = array<i32>} : memref<81920xf32, #tpu.memory_space<vmem>>, vector<16xf32>,
    }
    %scan3A_36 = arith.constant 320 : i32
    %scan3A_37 = arith.constant 0 : i32
    %scan3A_38 = arith.constant 0 : i32
    %scan3A_39 = arith.constant 160 : i32
    %scan3A_40 = arith.addi %scan3A_38, %scan3A_39 : i32
    %scan3A_41 = arith.constant 1 : i32
    scf.for %scan3A_43 = %scan3A_38 to %scan3A_40 step %scan3A_41  : i32 {
      %mul3A_44 = arith.constant 256 : i32
      %mul3A_45 = arith.muli %scan3A_43, %mul3A_44 : i32
      %add3A_46 = vector.broadcast %mul3A_45 : i32 to vector<16xi32>
      %add3A_47 = arith.addi %mul3A_3, %add3A_46 : vector<16xi32>
      %gather3A = tpu.vector_load_idx %arg7[%add3A_47] : memref<40960xi32, #tpu.memory_space<vmem>>[vector<16xi32>], vector<16xi32>,
      %add3A_48 = arith.constant 1 : i32
      %add3A_49 = arith.addi %mul3A_45, %add3A_48 : i32
      %add3A_50 = vector.broadcast %add3A_49 : i32 to vector<16xi32>
      %add3A_51 = arith.addi %mul3A_3, %add3A_50 : vector<16xi32>
      %gather3A_52 = tpu.vector_load_idx %arg7[%add3A_51] : memref<40960xi32, #tpu.memory_space<vmem>>[vector<16xi32>], vector<16xi32>,
      %add3A_53 = arith.addi %gather3A, %gather3A_52 : vector<16xi32>
      %add3A_54 = arith.constant 2 : i32
      %add3A_55 = arith.addi %mul3A_45, %add3A_54 : i32
      %add3A_56 = vector.broadcast %add3A_55 : i32 to vector<16xi32>
      %add3A_57 = arith.addi %mul3A_3, %add3A_56 : vector<16xi32>
      %gather3A_58 = tpu.vector_load_idx %arg7[%add3A_57] : memref<40960xi32, #tpu.memory_space<vmem>>[vector<16xi32>], vector<16xi32>,
      %add3A_59 = arith.addi %add3A_53, %gather3A_58 : vector<16xi32>
      %add3A_60 = arith.constant 3 : i32
      %add3A_61 = arith.addi %mul3A_45, %add3A_60 : i32
      %add3A_62 = vector.broadcast %add3A_61 : i32 to vector<16xi32>
      %add3A_63 = arith.addi %mul3A_3, %add3A_62 : vector<16xi32>
      %gather3A_64 = tpu.vector_load_idx %arg7[%add3A_63] : memref<40960xi32, #tpu.memory_space<vmem>>[vector<16xi32>], vector<16xi32>,
      %add3A_65 = arith.addi %add3A_59, %gather3A_64 : vector<16xi32>
      %add3A_66 = arith.constant 4 : i32
      %add3A_67 = arith.addi %mul3A_45, %add3A_66 : i32
      %add3A_68 = vector.broadcast %add3A_67 : i32 to vector<16xi32>
      %add3A_69 = arith.addi %mul3A_3, %add3A_68 : vector<16xi32>
      %gather3A_70 = tpu.vector_load_idx %arg7[%add3A_69] : memref<40960xi32, #tpu.memory_space<vmem>>[vector<16xi32>], vector<16xi32>,
      %add3A_71 = arith.addi %add3A_65, %gather3A_70 : vector<16xi32>
      %add3A_72 = arith.constant 5 : i32
      %add3A_73 = arith.addi %mul3A_45, %add3A_72 : i32
      %add3A_74 = vector.broadcast %add3A_73 : i32 to vector<16xi32>
      %add3A_75 = arith.addi %mul3A_3, %add3A_74 : vector<16xi32>
      %gather3A_76 = tpu.vector_load_idx %arg7[%add3A_75] : memref<40960xi32, #tpu.memory_space<vmem>>[vector<16xi32>], vector<16xi32>,
      %add3A_77 = arith.addi %add3A_71, %gather3A_76 : vector<16xi32>
      %add3A_78 = arith.constant 6 : i32
      %add3A_79 = arith.addi %mul3A_45, %add3A_78 : i32
      %add3A_80 = vector.broadcast %add3A_79 : i32 to vector<16xi32>
      %add3A_81 = arith.addi %mul3A_3, %add3A_80 : vector<16xi32>
      %gather3A_82 = tpu.vector_load_idx %arg7[%add3A_81] : memref<40960xi32, #tpu.memory_space<vmem>>[vector<16xi32>], vector<16xi32>,
      %add3A_83 = arith.addi %add3A_77, %gather3A_82 : vector<16xi32>
      %add3A_84 = arith.constant 7 : i32
      %add3A_85 = arith.addi %mul3A_45, %add3A_84 : i32
      %add3A_86 = vector.broadcast %add3A_85 : i32 to vector<16xi32>
      %add3A_87 = arith.addi %mul3A_3, %add3A_86 : vector<16xi32>
      %gather3A_88 = tpu.vector_load_idx %arg7[%add3A_87] : memref<40960xi32, #tpu.memory_space<vmem>>[vector<16xi32>], vector<16xi32>,
      %add3A_89 = arith.addi %add3A_83, %gather3A_88 : vector<16xi32>
      %add3A_90 = arith.constant 8 : i32
      %add3A_91 = arith.addi %mul3A_45, %add3A_90 : i32
      %add3A_92 = vector.broadcast %add3A_91 : i32 to vector<16xi32>
      %add3A_93 = arith.addi %mul3A_3, %add3A_92 : vector<16xi32>
      %gather3A_94 = tpu.vector_load_idx %arg7[%add3A_93] : memref<40960xi32, #tpu.memory_space<vmem>>[vector<16xi32>], vector<16xi32>,
      %add3A_95 = arith.addi %add3A_89, %gather3A_94 : vector<16xi32>
      %add3A_96 = arith.constant 9 : i32
      %add3A_97 = arith.addi %mul3A_45, %add3A_96 : i32
      %add3A_98 = vector.broadcast %add3A_97 : i32 to vector<16xi32>
      %add3A_99 = arith.addi %mul3A_3, %add3A_98 : vector<16xi32>
      %gather3A_100 = tpu.vector_load_idx %arg7[%add3A_99] : memref<40960xi32, #tpu.memory_space<vmem>>[vector<16xi32>], vector<16xi32>,
      %add3A_101 = arith.addi %add3A_95, %gather3A_100 : vector<16xi32>
      %add3A_102 = arith.constant 10 : i32
      %add3A_103 = arith.addi %mul3A_45, %add3A_102 : i32
      %add3A_104 = vector.broadcast %add3A_103 : i32 to vector<16xi32>
      %add3A_105 = arith.addi %mul3A_3, %add3A_104 : vector<16xi32>
      %gather3A_106 = tpu.vector_load_idx %arg7[%add3A_105] : memref<40960xi32, #tpu.memory_space<vmem>>[vector<16xi32>], vector<16xi32>,
      %add3A_107 = arith.addi %add3A_101, %gather3A_106 : vector<16xi32>
      %add3A_108 = arith.constant 11 : i32
      %add3A_109 = arith.addi %mul3A_45, %add3A_108 : i32
      %add3A_110 = vector.broadcast %add3A_109 : i32 to vector<16xi32>
      %add3A_111 = arith.addi %mul3A_3, %add3A_110 : vector<16xi32>
      %gather3A_112 = tpu.vector_load_idx %arg7[%add3A_111] : memref<40960xi32, #tpu.memory_space<vmem>>[vector<16xi32>], vector<16xi32>,
      %add3A_113 = arith.addi %add3A_107, %gather3A_112 : vector<16xi32>
      %add3A_114 = arith.constant 12 : i32
      %add3A_115 = arith.addi %mul3A_45, %add3A_114 : i32
      %add3A_116 = vector.broadcast %add3A_115 : i32 to vector<16xi32>
      %add3A_117 = arith.addi %mul3A_3, %add3A_116 : vector<16xi32>
      %gather3A_118 = tpu.vector_load_idx %arg7[%add3A_117] : memref<40960xi32, #tpu.memory_space<vmem>>[vector<16xi32>], vector<16xi32>,
      %add3A_119 = arith.addi %add3A_113, %gather3A_118 : vector<16xi32>
      %add3A_120 = arith.constant 13 : i32
      %add3A_121 = arith.addi %mul3A_45, %add3A_120 : i32
      %add3A_122 = vector.broadcast %add3A_121 : i32 to vector<16xi32>
      %add3A_123 = arith.addi %mul3A_3, %add3A_122 : vector<16xi32>
      %gather3A_124 = tpu.vector_load_idx %arg7[%add3A_123] : memref<40960xi32, #tpu.memory_space<vmem>>[vector<16xi32>], vector<16xi32>,
      %add3A_125 = arith.addi %add3A_119, %gather3A_124 : vector<16xi32>
      %add3A_126 = arith.constant 14 : i32
      %add3A_127 = arith.addi %mul3A_45, %add3A_126 : i32
      %add3A_128 = vector.broadcast %add3A_127 : i32 to vector<16xi32>
      %add3A_129 = arith.addi %mul3A_3, %add3A_128 : vector<16xi32>
      %gather3A_130 = tpu.vector_load_idx %arg7[%add3A_129] : memref<40960xi32, #tpu.memory_space<vmem>>[vector<16xi32>], vector<16xi32>,
      %add3A_131 = arith.addi %add3A_125, %gather3A_130 : vector<16xi32>
      %add3A_132 = arith.constant 15 : i32
      %add3A_133 = arith.addi %mul3A_45, %add3A_132 : i32
      %add3A_134 = vector.broadcast %add3A_133 : i32 to vector<16xi32>
      %add3A_135 = arith.addi %mul3A_3, %add3A_134 : vector<16xi32>
      %gather3A_136 = tpu.vector_load_idx %arg7[%add3A_135] : memref<40960xi32, #tpu.memory_space<vmem>>[vector<16xi32>], vector<16xi32>,
      %add3A_137 = arith.addi %add3A_131, %gather3A_136 : vector<16xi32>
      %mul3A_138 = arith.constant 16 : i32
      %mul3A_139 = arith.muli %scan3A_43, %mul3A_138 : i32
      %swap3A = arith.index_cast %mul3A_139 : i32 to index
      %swap3A_140 = tpu.vector_load %arg7[%swap3A] {strides = array<i32>} : memref<40960xi32, #tpu.memory_space<vmem>>, vector<16xi32>,
      tpu.vector_store %arg7[%swap3A], %add3A_137 {strides = array<i32>} : memref<40960xi32, #tpu.memory_space<vmem>>, vector<16xi32>,
    }
    %scan3A_42 = arith.constant 160 : i32
    "tpu.region"() ({
      %run_scoped3A = tpu.sem_alloc : memref<!tpu.dma_semaphore, #tpu.memory_space<semaphore_mem>>
      %dma_start3A_43 = arith.constant 0 : i32
      %dma_start3A_44 = tpu.memref_slice %arg6[%dma_start3A_43] : memref<81920xf32, #tpu.memory_space<vmem>> -> memref<5120xf32, #tpu.memory_space<vmem>>
      %dma_start3A_45 = arith.constant 0 : i32
      %dma_start3A_46 = tpu.memref_slice %arg4[%add3A, %dma_start3A_45] : memref<32x5120xf32, #tpu.memory_space<hbm>> -> memref<1x5120xf32, #tpu.memory_space<hbm>>
      %dma_start3A_47 = tpu.memref_squeeze %dma_start3A_46 : memref<1x5120xf32, #tpu.memory_space<hbm>> -> memref<5120xf32, #tpu.memory_space<hbm>>
      %dma_start3A_48 = arith.constant 0 : i32
      %dma_start3A_49 = tpu.memref_slice %arg4[%add3A, %dma_start3A_48] : memref<32x5120xf32, #tpu.memory_space<hbm>> -> memref<1x5120xf32, #tpu.memory_space<hbm>>
      %dma_start3A_50 = tpu.memref_squeeze %dma_start3A_49 : memref<1x5120xf32, #tpu.memory_space<hbm>> -> memref<5120xf32, #tpu.memory_space<hbm>>
      %dma_start3A_51 = arith.constant 0 : i32
      %dma_start3A_52 = tpu.memref_slice %arg6[%dma_start3A_51] : memref<81920xf32, #tpu.memory_space<vmem>> -> memref<5120xf32, #tpu.memory_space<vmem>>
      tpu.enqueue_dma source(%dma_start3A_52 : memref<5120xf32, #tpu.memory_space<vmem>>) target(%dma_start3A_50 : memref<5120xf32, #tpu.memory_space<hbm>>) target_semaphore(%run_scoped3A : memref<!tpu.dma_semaphore, #tpu.memory_space<semaphore_mem>>)
      %dma_wait3A = arith.constant 0 : i32
      %dma_wait3A_53 = tpu.memref_slice %arg6[%dma_wait3A] : memref<81920xf32, #tpu.memory_space<vmem>> -> memref<5120xf32, #tpu.memory_space<vmem>>
      %dma_wait3A_54 = arith.constant 0 : i32
      %dma_wait3A_55 = tpu.memref_slice %arg4[%add3A, %dma_wait3A_54] : memref<32x5120xf32, #tpu.memory_space<hbm>> -> memref<1x5120xf32, #tpu.memory_space<hbm>>
      %dma_wait3A_56 = tpu.memref_squeeze %dma_wait3A_55 : memref<1x5120xf32, #tpu.memory_space<hbm>> -> memref<5120xf32, #tpu.memory_space<hbm>>
      %dma_wait3A_57 = arith.constant 0 : i32
      %dma_wait3A_58 = tpu.memref_slice %arg4[%add3A, %dma_wait3A_57] : memref<32x5120xf32, #tpu.memory_space<hbm>> -> memref<1x5120xf32, #tpu.memory_space<hbm>>
      %dma_wait3A_59 = tpu.memref_squeeze %dma_wait3A_58 : memref<1x5120xf32, #tpu.memory_space<hbm>> -> memref<5120xf32, #tpu.memory_space<hbm>>
      %dma_wait3A_60 = arith.constant 0 : i32
      %dma_wait3A_61 = tpu.memref_slice %arg6[%dma_wait3A_60] : memref<81920xf32, #tpu.memory_space<vmem>> -> memref<5120xf32, #tpu.memory_space<vmem>>
      tpu.wait_dma2 semaphore(%run_scoped3A : memref<!tpu.dma_semaphore, #tpu.memory_space<semaphore_mem>>) src(%dma_wait3A_61 : memref<5120xf32, #tpu.memory_space<vmem>>) dst(%dma_wait3A_59 : memref<5120xf32, #tpu.memory_space<hbm>>)
      tpu.yield
    }) : () -> ()
    "tpu.region"() ({
      %run_scoped3A = tpu.sem_alloc : memref<!tpu.dma_semaphore, #tpu.memory_space<semaphore_mem>>
      %dma_start3A_43 = arith.constant 0 : i32
      %dma_start3A_44 = tpu.memref_slice %arg7[%dma_start3A_43] : memref<40960xi32, #tpu.memory_space<vmem>> -> memref<2560xi32, #tpu.memory_space<vmem>>
      %dma_start3A_45 = arith.constant 0 : i32
      %dma_start3A_46 = tpu.memref_slice %arg5[%add3A, %dma_start3A_45] : memref<32x2560xi32, #tpu.memory_space<hbm>> -> memref<1x2560xi32, #tpu.memory_space<hbm>>
      %dma_start3A_47 = tpu.memref_squeeze %dma_start3A_46 : memref<1x2560xi32, #tpu.memory_space<hbm>> -> memref<2560xi32, #tpu.memory_space<hbm>>
      %dma_start3A_48 = arith.constant 0 : i32
      %dma_start3A_49 = tpu.memref_slice %arg5[%add3A, %dma_start3A_48] : memref<32x2560xi32, #tpu.memory_space<hbm>> -> memref<1x2560xi32, #tpu.memory_space<hbm>>
      %dma_start3A_50 = tpu.memref_squeeze %dma_start3A_49 : memref<1x2560xi32, #tpu.memory_space<hbm>> -> memref<2560xi32, #tpu.memory_space<hbm>>
      %dma_start3A_51 = arith.constant 0 : i32
      %dma_start3A_52 = tpu.memref_slice %arg7[%dma_start3A_51] : memref<40960xi32, #tpu.memory_space<vmem>> -> memref<2560xi32, #tpu.memory_space<vmem>>
      tpu.enqueue_dma source(%dma_start3A_52 : memref<2560xi32, #tpu.memory_space<vmem>>) target(%dma_start3A_50 : memref<2560xi32, #tpu.memory_space<hbm>>) target_semaphore(%run_scoped3A : memref<!tpu.dma_semaphore, #tpu.memory_space<semaphore_mem>>)
      %dma_wait3A = arith.constant 0 : i32
      %dma_wait3A_53 = tpu.memref_slice %arg7[%dma_wait3A] : memref<40960xi32, #tpu.memory_space<vmem>> -> memref<2560xi32, #tpu.memory_space<vmem>>
      %dma_wait3A_54 = arith.constant 0 : i32
      %dma_wait3A_55 = tpu.memref_slice %arg5[%add3A, %dma_wait3A_54] : memref<32x2560xi32, #tpu.memory_space<hbm>> -> memref<1x2560xi32, #tpu.memory_space<hbm>>
      %dma_wait3A_56 = tpu.memref_squeeze %dma_wait3A_55 : memref<1x2560xi32, #tpu.memory_space<hbm>> -> memref<2560xi32, #tpu.memory_space<hbm>>
      %dma_wait3A_57 = arith.constant 0 : i32
      %dma_wait3A_58 = tpu.memref_slice %arg5[%add3A, %dma_wait3A_57] : memref<32x2560xi32, #tpu.memory_space<hbm>> -> memref<1x2560xi32, #tpu.memory_space<hbm>>
      %dma_wait3A_59 = tpu.memref_squeeze %dma_wait3A_58 : memref<1x2560xi32, #tpu.memory_space<hbm>> -> memref<2560xi32, #tpu.memory_space<hbm>>
      %dma_wait3A_60 = arith.constant 0 : i32
      %dma_wait3A_61 = tpu.memref_slice %arg7[%dma_wait3A_60] : memref<40960xi32, #tpu.memory_space<vmem>> -> memref<2560xi32, #tpu.memory_space<vmem>>
      tpu.wait_dma2 semaphore(%run_scoped3A : memref<!tpu.dma_semaphore, #tpu.memory_space<semaphore_mem>>) src(%dma_wait3A_61 : memref<2560xi32, #tpu.memory_space<vmem>>) dst(%dma_wait3A_59 : memref<2560xi32, #tpu.memory_space<hbm>>)
      tpu.yield
    }) : () -> ()
    return
  }
}

#map = affine_map<(d0, d1) -> (0)>
#map1 = affine_map<(d0, d1) -> (0, 0)>
module attributes {stable_mosaic.version = 14 : i64} {
  func.func @_sc_body(%arg0: i32, %arg1: i32, %arg2: memref<1000000xf32, #tpu.memory_space<hbm>>, %arg3: memref<1000000xi32, #tpu.memory_space<hbm>>, %arg4: memref<32x5120xf32, #tpu.memory_space<hbm>>, %arg5: memref<32x2560xi32, #tpu.memory_space<hbm>>, %arg6: memref<81920xf32, #tpu.memory_space<vmem>>, %arg7: memref<40960xi32, #tpu.memory_space<vmem>>, %arg8: memref<1600xf32, #tpu.memory_space<vmem>>, %arg9: memref<1600xf32, #tpu.memory_space<vmem>>, %arg10: memref<1600xi32, #tpu.memory_space<vmem>>, %arg11: memref<1600xi32, #tpu.memory_space<vmem>>, %arg12: memref<!tpu.dma_semaphore, #tpu.memory_space<semaphore_mem>>) attributes {dimension_semantics = [#tpu.dimension_semantics<core_parallel>, #tpu.dimension_semantics<subcore_parallel>], iteration_bounds = array<i64: 2, 16>, scalar_prefetch = 0 : i64, scratch_operands = 7 : i64, tpu.core_type = #tpu.core_type<sc_vector_subcore>, window_params = [{transform_indices = #map}, {transform_indices = #map}, {transform_indices = #map1}, {transform_indices = #map1}]} {
    %mul3A = arith.constant 2 : i32
    %mul3A_0 = arith.muli %arg1, %mul3A : i32
    %add3A = arith.addi %mul3A_0, %arg0 : i32
    %iota3A = tpu.iota {dimensions = array<i32: 0>} : vector<16xi32>
    %mul3A_1 = arith.constant 16 : i32
    %mul3A_2 = vector.broadcast %mul3A_1 : i32 to vector<16xi32>
    %mul3A_3 = arith.muli %iota3A, %mul3A_2 : vector<16xi32>
    %broadcast_in_dim3A = arith.constant 0.000000e+00 : f32
    %broadcast_in_dim3A_4 = vector.broadcast %broadcast_in_dim3A : f32 to vector<16xf32>
    %broadcast_in_dim3A_5 = arith.constant 0 : i32
    %broadcast_in_dim3A_6 = vector.broadcast %broadcast_in_dim3A_5 : i32 to vector<16xi32>
    %scan3A = arith.constant 0 : i32
    %scan3A_7 = arith.constant 0 : i32
    %scan3A_8 = arith.constant 640 : i32
    %scan3A_9 = arith.addi %scan3A_7, %scan3A_8 : i32
    %scan3A_10 = arith.constant 1 : i32
    scf.for %scan3A_43 = %scan3A_7 to %scan3A_9 step %scan3A_10  : i32 {
      %mul3A_44 = arith.constant 8 : i32
      %mul3A_45 = arith.muli %scan3A_43, %mul3A_44 : i32
      %add3A_46 = arith.constant 0 : i32
      %add3A_47 = arith.addi %mul3A_45, %add3A_46 : i32
      %mul3A_48 = arith.constant 16 : i32
      %mul3A_49 = arith.muli %add3A_47, %mul3A_48 : i32
      %swap3A = arith.index_cast %mul3A_49 : i32 to index
      %swap3A_50 = tpu.vector_load %arg6[%swap3A] {strides = array<i32>} : memref<81920xf32, #tpu.memory_space<vmem>>, vector<16xf32>,
      tpu.vector_store %arg6[%swap3A], %broadcast_in_dim3A_4 {strides = array<i32>} : memref<81920xf32, #tpu.memory_space<vmem>>, vector<16xf32>,
      %mul3A_51 = arith.constant 8 : i32
      %mul3A_52 = arith.muli %scan3A_43, %mul3A_51 : i32
      %add3A_53 = arith.constant 1 : i32
      %add3A_54 = arith.addi %mul3A_52, %add3A_53 : i32
      %mul3A_55 = arith.constant 16 : i32
      %mul3A_56 = arith.muli %add3A_54, %mul3A_55 : i32
      %swap3A_57 = arith.index_cast %mul3A_56 : i32 to index
      %swap3A_58 = tpu.vector_load %arg6[%swap3A_57] {strides = array<i32>} : memref<81920xf32, #tpu.memory_space<vmem>>, vector<16xf32>,
      tpu.vector_store %arg6[%swap3A_57], %broadcast_in_dim3A_4 {strides = array<i32>} : memref<81920xf32, #tpu.memory_space<vmem>>, vector<16xf32>,
      %mul3A_59 = arith.constant 8 : i32
      %mul3A_60 = arith.muli %scan3A_43, %mul3A_59 : i32
      %add3A_61 = arith.constant 2 : i32
      %add3A_62 = arith.addi %mul3A_60, %add3A_61 : i32
      %mul3A_63 = arith.constant 16 : i32
      %mul3A_64 = arith.muli %add3A_62, %mul3A_63 : i32
      %swap3A_65 = arith.index_cast %mul3A_64 : i32 to index
      %swap3A_66 = tpu.vector_load %arg6[%swap3A_65] {strides = array<i32>} : memref<81920xf32, #tpu.memory_space<vmem>>, vector<16xf32>,
      tpu.vector_store %arg6[%swap3A_65], %broadcast_in_dim3A_4 {strides = array<i32>} : memref<81920xf32, #tpu.memory_space<vmem>>, vector<16xf32>,
      %mul3A_67 = arith.constant 8 : i32
      %mul3A_68 = arith.muli %scan3A_43, %mul3A_67 : i32
      %add3A_69 = arith.constant 3 : i32
      %add3A_70 = arith.addi %mul3A_68, %add3A_69 : i32
      %mul3A_71 = arith.constant 16 : i32
      %mul3A_72 = arith.muli %add3A_70, %mul3A_71 : i32
      %swap3A_73 = arith.index_cast %mul3A_72 : i32 to index
      %swap3A_74 = tpu.vector_load %arg6[%swap3A_73] {strides = array<i32>} : memref<81920xf32, #tpu.memory_space<vmem>>, vector<16xf32>,
      tpu.vector_store %arg6[%swap3A_73], %broadcast_in_dim3A_4 {strides = array<i32>} : memref<81920xf32, #tpu.memory_space<vmem>>, vector<16xf32>,
      %mul3A_75 = arith.constant 8 : i32
      %mul3A_76 = arith.muli %scan3A_43, %mul3A_75 : i32
      %add3A_77 = arith.constant 4 : i32
      %add3A_78 = arith.addi %mul3A_76, %add3A_77 : i32
      %mul3A_79 = arith.constant 16 : i32
      %mul3A_80 = arith.muli %add3A_78, %mul3A_79 : i32
      %swap3A_81 = arith.index_cast %mul3A_80 : i32 to index
      %swap3A_82 = tpu.vector_load %arg6[%swap3A_81] {strides = array<i32>} : memref<81920xf32, #tpu.memory_space<vmem>>, vector<16xf32>,
      tpu.vector_store %arg6[%swap3A_81], %broadcast_in_dim3A_4 {strides = array<i32>} : memref<81920xf32, #tpu.memory_space<vmem>>, vector<16xf32>,
      %mul3A_83 = arith.constant 8 : i32
      %mul3A_84 = arith.muli %scan3A_43, %mul3A_83 : i32
      %add3A_85 = arith.constant 5 : i32
      %add3A_86 = arith.addi %mul3A_84, %add3A_85 : i32
      %mul3A_87 = arith.constant 16 : i32
      %mul3A_88 = arith.muli %add3A_86, %mul3A_87 : i32
      %swap3A_89 = arith.index_cast %mul3A_88 : i32 to index
      %swap3A_90 = tpu.vector_load %arg6[%swap3A_89] {strides = array<i32>} : memref<81920xf32, #tpu.memory_space<vmem>>, vector<16xf32>,
      tpu.vector_store %arg6[%swap3A_89], %broadcast_in_dim3A_4 {strides = array<i32>} : memref<81920xf32, #tpu.memory_space<vmem>>, vector<16xf32>,
      %mul3A_91 = arith.constant 8 : i32
      %mul3A_92 = arith.muli %scan3A_43, %mul3A_91 : i32
      %add3A_93 = arith.constant 6 : i32
      %add3A_94 = arith.addi %mul3A_92, %add3A_93 : i32
      %mul3A_95 = arith.constant 16 : i32
      %mul3A_96 = arith.muli %add3A_94, %mul3A_95 : i32
      %swap3A_97 = arith.index_cast %mul3A_96 : i32 to index
      %swap3A_98 = tpu.vector_load %arg6[%swap3A_97] {strides = array<i32>} : memref<81920xf32, #tpu.memory_space<vmem>>, vector<16xf32>,
      tpu.vector_store %arg6[%swap3A_97], %broadcast_in_dim3A_4 {strides = array<i32>} : memref<81920xf32, #tpu.memory_space<vmem>>, vector<16xf32>,
      %mul3A_99 = arith.constant 8 : i32
      %mul3A_100 = arith.muli %scan3A_43, %mul3A_99 : i32
      %add3A_101 = arith.constant 7 : i32
      %add3A_102 = arith.addi %mul3A_100, %add3A_101 : i32
      %mul3A_103 = arith.constant 16 : i32
      %mul3A_104 = arith.muli %add3A_102, %mul3A_103 : i32
      %swap3A_105 = arith.index_cast %mul3A_104 : i32 to index
      %swap3A_106 = tpu.vector_load %arg6[%swap3A_105] {strides = array<i32>} : memref<81920xf32, #tpu.memory_space<vmem>>, vector<16xf32>,
      tpu.vector_store %arg6[%swap3A_105], %broadcast_in_dim3A_4 {strides = array<i32>} : memref<81920xf32, #tpu.memory_space<vmem>>, vector<16xf32>,
    }
    %scan3A_11 = arith.constant 640 : i32
    %scan3A_12 = arith.constant 0 : i32
    %scan3A_13 = arith.constant 0 : i32
    %scan3A_14 = arith.constant 320 : i32
    %scan3A_15 = arith.addi %scan3A_13, %scan3A_14 : i32
    %scan3A_16 = arith.constant 1 : i32
    scf.for %scan3A_43 = %scan3A_13 to %scan3A_15 step %scan3A_16  : i32 {
      %mul3A_44 = arith.constant 8 : i32
      %mul3A_45 = arith.muli %scan3A_43, %mul3A_44 : i32
      %add3A_46 = arith.constant 0 : i32
      %add3A_47 = arith.addi %mul3A_45, %add3A_46 : i32
      %mul3A_48 = arith.constant 16 : i32
      %mul3A_49 = arith.muli %add3A_47, %mul3A_48 : i32
      %swap3A = arith.index_cast %mul3A_49 : i32 to index
      %swap3A_50 = tpu.vector_load %arg7[%swap3A] {strides = array<i32>} : memref<40960xi32, #tpu.memory_space<vmem>>, vector<16xi32>,
      tpu.vector_store %arg7[%swap3A], %broadcast_in_dim3A_6 {strides = array<i32>} : memref<40960xi32, #tpu.memory_space<vmem>>, vector<16xi32>,
      %mul3A_51 = arith.constant 8 : i32
      %mul3A_52 = arith.muli %scan3A_43, %mul3A_51 : i32
      %add3A_53 = arith.constant 1 : i32
      %add3A_54 = arith.addi %mul3A_52, %add3A_53 : i32
      %mul3A_55 = arith.constant 16 : i32
      %mul3A_56 = arith.muli %add3A_54, %mul3A_55 : i32
      %swap3A_57 = arith.index_cast %mul3A_56 : i32 to index
      %swap3A_58 = tpu.vector_load %arg7[%swap3A_57] {strides = array<i32>} : memref<40960xi32, #tpu.memory_space<vmem>>, vector<16xi32>,
      tpu.vector_store %arg7[%swap3A_57], %broadcast_in_dim3A_6 {strides = array<i32>} : memref<40960xi32, #tpu.memory_space<vmem>>, vector<16xi32>,
      %mul3A_59 = arith.constant 8 : i32
      %mul3A_60 = arith.muli %scan3A_43, %mul3A_59 : i32
      %add3A_61 = arith.constant 2 : i32
      %add3A_62 = arith.addi %mul3A_60, %add3A_61 : i32
      %mul3A_63 = arith.constant 16 : i32
      %mul3A_64 = arith.muli %add3A_62, %mul3A_63 : i32
      %swap3A_65 = arith.index_cast %mul3A_64 : i32 to index
      %swap3A_66 = tpu.vector_load %arg7[%swap3A_65] {strides = array<i32>} : memref<40960xi32, #tpu.memory_space<vmem>>, vector<16xi32>,
      tpu.vector_store %arg7[%swap3A_65], %broadcast_in_dim3A_6 {strides = array<i32>} : memref<40960xi32, #tpu.memory_space<vmem>>, vector<16xi32>,
      %mul3A_67 = arith.constant 8 : i32
      %mul3A_68 = arith.muli %scan3A_43, %mul3A_67 : i32
      %add3A_69 = arith.constant 3 : i32
      %add3A_70 = arith.addi %mul3A_68, %add3A_69 : i32
      %mul3A_71 = arith.constant 16 : i32
      %mul3A_72 = arith.muli %add3A_70, %mul3A_71 : i32
      %swap3A_73 = arith.index_cast %mul3A_72 : i32 to index
      %swap3A_74 = tpu.vector_load %arg7[%swap3A_73] {strides = array<i32>} : memref<40960xi32, #tpu.memory_space<vmem>>, vector<16xi32>,
      tpu.vector_store %arg7[%swap3A_73], %broadcast_in_dim3A_6 {strides = array<i32>} : memref<40960xi32, #tpu.memory_space<vmem>>, vector<16xi32>,
      %mul3A_75 = arith.constant 8 : i32
      %mul3A_76 = arith.muli %scan3A_43, %mul3A_75 : i32
      %add3A_77 = arith.constant 4 : i32
      %add3A_78 = arith.addi %mul3A_76, %add3A_77 : i32
      %mul3A_79 = arith.constant 16 : i32
      %mul3A_80 = arith.muli %add3A_78, %mul3A_79 : i32
      %swap3A_81 = arith.index_cast %mul3A_80 : i32 to index
      %swap3A_82 = tpu.vector_load %arg7[%swap3A_81] {strides = array<i32>} : memref<40960xi32, #tpu.memory_space<vmem>>, vector<16xi32>,
      tpu.vector_store %arg7[%swap3A_81], %broadcast_in_dim3A_6 {strides = array<i32>} : memref<40960xi32, #tpu.memory_space<vmem>>, vector<16xi32>,
      %mul3A_83 = arith.constant 8 : i32
      %mul3A_84 = arith.muli %scan3A_43, %mul3A_83 : i32
      %add3A_85 = arith.constant 5 : i32
      %add3A_86 = arith.addi %mul3A_84, %add3A_85 : i32
      %mul3A_87 = arith.constant 16 : i32
      %mul3A_88 = arith.muli %add3A_86, %mul3A_87 : i32
      %swap3A_89 = arith.index_cast %mul3A_88 : i32 to index
      %swap3A_90 = tpu.vector_load %arg7[%swap3A_89] {strides = array<i32>} : memref<40960xi32, #tpu.memory_space<vmem>>, vector<16xi32>,
      tpu.vector_store %arg7[%swap3A_89], %broadcast_in_dim3A_6 {strides = array<i32>} : memref<40960xi32, #tpu.memory_space<vmem>>, vector<16xi32>,
      %mul3A_91 = arith.constant 8 : i32
      %mul3A_92 = arith.muli %scan3A_43, %mul3A_91 : i32
      %add3A_93 = arith.constant 6 : i32
      %add3A_94 = arith.addi %mul3A_92, %add3A_93 : i32
      %mul3A_95 = arith.constant 16 : i32
      %mul3A_96 = arith.muli %add3A_94, %mul3A_95 : i32
      %swap3A_97 = arith.index_cast %mul3A_96 : i32 to index
      %swap3A_98 = tpu.vector_load %arg7[%swap3A_97] {strides = array<i32>} : memref<40960xi32, #tpu.memory_space<vmem>>, vector<16xi32>,
      tpu.vector_store %arg7[%swap3A_97], %broadcast_in_dim3A_6 {strides = array<i32>} : memref<40960xi32, #tpu.memory_space<vmem>>, vector<16xi32>,
      %mul3A_99 = arith.constant 8 : i32
      %mul3A_100 = arith.muli %scan3A_43, %mul3A_99 : i32
      %add3A_101 = arith.constant 7 : i32
      %add3A_102 = arith.addi %mul3A_100, %add3A_101 : i32
      %mul3A_103 = arith.constant 16 : i32
      %mul3A_104 = arith.muli %add3A_102, %mul3A_103 : i32
      %swap3A_105 = arith.index_cast %mul3A_104 : i32 to index
      %swap3A_106 = tpu.vector_load %arg7[%swap3A_105] {strides = array<i32>} : memref<40960xi32, #tpu.memory_space<vmem>>, vector<16xi32>,
      tpu.vector_store %arg7[%swap3A_105], %broadcast_in_dim3A_6 {strides = array<i32>} : memref<40960xi32, #tpu.memory_space<vmem>>, vector<16xi32>,
    }
    %scan3A_17 = arith.constant 320 : i32
    %mul3A_18 = arith.constant 1600 : i32
    %mul3A_19 = arith.muli %add3A, %mul3A_18 : i32
    %dma_start3A = tpu.memref_slice %arg2[%mul3A_19] : memref<1000000xf32, #tpu.memory_space<hbm>> -> memref<1600xf32, #tpu.memory_space<hbm>>
    %dma_start3A_20 = tpu.memref_slice %arg2[%mul3A_19] : memref<1000000xf32, #tpu.memory_space<hbm>> -> memref<1600xf32, #tpu.memory_space<hbm>>
    tpu.enqueue_dma source(%dma_start3A_20 : memref<1600xf32, #tpu.memory_space<hbm>>) target(%arg8 : memref<1600xf32, #tpu.memory_space<vmem>>) target_semaphore(%arg12 : memref<!tpu.dma_semaphore, #tpu.memory_space<semaphore_mem>>)
    %mul3A_21 = arith.constant 1600 : i32
    %mul3A_22 = arith.muli %add3A, %mul3A_21 : i32
    %dma_start3A_23 = tpu.memref_slice %arg3[%mul3A_22] : memref<1000000xi32, #tpu.memory_space<hbm>> -> memref<1600xi32, #tpu.memory_space<hbm>>
    %dma_start3A_24 = tpu.memref_slice %arg3[%mul3A_22] : memref<1000000xi32, #tpu.memory_space<hbm>> -> memref<1600xi32, #tpu.memory_space<hbm>>
    tpu.enqueue_dma source(%dma_start3A_24 : memref<1600xi32, #tpu.memory_space<hbm>>) target(%arg10 : memref<1600xi32, #tpu.memory_space<vmem>>) target_semaphore(%arg12 : memref<!tpu.dma_semaphore, #tpu.memory_space<semaphore_mem>>)
    %scan3A_25 = arith.constant 0 : i32
    %scan3A_26 = arith.constant 0 : i32
    %scan3A_27 = arith.constant 10 : i32
    %scan3A_28 = arith.addi %scan3A_26, %scan3A_27 : i32
    %scan3A_29 = arith.constant 1 : i32
    scf.for %scan3A_43 = %scan3A_26 to %scan3A_28 step %scan3A_29  : i32 {
      %mul3A_44 = arith.constant 2 : i32
      %mul3A_45 = arith.muli %mul3A_44, %scan3A_43 : i32
      %mul3A_46 = arith.constant 32 : i32
      %mul3A_47 = arith.muli %mul3A_45, %mul3A_46 : i32
      %add3A_48 = arith.addi %add3A, %mul3A_47 : i32
      %add3A_49 = arith.constant 32 : i32
      %add3A_50 = arith.addi %add3A_48, %add3A_49 : i32
      %add3A_51 = arith.constant 32 : i32
      %add3A_52 = arith.addi %add3A_50, %add3A_51 : i32
      %lt3A = arith.constant 625 : i32
      %lt3A_53 = arith.cmpi slt, %add3A_48, %lt3A : i32
      %convert_element_type3A = arith.extui %lt3A_53 : i1 to i32
      %cond3A = arith.constant 0 : i32
      %cond3A_54 = arith.cmpi ne, %convert_element_type3A, %cond3A : i32
      scf.if %cond3A_54 {
        %mul3A_55 = arith.constant 1600 : i32
        %mul3A_56 = arith.muli %add3A_48, %mul3A_55 : i32
        %dma_wait3A = tpu.memref_slice %arg2[%mul3A_56] : memref<1000000xf32, #tpu.memory_space<hbm>> -> memref<1600xf32, #tpu.memory_space<hbm>>
        %dma_wait3A_57 = tpu.memref_slice %arg2[%mul3A_56] : memref<1000000xf32, #tpu.memory_space<hbm>> -> memref<1600xf32, #tpu.memory_space<hbm>>
        tpu.wait_dma2 semaphore(%arg12 : memref<!tpu.dma_semaphore, #tpu.memory_space<semaphore_mem>>) src(%dma_wait3A_57 : memref<1600xf32, #tpu.memory_space<hbm>>) dst(%arg8 : memref<1600xf32, #tpu.memory_space<vmem>>)
        %mul3A_58 = arith.constant 1600 : i32
        %mul3A_59 = arith.muli %add3A_48, %mul3A_58 : i32
        %dma_wait3A_60 = tpu.memref_slice %arg3[%mul3A_59] : memref<1000000xi32, #tpu.memory_space<hbm>> -> memref<1600xi32, #tpu.memory_space<hbm>>
        %dma_wait3A_61 = tpu.memref_slice %arg3[%mul3A_59] : memref<1000000xi32, #tpu.memory_space<hbm>> -> memref<1600xi32, #tpu.memory_space<hbm>>
        tpu.wait_dma2 semaphore(%arg12 : memref<!tpu.dma_semaphore, #tpu.memory_space<semaphore_mem>>) src(%dma_wait3A_61 : memref<1600xi32, #tpu.memory_space<hbm>>) dst(%arg10 : memref<1600xi32, #tpu.memory_space<vmem>>)
        %lt3A_62 = arith.constant 625 : i32
        %lt3A_63 = arith.cmpi slt, %add3A_50, %lt3A_62 : i32
        %convert_element_type3A_64 = arith.extui %lt3A_63 : i1 to i32
        %cond3A_65 = arith.constant 0 : i32
        %cond3A_66 = arith.cmpi ne, %convert_element_type3A_64, %cond3A_65 : i32
        scf.if %cond3A_66 {
          %mul3A_78 = arith.constant 1600 : i32
          %mul3A_79 = arith.muli %add3A_50, %mul3A_78 : i32
          %dma_start3A_80 = tpu.memref_slice %arg2[%mul3A_79] : memref<1000000xf32, #tpu.memory_space<hbm>> -> memref<1600xf32, #tpu.memory_space<hbm>>
          %dma_start3A_81 = tpu.memref_slice %arg2[%mul3A_79] : memref<1000000xf32, #tpu.memory_space<hbm>> -> memref<1600xf32, #tpu.memory_space<hbm>>
          tpu.enqueue_dma source(%dma_start3A_81 : memref<1600xf32, #tpu.memory_space<hbm>>) target(%arg9 : memref<1600xf32, #tpu.memory_space<vmem>>) target_semaphore(%arg12 : memref<!tpu.dma_semaphore, #tpu.memory_space<semaphore_mem>>)
          %mul3A_82 = arith.constant 1600 : i32
          %mul3A_83 = arith.muli %add3A_50, %mul3A_82 : i32
          %dma_start3A_84 = tpu.memref_slice %arg3[%mul3A_83] : memref<1000000xi32, #tpu.memory_space<hbm>> -> memref<1600xi32, #tpu.memory_space<hbm>>
          %dma_start3A_85 = tpu.memref_slice %arg3[%mul3A_83] : memref<1000000xi32, #tpu.memory_space<hbm>> -> memref<1600xi32, #tpu.memory_space<hbm>>
          tpu.enqueue_dma source(%dma_start3A_85 : memref<1600xi32, #tpu.memory_space<hbm>>) target(%arg11 : memref<1600xi32, #tpu.memory_space<vmem>>) target_semaphore(%arg12 : memref<!tpu.dma_semaphore, #tpu.memory_space<semaphore_mem>>)
        } else {
        }
        %scan3A_67 = arith.constant 0 : i32
        %scan3A_68 = arith.constant 0 : i32
        %scan3A_69 = arith.constant 10 : i32
        %scan3A_70 = arith.addi %scan3A_68, %scan3A_69 : i32
        %scan3A_71 = arith.constant 1 : i32
        scf.for %scan3A_78 = %scan3A_68 to %scan3A_70 step %scan3A_71  : i32 {
          %mul3A_79 = arith.constant 10 : i32
          %mul3A_80 = arith.muli %scan3A_78, %mul3A_79 : i32
          %add3A_81 = arith.constant 0 : i32
          %add3A_82 = arith.addi %mul3A_80, %add3A_81 : i32
          %mul3A_83 = arith.constant 16 : i32
          %mul3A_84 = arith.muli %add3A_82, %mul3A_83 : i32
          %get3A = arith.index_cast %mul3A_84 : i32 to index
          %get3A_85 = tpu.vector_load %arg8[%get3A] {strides = array<i32>} : memref<1600xf32, #tpu.memory_space<vmem>>, vector<16xf32>,
          %get3A_86 = arith.index_cast %mul3A_84 : i32 to index
          %get3A_87 = tpu.vector_load %arg10[%get3A_86] {strides = array<i32>} : memref<1600xi32, #tpu.memory_space<vmem>>, vector<16xi32>,
          %mul3A_88 = arith.constant 16 : i32
          %mul3A_89 = vector.broadcast %mul3A_88 : i32 to vector<16xi32>
          %mul3A_90 = arith.muli %get3A_87, %mul3A_89 : vector<16xi32>
          %add3A_91 = arith.addi %mul3A_90, %iota3A : vector<16xi32>
          tpu.vector_store_idx %arg6[%add3A_91], %get3A_85 {add = true} : memref<81920xf32, #tpu.memory_space<vmem>>[vector<16xi32>], vector<16xf32>,
          %ge3A = arith.constant 2560 : i32
          %ge3A_92 = vector.broadcast %ge3A : i32 to vector<16xi32>
          %ge3A_93 = arith.cmpi sge, %get3A_87, %ge3A_92 : vector<16xi32>
          %jit3A = arith.constant 2560 : i32
          %jit3A_94 = arith.constant 0 : i32
          %broadcast_in_dim3A_95 = vector.broadcast %jit3A : i32 to vector<16xi32>
          %broadcast_in_dim3A_96 = vector.broadcast %jit3A_94 : i32 to vector<16xi32>
          %select_n3A = arith.select %ge3A_93, %broadcast_in_dim3A_95, %broadcast_in_dim3A_96 : vector<16xi1>, vector<16xi32>
          %sub3A = arith.subi %get3A_87, %select_n3A : vector<16xi32>
          %jit3A_97 = arith.constant 65536 : i32
          %jit3A_98 = arith.constant 1 : i32
          %broadcast_in_dim3A_99 = vector.broadcast %jit3A_97 : i32 to vector<16xi32>
          %broadcast_in_dim3A_100 = vector.broadcast %jit3A_98 : i32 to vector<16xi32>
          %select_n3A_101 = arith.select %ge3A_93, %broadcast_in_dim3A_99, %broadcast_in_dim3A_100 : vector<16xi1>, vector<16xi32>
          %mul3A_102 = arith.constant 16 : i32
          %mul3A_103 = vector.broadcast %mul3A_102 : i32 to vector<16xi32>
          %mul3A_104 = arith.muli %sub3A, %mul3A_103 : vector<16xi32>
          %add3A_105 = arith.addi %mul3A_104, %iota3A : vector<16xi32>
          tpu.vector_store_idx %arg7[%add3A_105], %select_n3A_101 {add = true} : memref<40960xi32, #tpu.memory_space<vmem>>[vector<16xi32>], vector<16xi32>,
          %mul3A_106 = arith.constant 10 : i32
          %mul3A_107 = arith.muli %scan3A_78, %mul3A_106 : i32
          %add3A_108 = arith.constant 1 : i32
          %add3A_109 = arith.addi %mul3A_107, %add3A_108 : i32
          %mul3A_110 = arith.constant 16 : i32
          %mul3A_111 = arith.muli %add3A_109, %mul3A_110 : i32
          %get3A_112 = arith.index_cast %mul3A_111 : i32 to index
          %get3A_113 = tpu.vector_load %arg8[%get3A_112] {strides = array<i32>} : memref<1600xf32, #tpu.memory_space<vmem>>, vector<16xf32>,
          %get3A_114 = arith.index_cast %mul3A_111 : i32 to index
          %get3A_115 = tpu.vector_load %arg10[%get3A_114] {strides = array<i32>} : memref<1600xi32, #tpu.memory_space<vmem>>, vector<16xi32>,
          %mul3A_116 = arith.constant 16 : i32
          %mul3A_117 = vector.broadcast %mul3A_116 : i32 to vector<16xi32>
          %mul3A_118 = arith.muli %get3A_115, %mul3A_117 : vector<16xi32>
          %add3A_119 = arith.addi %mul3A_118, %iota3A : vector<16xi32>
          tpu.vector_store_idx %arg6[%add3A_119], %get3A_113 {add = true} : memref<81920xf32, #tpu.memory_space<vmem>>[vector<16xi32>], vector<16xf32>,
          %ge3A_120 = arith.constant 2560 : i32
          %ge3A_121 = vector.broadcast %ge3A_120 : i32 to vector<16xi32>
          %ge3A_122 = arith.cmpi sge, %get3A_115, %ge3A_121 : vector<16xi32>
          %jit3A_123 = arith.constant 2560 : i32
          %jit3A_124 = arith.constant 0 : i32
          %broadcast_in_dim3A_125 = vector.broadcast %jit3A_123 : i32 to vector<16xi32>
          %broadcast_in_dim3A_126 = vector.broadcast %jit3A_124 : i32 to vector<16xi32>
          %select_n3A_127 = arith.select %ge3A_122, %broadcast_in_dim3A_125, %broadcast_in_dim3A_126 : vector<16xi1>, vector<16xi32>
          %sub3A_128 = arith.subi %get3A_115, %select_n3A_127 : vector<16xi32>
          %jit3A_129 = arith.constant 65536 : i32
          %jit3A_130 = arith.constant 1 : i32
          %broadcast_in_dim3A_131 = vector.broadcast %jit3A_129 : i32 to vector<16xi32>
          %broadcast_in_dim3A_132 = vector.broadcast %jit3A_130 : i32 to vector<16xi32>
          %select_n3A_133 = arith.select %ge3A_122, %broadcast_in_dim3A_131, %broadcast_in_dim3A_132 : vector<16xi1>, vector<16xi32>
          %mul3A_134 = arith.constant 16 : i32
          %mul3A_135 = vector.broadcast %mul3A_134 : i32 to vector<16xi32>
          %mul3A_136 = arith.muli %sub3A_128, %mul3A_135 : vector<16xi32>
          %add3A_137 = arith.addi %mul3A_136, %iota3A : vector<16xi32>
          tpu.vector_store_idx %arg7[%add3A_137], %select_n3A_133 {add = true} : memref<40960xi32, #tpu.memory_space<vmem>>[vector<16xi32>], vector<16xi32>,
          %mul3A_138 = arith.constant 10 : i32
          %mul3A_139 = arith.muli %scan3A_78, %mul3A_138 : i32
          %add3A_140 = arith.constant 2 : i32
          %add3A_141 = arith.addi %mul3A_139, %add3A_140 : i32
          %mul3A_142 = arith.constant 16 : i32
          %mul3A_143 = arith.muli %add3A_141, %mul3A_142 : i32
          %get3A_144 = arith.index_cast %mul3A_143 : i32 to index
          %get3A_145 = tpu.vector_load %arg8[%get3A_144] {strides = array<i32>} : memref<1600xf32, #tpu.memory_space<vmem>>, vector<16xf32>,
          %get3A_146 = arith.index_cast %mul3A_143 : i32 to index
          %get3A_147 = tpu.vector_load %arg10[%get3A_146] {strides = array<i32>} : memref<1600xi32, #tpu.memory_space<vmem>>, vector<16xi32>,
          %mul3A_148 = arith.constant 16 : i32
          %mul3A_149 = vector.broadcast %mul3A_148 : i32 to vector<16xi32>
          %mul3A_150 = arith.muli %get3A_147, %mul3A_149 : vector<16xi32>
          %add3A_151 = arith.addi %mul3A_150, %iota3A : vector<16xi32>
          tpu.vector_store_idx %arg6[%add3A_151], %get3A_145 {add = true} : memref<81920xf32, #tpu.memory_space<vmem>>[vector<16xi32>], vector<16xf32>,
          %ge3A_152 = arith.constant 2560 : i32
          %ge3A_153 = vector.broadcast %ge3A_152 : i32 to vector<16xi32>
          %ge3A_154 = arith.cmpi sge, %get3A_147, %ge3A_153 : vector<16xi32>
          %jit3A_155 = arith.constant 2560 : i32
          %jit3A_156 = arith.constant 0 : i32
          %broadcast_in_dim3A_157 = vector.broadcast %jit3A_155 : i32 to vector<16xi32>
          %broadcast_in_dim3A_158 = vector.broadcast %jit3A_156 : i32 to vector<16xi32>
          %select_n3A_159 = arith.select %ge3A_154, %broadcast_in_dim3A_157, %broadcast_in_dim3A_158 : vector<16xi1>, vector<16xi32>
          %sub3A_160 = arith.subi %get3A_147, %select_n3A_159 : vector<16xi32>
          %jit3A_161 = arith.constant 65536 : i32
          %jit3A_162 = arith.constant 1 : i32
          %broadcast_in_dim3A_163 = vector.broadcast %jit3A_161 : i32 to vector<16xi32>
          %broadcast_in_dim3A_164 = vector.broadcast %jit3A_162 : i32 to vector<16xi32>
          %select_n3A_165 = arith.select %ge3A_154, %broadcast_in_dim3A_163, %broadcast_in_dim3A_164 : vector<16xi1>, vector<16xi32>
          %mul3A_166 = arith.constant 16 : i32
          %mul3A_167 = vector.broadcast %mul3A_166 : i32 to vector<16xi32>
          %mul3A_168 = arith.muli %sub3A_160, %mul3A_167 : vector<16xi32>
          %add3A_169 = arith.addi %mul3A_168, %iota3A : vector<16xi32>
          tpu.vector_store_idx %arg7[%add3A_169], %select_n3A_165 {add = true} : memref<40960xi32, #tpu.memory_space<vmem>>[vector<16xi32>], vector<16xi32>,
          %mul3A_170 = arith.constant 10 : i32
          %mul3A_171 = arith.muli %scan3A_78, %mul3A_170 : i32
          %add3A_172 = arith.constant 3 : i32
          %add3A_173 = arith.addi %mul3A_171, %add3A_172 : i32
          %mul3A_174 = arith.constant 16 : i32
          %mul3A_175 = arith.muli %add3A_173, %mul3A_174 : i32
          %get3A_176 = arith.index_cast %mul3A_175 : i32 to index
          %get3A_177 = tpu.vector_load %arg8[%get3A_176] {strides = array<i32>} : memref<1600xf32, #tpu.memory_space<vmem>>, vector<16xf32>,
          %get3A_178 = arith.index_cast %mul3A_175 : i32 to index
          %get3A_179 = tpu.vector_load %arg10[%get3A_178] {strides = array<i32>} : memref<1600xi32, #tpu.memory_space<vmem>>, vector<16xi32>,
          %mul3A_180 = arith.constant 16 : i32
          %mul3A_181 = vector.broadcast %mul3A_180 : i32 to vector<16xi32>
          %mul3A_182 = arith.muli %get3A_179, %mul3A_181 : vector<16xi32>
          %add3A_183 = arith.addi %mul3A_182, %iota3A : vector<16xi32>
          tpu.vector_store_idx %arg6[%add3A_183], %get3A_177 {add = true} : memref<81920xf32, #tpu.memory_space<vmem>>[vector<16xi32>], vector<16xf32>,
          %ge3A_184 = arith.constant 2560 : i32
          %ge3A_185 = vector.broadcast %ge3A_184 : i32 to vector<16xi32>
          %ge3A_186 = arith.cmpi sge, %get3A_179, %ge3A_185 : vector<16xi32>
          %jit3A_187 = arith.constant 2560 : i32
          %jit3A_188 = arith.constant 0 : i32
          %broadcast_in_dim3A_189 = vector.broadcast %jit3A_187 : i32 to vector<16xi32>
          %broadcast_in_dim3A_190 = vector.broadcast %jit3A_188 : i32 to vector<16xi32>
          %select_n3A_191 = arith.select %ge3A_186, %broadcast_in_dim3A_189, %broadcast_in_dim3A_190 : vector<16xi1>, vector<16xi32>
          %sub3A_192 = arith.subi %get3A_179, %select_n3A_191 : vector<16xi32>
          %jit3A_193 = arith.constant 65536 : i32
          %jit3A_194 = arith.constant 1 : i32
          %broadcast_in_dim3A_195 = vector.broadcast %jit3A_193 : i32 to vector<16xi32>
          %broadcast_in_dim3A_196 = vector.broadcast %jit3A_194 : i32 to vector<16xi32>
          %select_n3A_197 = arith.select %ge3A_186, %broadcast_in_dim3A_195, %broadcast_in_dim3A_196 : vector<16xi1>, vector<16xi32>
          %mul3A_198 = arith.constant 16 : i32
          %mul3A_199 = vector.broadcast %mul3A_198 : i32 to vector<16xi32>
          %mul3A_200 = arith.muli %sub3A_192, %mul3A_199 : vector<16xi32>
          %add3A_201 = arith.addi %mul3A_200, %iota3A : vector<16xi32>
          tpu.vector_store_idx %arg7[%add3A_201], %select_n3A_197 {add = true} : memref<40960xi32, #tpu.memory_space<vmem>>[vector<16xi32>], vector<16xi32>,
          %mul3A_202 = arith.constant 10 : i32
          %mul3A_203 = arith.muli %scan3A_78, %mul3A_202 : i32
          %add3A_204 = arith.constant 4 : i32
          %add3A_205 = arith.addi %mul3A_203, %add3A_204 : i32
          %mul3A_206 = arith.constant 16 : i32
          %mul3A_207 = arith.muli %add3A_205, %mul3A_206 : i32
          %get3A_208 = arith.index_cast %mul3A_207 : i32 to index
          %get3A_209 = tpu.vector_load %arg8[%get3A_208] {strides = array<i32>} : memref<1600xf32, #tpu.memory_space<vmem>>, vector<16xf32>,
          %get3A_210 = arith.index_cast %mul3A_207 : i32 to index
          %get3A_211 = tpu.vector_load %arg10[%get3A_210] {strides = array<i32>} : memref<1600xi32, #tpu.memory_space<vmem>>, vector<16xi32>,
          %mul3A_212 = arith.constant 16 : i32
          %mul3A_213 = vector.broadcast %mul3A_212 : i32 to vector<16xi32>
          %mul3A_214 = arith.muli %get3A_211, %mul3A_213 : vector<16xi32>
          %add3A_215 = arith.addi %mul3A_214, %iota3A : vector<16xi32>
          tpu.vector_store_idx %arg6[%add3A_215], %get3A_209 {add = true} : memref<81920xf32, #tpu.memory_space<vmem>>[vector<16xi32>], vector<16xf32>,
          %ge3A_216 = arith.constant 2560 : i32
          %ge3A_217 = vector.broadcast %ge3A_216 : i32 to vector<16xi32>
          %ge3A_218 = arith.cmpi sge, %get3A_211, %ge3A_217 : vector<16xi32>
          %jit3A_219 = arith.constant 2560 : i32
          %jit3A_220 = arith.constant 0 : i32
          %broadcast_in_dim3A_221 = vector.broadcast %jit3A_219 : i32 to vector<16xi32>
          %broadcast_in_dim3A_222 = vector.broadcast %jit3A_220 : i32 to vector<16xi32>
          %select_n3A_223 = arith.select %ge3A_218, %broadcast_in_dim3A_221, %broadcast_in_dim3A_222 : vector<16xi1>, vector<16xi32>
          %sub3A_224 = arith.subi %get3A_211, %select_n3A_223 : vector<16xi32>
          %jit3A_225 = arith.constant 65536 : i32
          %jit3A_226 = arith.constant 1 : i32
          %broadcast_in_dim3A_227 = vector.broadcast %jit3A_225 : i32 to vector<16xi32>
          %broadcast_in_dim3A_228 = vector.broadcast %jit3A_226 : i32 to vector<16xi32>
          %select_n3A_229 = arith.select %ge3A_218, %broadcast_in_dim3A_227, %broadcast_in_dim3A_228 : vector<16xi1>, vector<16xi32>
          %mul3A_230 = arith.constant 16 : i32
          %mul3A_231 = vector.broadcast %mul3A_230 : i32 to vector<16xi32>
          %mul3A_232 = arith.muli %sub3A_224, %mul3A_231 : vector<16xi32>
          %add3A_233 = arith.addi %mul3A_232, %iota3A : vector<16xi32>
          tpu.vector_store_idx %arg7[%add3A_233], %select_n3A_229 {add = true} : memref<40960xi32, #tpu.memory_space<vmem>>[vector<16xi32>], vector<16xi32>,
          %mul3A_234 = arith.constant 10 : i32
          %mul3A_235 = arith.muli %scan3A_78, %mul3A_234 : i32
          %add3A_236 = arith.constant 5 : i32
          %add3A_237 = arith.addi %mul3A_235, %add3A_236 : i32
          %mul3A_238 = arith.constant 16 : i32
          %mul3A_239 = arith.muli %add3A_237, %mul3A_238 : i32
          %get3A_240 = arith.index_cast %mul3A_239 : i32 to index
          %get3A_241 = tpu.vector_load %arg8[%get3A_240] {strides = array<i32>} : memref<1600xf32, #tpu.memory_space<vmem>>, vector<16xf32>,
          %get3A_242 = arith.index_cast %mul3A_239 : i32 to index
          %get3A_243 = tpu.vector_load %arg10[%get3A_242] {strides = array<i32>} : memref<1600xi32, #tpu.memory_space<vmem>>, vector<16xi32>,
          %mul3A_244 = arith.constant 16 : i32
          %mul3A_245 = vector.broadcast %mul3A_244 : i32 to vector<16xi32>
          %mul3A_246 = arith.muli %get3A_243, %mul3A_245 : vector<16xi32>
          %add3A_247 = arith.addi %mul3A_246, %iota3A : vector<16xi32>
          tpu.vector_store_idx %arg6[%add3A_247], %get3A_241 {add = true} : memref<81920xf32, #tpu.memory_space<vmem>>[vector<16xi32>], vector<16xf32>,
          %ge3A_248 = arith.constant 2560 : i32
          %ge3A_249 = vector.broadcast %ge3A_248 : i32 to vector<16xi32>
          %ge3A_250 = arith.cmpi sge, %get3A_243, %ge3A_249 : vector<16xi32>
          %jit3A_251 = arith.constant 2560 : i32
          %jit3A_252 = arith.constant 0 : i32
          %broadcast_in_dim3A_253 = vector.broadcast %jit3A_251 : i32 to vector<16xi32>
          %broadcast_in_dim3A_254 = vector.broadcast %jit3A_252 : i32 to vector<16xi32>
          %select_n3A_255 = arith.select %ge3A_250, %broadcast_in_dim3A_253, %broadcast_in_dim3A_254 : vector<16xi1>, vector<16xi32>
          %sub3A_256 = arith.subi %get3A_243, %select_n3A_255 : vector<16xi32>
          %jit3A_257 = arith.constant 65536 : i32
          %jit3A_258 = arith.constant 1 : i32
          %broadcast_in_dim3A_259 = vector.broadcast %jit3A_257 : i32 to vector<16xi32>
          %broadcast_in_dim3A_260 = vector.broadcast %jit3A_258 : i32 to vector<16xi32>
          %select_n3A_261 = arith.select %ge3A_250, %broadcast_in_dim3A_259, %broadcast_in_dim3A_260 : vector<16xi1>, vector<16xi32>
          %mul3A_262 = arith.constant 16 : i32
          %mul3A_263 = vector.broadcast %mul3A_262 : i32 to vector<16xi32>
          %mul3A_264 = arith.muli %sub3A_256, %mul3A_263 : vector<16xi32>
          %add3A_265 = arith.addi %mul3A_264, %iota3A : vector<16xi32>
          tpu.vector_store_idx %arg7[%add3A_265], %select_n3A_261 {add = true} : memref<40960xi32, #tpu.memory_space<vmem>>[vector<16xi32>], vector<16xi32>,
          %mul3A_266 = arith.constant 10 : i32
          %mul3A_267 = arith.muli %scan3A_78, %mul3A_266 : i32
          %add3A_268 = arith.constant 6 : i32
          %add3A_269 = arith.addi %mul3A_267, %add3A_268 : i32
          %mul3A_270 = arith.constant 16 : i32
          %mul3A_271 = arith.muli %add3A_269, %mul3A_270 : i32
          %get3A_272 = arith.index_cast %mul3A_271 : i32 to index
          %get3A_273 = tpu.vector_load %arg8[%get3A_272] {strides = array<i32>} : memref<1600xf32, #tpu.memory_space<vmem>>, vector<16xf32>,
          %get3A_274 = arith.index_cast %mul3A_271 : i32 to index
          %get3A_275 = tpu.vector_load %arg10[%get3A_274] {strides = array<i32>} : memref<1600xi32, #tpu.memory_space<vmem>>, vector<16xi32>,
          %mul3A_276 = arith.constant 16 : i32
          %mul3A_277 = vector.broadcast %mul3A_276 : i32 to vector<16xi32>
          %mul3A_278 = arith.muli %get3A_275, %mul3A_277 : vector<16xi32>
          %add3A_279 = arith.addi %mul3A_278, %iota3A : vector<16xi32>
          tpu.vector_store_idx %arg6[%add3A_279], %get3A_273 {add = true} : memref<81920xf32, #tpu.memory_space<vmem>>[vector<16xi32>], vector<16xf32>,
          %ge3A_280 = arith.constant 2560 : i32
          %ge3A_281 = vector.broadcast %ge3A_280 : i32 to vector<16xi32>
          %ge3A_282 = arith.cmpi sge, %get3A_275, %ge3A_281 : vector<16xi32>
          %jit3A_283 = arith.constant 2560 : i32
          %jit3A_284 = arith.constant 0 : i32
          %broadcast_in_dim3A_285 = vector.broadcast %jit3A_283 : i32 to vector<16xi32>
          %broadcast_in_dim3A_286 = vector.broadcast %jit3A_284 : i32 to vector<16xi32>
          %select_n3A_287 = arith.select %ge3A_282, %broadcast_in_dim3A_285, %broadcast_in_dim3A_286 : vector<16xi1>, vector<16xi32>
          %sub3A_288 = arith.subi %get3A_275, %select_n3A_287 : vector<16xi32>
          %jit3A_289 = arith.constant 65536 : i32
          %jit3A_290 = arith.constant 1 : i32
          %broadcast_in_dim3A_291 = vector.broadcast %jit3A_289 : i32 to vector<16xi32>
          %broadcast_in_dim3A_292 = vector.broadcast %jit3A_290 : i32 to vector<16xi32>
          %select_n3A_293 = arith.select %ge3A_282, %broadcast_in_dim3A_291, %broadcast_in_dim3A_292 : vector<16xi1>, vector<16xi32>
          %mul3A_294 = arith.constant 16 : i32
          %mul3A_295 = vector.broadcast %mul3A_294 : i32 to vector<16xi32>
          %mul3A_296 = arith.muli %sub3A_288, %mul3A_295 : vector<16xi32>
          %add3A_297 = arith.addi %mul3A_296, %iota3A : vector<16xi32>
          tpu.vector_store_idx %arg7[%add3A_297], %select_n3A_293 {add = true} : memref<40960xi32, #tpu.memory_space<vmem>>[vector<16xi32>], vector<16xi32>,
          %mul3A_298 = arith.constant 10 : i32
          %mul3A_299 = arith.muli %scan3A_78, %mul3A_298 : i32
          %add3A_300 = arith.constant 7 : i32
          %add3A_301 = arith.addi %mul3A_299, %add3A_300 : i32
          %mul3A_302 = arith.constant 16 : i32
          %mul3A_303 = arith.muli %add3A_301, %mul3A_302 : i32
          %get3A_304 = arith.index_cast %mul3A_303 : i32 to index
          %get3A_305 = tpu.vector_load %arg8[%get3A_304] {strides = array<i32>} : memref<1600xf32, #tpu.memory_space<vmem>>, vector<16xf32>,
          %get3A_306 = arith.index_cast %mul3A_303 : i32 to index
          %get3A_307 = tpu.vector_load %arg10[%get3A_306] {strides = array<i32>} : memref<1600xi32, #tpu.memory_space<vmem>>, vector<16xi32>,
          %mul3A_308 = arith.constant 16 : i32
          %mul3A_309 = vector.broadcast %mul3A_308 : i32 to vector<16xi32>
          %mul3A_310 = arith.muli %get3A_307, %mul3A_309 : vector<16xi32>
          %add3A_311 = arith.addi %mul3A_310, %iota3A : vector<16xi32>
          tpu.vector_store_idx %arg6[%add3A_311], %get3A_305 {add = true} : memref<81920xf32, #tpu.memory_space<vmem>>[vector<16xi32>], vector<16xf32>,
          %ge3A_312 = arith.constant 2560 : i32
          %ge3A_313 = vector.broadcast %ge3A_312 : i32 to vector<16xi32>
          %ge3A_314 = arith.cmpi sge, %get3A_307, %ge3A_313 : vector<16xi32>
          %jit3A_315 = arith.constant 2560 : i32
          %jit3A_316 = arith.constant 0 : i32
          %broadcast_in_dim3A_317 = vector.broadcast %jit3A_315 : i32 to vector<16xi32>
          %broadcast_in_dim3A_318 = vector.broadcast %jit3A_316 : i32 to vector<16xi32>
          %select_n3A_319 = arith.select %ge3A_314, %broadcast_in_dim3A_317, %broadcast_in_dim3A_318 : vector<16xi1>, vector<16xi32>
          %sub3A_320 = arith.subi %get3A_307, %select_n3A_319 : vector<16xi32>
          %jit3A_321 = arith.constant 65536 : i32
          %jit3A_322 = arith.constant 1 : i32
          %broadcast_in_dim3A_323 = vector.broadcast %jit3A_321 : i32 to vector<16xi32>
          %broadcast_in_dim3A_324 = vector.broadcast %jit3A_322 : i32 to vector<16xi32>
          %select_n3A_325 = arith.select %ge3A_314, %broadcast_in_dim3A_323, %broadcast_in_dim3A_324 : vector<16xi1>, vector<16xi32>
          %mul3A_326 = arith.constant 16 : i32
          %mul3A_327 = vector.broadcast %mul3A_326 : i32 to vector<16xi32>
          %mul3A_328 = arith.muli %sub3A_320, %mul3A_327 : vector<16xi32>
          %add3A_329 = arith.addi %mul3A_328, %iota3A : vector<16xi32>
          tpu.vector_store_idx %arg7[%add3A_329], %select_n3A_325 {add = true} : memref<40960xi32, #tpu.memory_space<vmem>>[vector<16xi32>], vector<16xi32>,
          %mul3A_330 = arith.constant 10 : i32
          %mul3A_331 = arith.muli %scan3A_78, %mul3A_330 : i32
          %add3A_332 = arith.constant 8 : i32
          %add3A_333 = arith.addi %mul3A_331, %add3A_332 : i32
          %mul3A_334 = arith.constant 16 : i32
          %mul3A_335 = arith.muli %add3A_333, %mul3A_334 : i32
          %get3A_336 = arith.index_cast %mul3A_335 : i32 to index
          %get3A_337 = tpu.vector_load %arg8[%get3A_336] {strides = array<i32>} : memref<1600xf32, #tpu.memory_space<vmem>>, vector<16xf32>,
          %get3A_338 = arith.index_cast %mul3A_335 : i32 to index
          %get3A_339 = tpu.vector_load %arg10[%get3A_338] {strides = array<i32>} : memref<1600xi32, #tpu.memory_space<vmem>>, vector<16xi32>,
          %mul3A_340 = arith.constant 16 : i32
          %mul3A_341 = vector.broadcast %mul3A_340 : i32 to vector<16xi32>
          %mul3A_342 = arith.muli %get3A_339, %mul3A_341 : vector<16xi32>
          %add3A_343 = arith.addi %mul3A_342, %iota3A : vector<16xi32>
          tpu.vector_store_idx %arg6[%add3A_343], %get3A_337 {add = true} : memref<81920xf32, #tpu.memory_space<vmem>>[vector<16xi32>], vector<16xf32>,
          %ge3A_344 = arith.constant 2560 : i32
          %ge3A_345 = vector.broadcast %ge3A_344 : i32 to vector<16xi32>
          %ge3A_346 = arith.cmpi sge, %get3A_339, %ge3A_345 : vector<16xi32>
          %jit3A_347 = arith.constant 2560 : i32
          %jit3A_348 = arith.constant 0 : i32
          %broadcast_in_dim3A_349 = vector.broadcast %jit3A_347 : i32 to vector<16xi32>
          %broadcast_in_dim3A_350 = vector.broadcast %jit3A_348 : i32 to vector<16xi32>
          %select_n3A_351 = arith.select %ge3A_346, %broadcast_in_dim3A_349, %broadcast_in_dim3A_350 : vector<16xi1>, vector<16xi32>
          %sub3A_352 = arith.subi %get3A_339, %select_n3A_351 : vector<16xi32>
          %jit3A_353 = arith.constant 65536 : i32
          %jit3A_354 = arith.constant 1 : i32
          %broadcast_in_dim3A_355 = vector.broadcast %jit3A_353 : i32 to vector<16xi32>
          %broadcast_in_dim3A_356 = vector.broadcast %jit3A_354 : i32 to vector<16xi32>
          %select_n3A_357 = arith.select %ge3A_346, %broadcast_in_dim3A_355, %broadcast_in_dim3A_356 : vector<16xi1>, vector<16xi32>
          %mul3A_358 = arith.constant 16 : i32
          %mul3A_359 = vector.broadcast %mul3A_358 : i32 to vector<16xi32>
          %mul3A_360 = arith.muli %sub3A_352, %mul3A_359 : vector<16xi32>
          %add3A_361 = arith.addi %mul3A_360, %iota3A : vector<16xi32>
          tpu.vector_store_idx %arg7[%add3A_361], %select_n3A_357 {add = true} : memref<40960xi32, #tpu.memory_space<vmem>>[vector<16xi32>], vector<16xi32>,
          %mul3A_362 = arith.constant 10 : i32
          %mul3A_363 = arith.muli %scan3A_78, %mul3A_362 : i32
          %add3A_364 = arith.constant 9 : i32
          %add3A_365 = arith.addi %mul3A_363, %add3A_364 : i32
          %mul3A_366 = arith.constant 16 : i32
          %mul3A_367 = arith.muli %add3A_365, %mul3A_366 : i32
          %get3A_368 = arith.index_cast %mul3A_367 : i32 to index
          %get3A_369 = tpu.vector_load %arg8[%get3A_368] {strides = array<i32>} : memref<1600xf32, #tpu.memory_space<vmem>>, vector<16xf32>,
          %get3A_370 = arith.index_cast %mul3A_367 : i32 to index
          %get3A_371 = tpu.vector_load %arg10[%get3A_370] {strides = array<i32>} : memref<1600xi32, #tpu.memory_space<vmem>>, vector<16xi32>,
          %mul3A_372 = arith.constant 16 : i32
          %mul3A_373 = vector.broadcast %mul3A_372 : i32 to vector<16xi32>
          %mul3A_374 = arith.muli %get3A_371, %mul3A_373 : vector<16xi32>
          %add3A_375 = arith.addi %mul3A_374, %iota3A : vector<16xi32>
          tpu.vector_store_idx %arg6[%add3A_375], %get3A_369 {add = true} : memref<81920xf32, #tpu.memory_space<vmem>>[vector<16xi32>], vector<16xf32>,
          %ge3A_376 = arith.constant 2560 : i32
          %ge3A_377 = vector.broadcast %ge3A_376 : i32 to vector<16xi32>
          %ge3A_378 = arith.cmpi sge, %get3A_371, %ge3A_377 : vector<16xi32>
          %jit3A_379 = arith.constant 2560 : i32
          %jit3A_380 = arith.constant 0 : i32
          %broadcast_in_dim3A_381 = vector.broadcast %jit3A_379 : i32 to vector<16xi32>
          %broadcast_in_dim3A_382 = vector.broadcast %jit3A_380 : i32 to vector<16xi32>
          %select_n3A_383 = arith.select %ge3A_378, %broadcast_in_dim3A_381, %broadcast_in_dim3A_382 : vector<16xi1>, vector<16xi32>
          %sub3A_384 = arith.subi %get3A_371, %select_n3A_383 : vector<16xi32>
          %jit3A_385 = arith.constant 65536 : i32
          %jit3A_386 = arith.constant 1 : i32
          %broadcast_in_dim3A_387 = vector.broadcast %jit3A_385 : i32 to vector<16xi32>
          %broadcast_in_dim3A_388 = vector.broadcast %jit3A_386 : i32 to vector<16xi32>
          %select_n3A_389 = arith.select %ge3A_378, %broadcast_in_dim3A_387, %broadcast_in_dim3A_388 : vector<16xi1>, vector<16xi32>
          %mul3A_390 = arith.constant 16 : i32
          %mul3A_391 = vector.broadcast %mul3A_390 : i32 to vector<16xi32>
          %mul3A_392 = arith.muli %sub3A_384, %mul3A_391 : vector<16xi32>
          %add3A_393 = arith.addi %mul3A_392, %iota3A : vector<16xi32>
          tpu.vector_store_idx %arg7[%add3A_393], %select_n3A_389 {add = true} : memref<40960xi32, #tpu.memory_space<vmem>>[vector<16xi32>], vector<16xi32>,
        }
        %scan3A_72 = arith.constant 10 : i32
        %lt3A_73 = arith.constant 625 : i32
        %lt3A_74 = arith.cmpi slt, %add3A_50, %lt3A_73 : i32
        %convert_element_type3A_75 = arith.extui %lt3A_74 : i1 to i32
        %cond3A_76 = arith.constant 0 : i32
        %cond3A_77 = arith.cmpi ne, %convert_element_type3A_75, %cond3A_76 : i32
        scf.if %cond3A_77 {
          %mul3A_78 = arith.constant 1600 : i32
          %mul3A_79 = arith.muli %add3A_50, %mul3A_78 : i32
          %dma_wait3A_80 = tpu.memref_slice %arg2[%mul3A_79] : memref<1000000xf32, #tpu.memory_space<hbm>> -> memref<1600xf32, #tpu.memory_space<hbm>>
          %dma_wait3A_81 = tpu.memref_slice %arg2[%mul3A_79] : memref<1000000xf32, #tpu.memory_space<hbm>> -> memref<1600xf32, #tpu.memory_space<hbm>>
          tpu.wait_dma2 semaphore(%arg12 : memref<!tpu.dma_semaphore, #tpu.memory_space<semaphore_mem>>) src(%dma_wait3A_81 : memref<1600xf32, #tpu.memory_space<hbm>>) dst(%arg9 : memref<1600xf32, #tpu.memory_space<vmem>>)
          %mul3A_82 = arith.constant 1600 : i32
          %mul3A_83 = arith.muli %add3A_50, %mul3A_82 : i32
          %dma_wait3A_84 = tpu.memref_slice %arg3[%mul3A_83] : memref<1000000xi32, #tpu.memory_space<hbm>> -> memref<1600xi32, #tpu.memory_space<hbm>>
          %dma_wait3A_85 = tpu.memref_slice %arg3[%mul3A_83] : memref<1000000xi32, #tpu.memory_space<hbm>> -> memref<1600xi32, #tpu.memory_space<hbm>>
          tpu.wait_dma2 semaphore(%arg12 : memref<!tpu.dma_semaphore, #tpu.memory_space<semaphore_mem>>) src(%dma_wait3A_85 : memref<1600xi32, #tpu.memory_space<hbm>>) dst(%arg11 : memref<1600xi32, #tpu.memory_space<vmem>>)
          %lt3A_86 = arith.constant 625 : i32
          %lt3A_87 = arith.cmpi slt, %add3A_52, %lt3A_86 : i32
          %convert_element_type3A_88 = arith.extui %lt3A_87 : i1 to i32
          %cond3A_89 = arith.constant 0 : i32
          %cond3A_90 = arith.cmpi ne, %convert_element_type3A_88, %cond3A_89 : i32
          scf.if %cond3A_90 {
            %mul3A_97 = arith.constant 1600 : i32
            %mul3A_98 = arith.muli %add3A_52, %mul3A_97 : i32
            %dma_start3A_99 = tpu.memref_slice %arg2[%mul3A_98] : memref<1000000xf32, #tpu.memory_space<hbm>> -> memref<1600xf32, #tpu.memory_space<hbm>>
            %dma_start3A_100 = tpu.memref_slice %arg2[%mul3A_98] : memref<1000000xf32, #tpu.memory_space<hbm>> -> memref<1600xf32, #tpu.memory_space<hbm>>
            tpu.enqueue_dma source(%dma_start3A_100 : memref<1600xf32, #tpu.memory_space<hbm>>) target(%arg8 : memref<1600xf32, #tpu.memory_space<vmem>>) target_semaphore(%arg12 : memref<!tpu.dma_semaphore, #tpu.memory_space<semaphore_mem>>)
            %mul3A_101 = arith.constant 1600 : i32
            %mul3A_102 = arith.muli %add3A_52, %mul3A_101 : i32
            %dma_start3A_103 = tpu.memref_slice %arg3[%mul3A_102] : memref<1000000xi32, #tpu.memory_space<hbm>> -> memref<1600xi32, #tpu.memory_space<hbm>>
            %dma_start3A_104 = tpu.memref_slice %arg3[%mul3A_102] : memref<1000000xi32, #tpu.memory_space<hbm>> -> memref<1600xi32, #tpu.memory_space<hbm>>
            tpu.enqueue_dma source(%dma_start3A_104 : memref<1600xi32, #tpu.memory_space<hbm>>) target(%arg10 : memref<1600xi32, #tpu.memory_space<vmem>>) target_semaphore(%arg12 : memref<!tpu.dma_semaphore, #tpu.memory_space<semaphore_mem>>)
          } else {
          }
          %scan3A_91 = arith.constant 0 : i32
          %scan3A_92 = arith.constant 0 : i32
          %scan3A_93 = arith.constant 10 : i32
          %scan3A_94 = arith.addi %scan3A_92, %scan3A_93 : i32
          %scan3A_95 = arith.constant 1 : i32
          scf.for %scan3A_97 = %scan3A_92 to %scan3A_94 step %scan3A_95  : i32 {
            %mul3A_98 = arith.constant 10 : i32
            %mul3A_99 = arith.muli %scan3A_97, %mul3A_98 : i32
            %add3A_100 = arith.constant 0 : i32
            %add3A_101 = arith.addi %mul3A_99, %add3A_100 : i32
            %mul3A_102 = arith.constant 16 : i32
            %mul3A_103 = arith.muli %add3A_101, %mul3A_102 : i32
            %get3A = arith.index_cast %mul3A_103 : i32 to index
            %get3A_104 = tpu.vector_load %arg9[%get3A] {strides = array<i32>} : memref<1600xf32, #tpu.memory_space<vmem>>, vector<16xf32>,
            %get3A_105 = arith.index_cast %mul3A_103 : i32 to index
            %get3A_106 = tpu.vector_load %arg11[%get3A_105] {strides = array<i32>} : memref<1600xi32, #tpu.memory_space<vmem>>, vector<16xi32>,
            %mul3A_107 = arith.constant 16 : i32
            %mul3A_108 = vector.broadcast %mul3A_107 : i32 to vector<16xi32>
            %mul3A_109 = arith.muli %get3A_106, %mul3A_108 : vector<16xi32>
            %add3A_110 = arith.addi %mul3A_109, %iota3A : vector<16xi32>
            tpu.vector_store_idx %arg6[%add3A_110], %get3A_104 {add = true} : memref<81920xf32, #tpu.memory_space<vmem>>[vector<16xi32>], vector<16xf32>,
            %ge3A = arith.constant 2560 : i32
            %ge3A_111 = vector.broadcast %ge3A : i32 to vector<16xi32>
            %ge3A_112 = arith.cmpi sge, %get3A_106, %ge3A_111 : vector<16xi32>
            %jit3A = arith.constant 2560 : i32
            %jit3A_113 = arith.constant 0 : i32
            %broadcast_in_dim3A_114 = vector.broadcast %jit3A : i32 to vector<16xi32>
            %broadcast_in_dim3A_115 = vector.broadcast %jit3A_113 : i32 to vector<16xi32>
            %select_n3A = arith.select %ge3A_112, %broadcast_in_dim3A_114, %broadcast_in_dim3A_115 : vector<16xi1>, vector<16xi32>
            %sub3A = arith.subi %get3A_106, %select_n3A : vector<16xi32>
            %jit3A_116 = arith.constant 65536 : i32
            %jit3A_117 = arith.constant 1 : i32
            %broadcast_in_dim3A_118 = vector.broadcast %jit3A_116 : i32 to vector<16xi32>
            %broadcast_in_dim3A_119 = vector.broadcast %jit3A_117 : i32 to vector<16xi32>
            %select_n3A_120 = arith.select %ge3A_112, %broadcast_in_dim3A_118, %broadcast_in_dim3A_119 : vector<16xi1>, vector<16xi32>
            %mul3A_121 = arith.constant 16 : i32
            %mul3A_122 = vector.broadcast %mul3A_121 : i32 to vector<16xi32>
            %mul3A_123 = arith.muli %sub3A, %mul3A_122 : vector<16xi32>
            %add3A_124 = arith.addi %mul3A_123, %iota3A : vector<16xi32>
            tpu.vector_store_idx %arg7[%add3A_124], %select_n3A_120 {add = true} : memref<40960xi32, #tpu.memory_space<vmem>>[vector<16xi32>], vector<16xi32>,
            %mul3A_125 = arith.constant 10 : i32
            %mul3A_126 = arith.muli %scan3A_97, %mul3A_125 : i32
            %add3A_127 = arith.constant 1 : i32
            %add3A_128 = arith.addi %mul3A_126, %add3A_127 : i32
            %mul3A_129 = arith.constant 16 : i32
            %mul3A_130 = arith.muli %add3A_128, %mul3A_129 : i32
            %get3A_131 = arith.index_cast %mul3A_130 : i32 to index
            %get3A_132 = tpu.vector_load %arg9[%get3A_131] {strides = array<i32>} : memref<1600xf32, #tpu.memory_space<vmem>>, vector<16xf32>,
            %get3A_133 = arith.index_cast %mul3A_130 : i32 to index
            %get3A_134 = tpu.vector_load %arg11[%get3A_133] {strides = array<i32>} : memref<1600xi32, #tpu.memory_space<vmem>>, vector<16xi32>,
            %mul3A_135 = arith.constant 16 : i32
            %mul3A_136 = vector.broadcast %mul3A_135 : i32 to vector<16xi32>
            %mul3A_137 = arith.muli %get3A_134, %mul3A_136 : vector<16xi32>
            %add3A_138 = arith.addi %mul3A_137, %iota3A : vector<16xi32>
            tpu.vector_store_idx %arg6[%add3A_138], %get3A_132 {add = true} : memref<81920xf32, #tpu.memory_space<vmem>>[vector<16xi32>], vector<16xf32>,
            %ge3A_139 = arith.constant 2560 : i32
            %ge3A_140 = vector.broadcast %ge3A_139 : i32 to vector<16xi32>
            %ge3A_141 = arith.cmpi sge, %get3A_134, %ge3A_140 : vector<16xi32>
            %jit3A_142 = arith.constant 2560 : i32
            %jit3A_143 = arith.constant 0 : i32
            %broadcast_in_dim3A_144 = vector.broadcast %jit3A_142 : i32 to vector<16xi32>
            %broadcast_in_dim3A_145 = vector.broadcast %jit3A_143 : i32 to vector<16xi32>
            %select_n3A_146 = arith.select %ge3A_141, %broadcast_in_dim3A_144, %broadcast_in_dim3A_145 : vector<16xi1>, vector<16xi32>
            %sub3A_147 = arith.subi %get3A_134, %select_n3A_146 : vector<16xi32>
            %jit3A_148 = arith.constant 65536 : i32
            %jit3A_149 = arith.constant 1 : i32
            %broadcast_in_dim3A_150 = vector.broadcast %jit3A_148 : i32 to vector<16xi32>
            %broadcast_in_dim3A_151 = vector.broadcast %jit3A_149 : i32 to vector<16xi32>
            %select_n3A_152 = arith.select %ge3A_141, %broadcast_in_dim3A_150, %broadcast_in_dim3A_151 : vector<16xi1>, vector<16xi32>
            %mul3A_153 = arith.constant 16 : i32
            %mul3A_154 = vector.broadcast %mul3A_153 : i32 to vector<16xi32>
            %mul3A_155 = arith.muli %sub3A_147, %mul3A_154 : vector<16xi32>
            %add3A_156 = arith.addi %mul3A_155, %iota3A : vector<16xi32>
            tpu.vector_store_idx %arg7[%add3A_156], %select_n3A_152 {add = true} : memref<40960xi32, #tpu.memory_space<vmem>>[vector<16xi32>], vector<16xi32>,
            %mul3A_157 = arith.constant 10 : i32
            %mul3A_158 = arith.muli %scan3A_97, %mul3A_157 : i32
            %add3A_159 = arith.constant 2 : i32
            %add3A_160 = arith.addi %mul3A_158, %add3A_159 : i32
            %mul3A_161 = arith.constant 16 : i32
            %mul3A_162 = arith.muli %add3A_160, %mul3A_161 : i32
            %get3A_163 = arith.index_cast %mul3A_162 : i32 to index
            %get3A_164 = tpu.vector_load %arg9[%get3A_163] {strides = array<i32>} : memref<1600xf32, #tpu.memory_space<vmem>>, vector<16xf32>,
            %get3A_165 = arith.index_cast %mul3A_162 : i32 to index
            %get3A_166 = tpu.vector_load %arg11[%get3A_165] {strides = array<i32>} : memref<1600xi32, #tpu.memory_space<vmem>>, vector<16xi32>,
            %mul3A_167 = arith.constant 16 : i32
            %mul3A_168 = vector.broadcast %mul3A_167 : i32 to vector<16xi32>
            %mul3A_169 = arith.muli %get3A_166, %mul3A_168 : vector<16xi32>
            %add3A_170 = arith.addi %mul3A_169, %iota3A : vector<16xi32>
            tpu.vector_store_idx %arg6[%add3A_170], %get3A_164 {add = true} : memref<81920xf32, #tpu.memory_space<vmem>>[vector<16xi32>], vector<16xf32>,
            %ge3A_171 = arith.constant 2560 : i32
            %ge3A_172 = vector.broadcast %ge3A_171 : i32 to vector<16xi32>
            %ge3A_173 = arith.cmpi sge, %get3A_166, %ge3A_172 : vector<16xi32>
            %jit3A_174 = arith.constant 2560 : i32
            %jit3A_175 = arith.constant 0 : i32
            %broadcast_in_dim3A_176 = vector.broadcast %jit3A_174 : i32 to vector<16xi32>
            %broadcast_in_dim3A_177 = vector.broadcast %jit3A_175 : i32 to vector<16xi32>
            %select_n3A_178 = arith.select %ge3A_173, %broadcast_in_dim3A_176, %broadcast_in_dim3A_177 : vector<16xi1>, vector<16xi32>
            %sub3A_179 = arith.subi %get3A_166, %select_n3A_178 : vector<16xi32>
            %jit3A_180 = arith.constant 65536 : i32
            %jit3A_181 = arith.constant 1 : i32
            %broadcast_in_dim3A_182 = vector.broadcast %jit3A_180 : i32 to vector<16xi32>
            %broadcast_in_dim3A_183 = vector.broadcast %jit3A_181 : i32 to vector<16xi32>
            %select_n3A_184 = arith.select %ge3A_173, %broadcast_in_dim3A_182, %broadcast_in_dim3A_183 : vector<16xi1>, vector<16xi32>
            %mul3A_185 = arith.constant 16 : i32
            %mul3A_186 = vector.broadcast %mul3A_185 : i32 to vector<16xi32>
            %mul3A_187 = arith.muli %sub3A_179, %mul3A_186 : vector<16xi32>
            %add3A_188 = arith.addi %mul3A_187, %iota3A : vector<16xi32>
            tpu.vector_store_idx %arg7[%add3A_188], %select_n3A_184 {add = true} : memref<40960xi32, #tpu.memory_space<vmem>>[vector<16xi32>], vector<16xi32>,
            %mul3A_189 = arith.constant 10 : i32
            %mul3A_190 = arith.muli %scan3A_97, %mul3A_189 : i32
            %add3A_191 = arith.constant 3 : i32
            %add3A_192 = arith.addi %mul3A_190, %add3A_191 : i32
            %mul3A_193 = arith.constant 16 : i32
            %mul3A_194 = arith.muli %add3A_192, %mul3A_193 : i32
            %get3A_195 = arith.index_cast %mul3A_194 : i32 to index
            %get3A_196 = tpu.vector_load %arg9[%get3A_195] {strides = array<i32>} : memref<1600xf32, #tpu.memory_space<vmem>>, vector<16xf32>,
            %get3A_197 = arith.index_cast %mul3A_194 : i32 to index
            %get3A_198 = tpu.vector_load %arg11[%get3A_197] {strides = array<i32>} : memref<1600xi32, #tpu.memory_space<vmem>>, vector<16xi32>,
            %mul3A_199 = arith.constant 16 : i32
            %mul3A_200 = vector.broadcast %mul3A_199 : i32 to vector<16xi32>
            %mul3A_201 = arith.muli %get3A_198, %mul3A_200 : vector<16xi32>
            %add3A_202 = arith.addi %mul3A_201, %iota3A : vector<16xi32>
            tpu.vector_store_idx %arg6[%add3A_202], %get3A_196 {add = true} : memref<81920xf32, #tpu.memory_space<vmem>>[vector<16xi32>], vector<16xf32>,
            %ge3A_203 = arith.constant 2560 : i32
            %ge3A_204 = vector.broadcast %ge3A_203 : i32 to vector<16xi32>
            %ge3A_205 = arith.cmpi sge, %get3A_198, %ge3A_204 : vector<16xi32>
            %jit3A_206 = arith.constant 2560 : i32
            %jit3A_207 = arith.constant 0 : i32
            %broadcast_in_dim3A_208 = vector.broadcast %jit3A_206 : i32 to vector<16xi32>
            %broadcast_in_dim3A_209 = vector.broadcast %jit3A_207 : i32 to vector<16xi32>
            %select_n3A_210 = arith.select %ge3A_205, %broadcast_in_dim3A_208, %broadcast_in_dim3A_209 : vector<16xi1>, vector<16xi32>
            %sub3A_211 = arith.subi %get3A_198, %select_n3A_210 : vector<16xi32>
            %jit3A_212 = arith.constant 65536 : i32
            %jit3A_213 = arith.constant 1 : i32
            %broadcast_in_dim3A_214 = vector.broadcast %jit3A_212 : i32 to vector<16xi32>
            %broadcast_in_dim3A_215 = vector.broadcast %jit3A_213 : i32 to vector<16xi32>
            %select_n3A_216 = arith.select %ge3A_205, %broadcast_in_dim3A_214, %broadcast_in_dim3A_215 : vector<16xi1>, vector<16xi32>
            %mul3A_217 = arith.constant 16 : i32
            %mul3A_218 = vector.broadcast %mul3A_217 : i32 to vector<16xi32>
            %mul3A_219 = arith.muli %sub3A_211, %mul3A_218 : vector<16xi32>
            %add3A_220 = arith.addi %mul3A_219, %iota3A : vector<16xi32>
            tpu.vector_store_idx %arg7[%add3A_220], %select_n3A_216 {add = true} : memref<40960xi32, #tpu.memory_space<vmem>>[vector<16xi32>], vector<16xi32>,
            %mul3A_221 = arith.constant 10 : i32
            %mul3A_222 = arith.muli %scan3A_97, %mul3A_221 : i32
            %add3A_223 = arith.constant 4 : i32
            %add3A_224 = arith.addi %mul3A_222, %add3A_223 : i32
            %mul3A_225 = arith.constant 16 : i32
            %mul3A_226 = arith.muli %add3A_224, %mul3A_225 : i32
            %get3A_227 = arith.index_cast %mul3A_226 : i32 to index
            %get3A_228 = tpu.vector_load %arg9[%get3A_227] {strides = array<i32>} : memref<1600xf32, #tpu.memory_space<vmem>>, vector<16xf32>,
            %get3A_229 = arith.index_cast %mul3A_226 : i32 to index
            %get3A_230 = tpu.vector_load %arg11[%get3A_229] {strides = array<i32>} : memref<1600xi32, #tpu.memory_space<vmem>>, vector<16xi32>,
            %mul3A_231 = arith.constant 16 : i32
            %mul3A_232 = vector.broadcast %mul3A_231 : i32 to vector<16xi32>
            %mul3A_233 = arith.muli %get3A_230, %mul3A_232 : vector<16xi32>
            %add3A_234 = arith.addi %mul3A_233, %iota3A : vector<16xi32>
            tpu.vector_store_idx %arg6[%add3A_234], %get3A_228 {add = true} : memref<81920xf32, #tpu.memory_space<vmem>>[vector<16xi32>], vector<16xf32>,
            %ge3A_235 = arith.constant 2560 : i32
            %ge3A_236 = vector.broadcast %ge3A_235 : i32 to vector<16xi32>
            %ge3A_237 = arith.cmpi sge, %get3A_230, %ge3A_236 : vector<16xi32>
            %jit3A_238 = arith.constant 2560 : i32
            %jit3A_239 = arith.constant 0 : i32
            %broadcast_in_dim3A_240 = vector.broadcast %jit3A_238 : i32 to vector<16xi32>
            %broadcast_in_dim3A_241 = vector.broadcast %jit3A_239 : i32 to vector<16xi32>
            %select_n3A_242 = arith.select %ge3A_237, %broadcast_in_dim3A_240, %broadcast_in_dim3A_241 : vector<16xi1>, vector<16xi32>
            %sub3A_243 = arith.subi %get3A_230, %select_n3A_242 : vector<16xi32>
            %jit3A_244 = arith.constant 65536 : i32
            %jit3A_245 = arith.constant 1 : i32
            %broadcast_in_dim3A_246 = vector.broadcast %jit3A_244 : i32 to vector<16xi32>
            %broadcast_in_dim3A_247 = vector.broadcast %jit3A_245 : i32 to vector<16xi32>
            %select_n3A_248 = arith.select %ge3A_237, %broadcast_in_dim3A_246, %broadcast_in_dim3A_247 : vector<16xi1>, vector<16xi32>
            %mul3A_249 = arith.constant 16 : i32
            %mul3A_250 = vector.broadcast %mul3A_249 : i32 to vector<16xi32>
            %mul3A_251 = arith.muli %sub3A_243, %mul3A_250 : vector<16xi32>
            %add3A_252 = arith.addi %mul3A_251, %iota3A : vector<16xi32>
            tpu.vector_store_idx %arg7[%add3A_252], %select_n3A_248 {add = true} : memref<40960xi32, #tpu.memory_space<vmem>>[vector<16xi32>], vector<16xi32>,
            %mul3A_253 = arith.constant 10 : i32
            %mul3A_254 = arith.muli %scan3A_97, %mul3A_253 : i32
            %add3A_255 = arith.constant 5 : i32
            %add3A_256 = arith.addi %mul3A_254, %add3A_255 : i32
            %mul3A_257 = arith.constant 16 : i32
            %mul3A_258 = arith.muli %add3A_256, %mul3A_257 : i32
            %get3A_259 = arith.index_cast %mul3A_258 : i32 to index
            %get3A_260 = tpu.vector_load %arg9[%get3A_259] {strides = array<i32>} : memref<1600xf32, #tpu.memory_space<vmem>>, vector<16xf32>,
            %get3A_261 = arith.index_cast %mul3A_258 : i32 to index
            %get3A_262 = tpu.vector_load %arg11[%get3A_261] {strides = array<i32>} : memref<1600xi32, #tpu.memory_space<vmem>>, vector<16xi32>,
            %mul3A_263 = arith.constant 16 : i32
            %mul3A_264 = vector.broadcast %mul3A_263 : i32 to vector<16xi32>
            %mul3A_265 = arith.muli %get3A_262, %mul3A_264 : vector<16xi32>
            %add3A_266 = arith.addi %mul3A_265, %iota3A : vector<16xi32>
            tpu.vector_store_idx %arg6[%add3A_266], %get3A_260 {add = true} : memref<81920xf32, #tpu.memory_space<vmem>>[vector<16xi32>], vector<16xf32>,
            %ge3A_267 = arith.constant 2560 : i32
            %ge3A_268 = vector.broadcast %ge3A_267 : i32 to vector<16xi32>
            %ge3A_269 = arith.cmpi sge, %get3A_262, %ge3A_268 : vector<16xi32>
            %jit3A_270 = arith.constant 2560 : i32
            %jit3A_271 = arith.constant 0 : i32
            %broadcast_in_dim3A_272 = vector.broadcast %jit3A_270 : i32 to vector<16xi32>
            %broadcast_in_dim3A_273 = vector.broadcast %jit3A_271 : i32 to vector<16xi32>
            %select_n3A_274 = arith.select %ge3A_269, %broadcast_in_dim3A_272, %broadcast_in_dim3A_273 : vector<16xi1>, vector<16xi32>
            %sub3A_275 = arith.subi %get3A_262, %select_n3A_274 : vector<16xi32>
            %jit3A_276 = arith.constant 65536 : i32
            %jit3A_277 = arith.constant 1 : i32
            %broadcast_in_dim3A_278 = vector.broadcast %jit3A_276 : i32 to vector<16xi32>
            %broadcast_in_dim3A_279 = vector.broadcast %jit3A_277 : i32 to vector<16xi32>
            %select_n3A_280 = arith.select %ge3A_269, %broadcast_in_dim3A_278, %broadcast_in_dim3A_279 : vector<16xi1>, vector<16xi32>
            %mul3A_281 = arith.constant 16 : i32
            %mul3A_282 = vector.broadcast %mul3A_281 : i32 to vector<16xi32>
            %mul3A_283 = arith.muli %sub3A_275, %mul3A_282 : vector<16xi32>
            %add3A_284 = arith.addi %mul3A_283, %iota3A : vector<16xi32>
            tpu.vector_store_idx %arg7[%add3A_284], %select_n3A_280 {add = true} : memref<40960xi32, #tpu.memory_space<vmem>>[vector<16xi32>], vector<16xi32>,
            %mul3A_285 = arith.constant 10 : i32
            %mul3A_286 = arith.muli %scan3A_97, %mul3A_285 : i32
            %add3A_287 = arith.constant 6 : i32
            %add3A_288 = arith.addi %mul3A_286, %add3A_287 : i32
            %mul3A_289 = arith.constant 16 : i32
            %mul3A_290 = arith.muli %add3A_288, %mul3A_289 : i32
            %get3A_291 = arith.index_cast %mul3A_290 : i32 to index
            %get3A_292 = tpu.vector_load %arg9[%get3A_291] {strides = array<i32>} : memref<1600xf32, #tpu.memory_space<vmem>>, vector<16xf32>,
            %get3A_293 = arith.index_cast %mul3A_290 : i32 to index
            %get3A_294 = tpu.vector_load %arg11[%get3A_293] {strides = array<i32>} : memref<1600xi32, #tpu.memory_space<vmem>>, vector<16xi32>,
            %mul3A_295 = arith.constant 16 : i32
            %mul3A_296 = vector.broadcast %mul3A_295 : i32 to vector<16xi32>
            %mul3A_297 = arith.muli %get3A_294, %mul3A_296 : vector<16xi32>
            %add3A_298 = arith.addi %mul3A_297, %iota3A : vector<16xi32>
            tpu.vector_store_idx %arg6[%add3A_298], %get3A_292 {add = true} : memref<81920xf32, #tpu.memory_space<vmem>>[vector<16xi32>], vector<16xf32>,
            %ge3A_299 = arith.constant 2560 : i32
            %ge3A_300 = vector.broadcast %ge3A_299 : i32 to vector<16xi32>
            %ge3A_301 = arith.cmpi sge, %get3A_294, %ge3A_300 : vector<16xi32>
            %jit3A_302 = arith.constant 2560 : i32
            %jit3A_303 = arith.constant 0 : i32
            %broadcast_in_dim3A_304 = vector.broadcast %jit3A_302 : i32 to vector<16xi32>
            %broadcast_in_dim3A_305 = vector.broadcast %jit3A_303 : i32 to vector<16xi32>
            %select_n3A_306 = arith.select %ge3A_301, %broadcast_in_dim3A_304, %broadcast_in_dim3A_305 : vector<16xi1>, vector<16xi32>
            %sub3A_307 = arith.subi %get3A_294, %select_n3A_306 : vector<16xi32>
            %jit3A_308 = arith.constant 65536 : i32
            %jit3A_309 = arith.constant 1 : i32
            %broadcast_in_dim3A_310 = vector.broadcast %jit3A_308 : i32 to vector<16xi32>
            %broadcast_in_dim3A_311 = vector.broadcast %jit3A_309 : i32 to vector<16xi32>
            %select_n3A_312 = arith.select %ge3A_301, %broadcast_in_dim3A_310, %broadcast_in_dim3A_311 : vector<16xi1>, vector<16xi32>
            %mul3A_313 = arith.constant 16 : i32
            %mul3A_314 = vector.broadcast %mul3A_313 : i32 to vector<16xi32>
            %mul3A_315 = arith.muli %sub3A_307, %mul3A_314 : vector<16xi32>
            %add3A_316 = arith.addi %mul3A_315, %iota3A : vector<16xi32>
            tpu.vector_store_idx %arg7[%add3A_316], %select_n3A_312 {add = true} : memref<40960xi32, #tpu.memory_space<vmem>>[vector<16xi32>], vector<16xi32>,
            %mul3A_317 = arith.constant 10 : i32
            %mul3A_318 = arith.muli %scan3A_97, %mul3A_317 : i32
            %add3A_319 = arith.constant 7 : i32
            %add3A_320 = arith.addi %mul3A_318, %add3A_319 : i32
            %mul3A_321 = arith.constant 16 : i32
            %mul3A_322 = arith.muli %add3A_320, %mul3A_321 : i32
            %get3A_323 = arith.index_cast %mul3A_322 : i32 to index
            %get3A_324 = tpu.vector_load %arg9[%get3A_323] {strides = array<i32>} : memref<1600xf32, #tpu.memory_space<vmem>>, vector<16xf32>,
            %get3A_325 = arith.index_cast %mul3A_322 : i32 to index
            %get3A_326 = tpu.vector_load %arg11[%get3A_325] {strides = array<i32>} : memref<1600xi32, #tpu.memory_space<vmem>>, vector<16xi32>,
            %mul3A_327 = arith.constant 16 : i32
            %mul3A_328 = vector.broadcast %mul3A_327 : i32 to vector<16xi32>
            %mul3A_329 = arith.muli %get3A_326, %mul3A_328 : vector<16xi32>
            %add3A_330 = arith.addi %mul3A_329, %iota3A : vector<16xi32>
            tpu.vector_store_idx %arg6[%add3A_330], %get3A_324 {add = true} : memref<81920xf32, #tpu.memory_space<vmem>>[vector<16xi32>], vector<16xf32>,
            %ge3A_331 = arith.constant 2560 : i32
            %ge3A_332 = vector.broadcast %ge3A_331 : i32 to vector<16xi32>
            %ge3A_333 = arith.cmpi sge, %get3A_326, %ge3A_332 : vector<16xi32>
            %jit3A_334 = arith.constant 2560 : i32
            %jit3A_335 = arith.constant 0 : i32
            %broadcast_in_dim3A_336 = vector.broadcast %jit3A_334 : i32 to vector<16xi32>
            %broadcast_in_dim3A_337 = vector.broadcast %jit3A_335 : i32 to vector<16xi32>
            %select_n3A_338 = arith.select %ge3A_333, %broadcast_in_dim3A_336, %broadcast_in_dim3A_337 : vector<16xi1>, vector<16xi32>
            %sub3A_339 = arith.subi %get3A_326, %select_n3A_338 : vector<16xi32>
            %jit3A_340 = arith.constant 65536 : i32
            %jit3A_341 = arith.constant 1 : i32
            %broadcast_in_dim3A_342 = vector.broadcast %jit3A_340 : i32 to vector<16xi32>
            %broadcast_in_dim3A_343 = vector.broadcast %jit3A_341 : i32 to vector<16xi32>
            %select_n3A_344 = arith.select %ge3A_333, %broadcast_in_dim3A_342, %broadcast_in_dim3A_343 : vector<16xi1>, vector<16xi32>
            %mul3A_345 = arith.constant 16 : i32
            %mul3A_346 = vector.broadcast %mul3A_345 : i32 to vector<16xi32>
            %mul3A_347 = arith.muli %sub3A_339, %mul3A_346 : vector<16xi32>
            %add3A_348 = arith.addi %mul3A_347, %iota3A : vector<16xi32>
            tpu.vector_store_idx %arg7[%add3A_348], %select_n3A_344 {add = true} : memref<40960xi32, #tpu.memory_space<vmem>>[vector<16xi32>], vector<16xi32>,
            %mul3A_349 = arith.constant 10 : i32
            %mul3A_350 = arith.muli %scan3A_97, %mul3A_349 : i32
            %add3A_351 = arith.constant 8 : i32
            %add3A_352 = arith.addi %mul3A_350, %add3A_351 : i32
            %mul3A_353 = arith.constant 16 : i32
            %mul3A_354 = arith.muli %add3A_352, %mul3A_353 : i32
            %get3A_355 = arith.index_cast %mul3A_354 : i32 to index
            %get3A_356 = tpu.vector_load %arg9[%get3A_355] {strides = array<i32>} : memref<1600xf32, #tpu.memory_space<vmem>>, vector<16xf32>,
            %get3A_357 = arith.index_cast %mul3A_354 : i32 to index
            %get3A_358 = tpu.vector_load %arg11[%get3A_357] {strides = array<i32>} : memref<1600xi32, #tpu.memory_space<vmem>>, vector<16xi32>,
            %mul3A_359 = arith.constant 16 : i32
            %mul3A_360 = vector.broadcast %mul3A_359 : i32 to vector<16xi32>
            %mul3A_361 = arith.muli %get3A_358, %mul3A_360 : vector<16xi32>
            %add3A_362 = arith.addi %mul3A_361, %iota3A : vector<16xi32>
            tpu.vector_store_idx %arg6[%add3A_362], %get3A_356 {add = true} : memref<81920xf32, #tpu.memory_space<vmem>>[vector<16xi32>], vector<16xf32>,
            %ge3A_363 = arith.constant 2560 : i32
            %ge3A_364 = vector.broadcast %ge3A_363 : i32 to vector<16xi32>
            %ge3A_365 = arith.cmpi sge, %get3A_358, %ge3A_364 : vector<16xi32>
            %jit3A_366 = arith.constant 2560 : i32
            %jit3A_367 = arith.constant 0 : i32
            %broadcast_in_dim3A_368 = vector.broadcast %jit3A_366 : i32 to vector<16xi32>
            %broadcast_in_dim3A_369 = vector.broadcast %jit3A_367 : i32 to vector<16xi32>
            %select_n3A_370 = arith.select %ge3A_365, %broadcast_in_dim3A_368, %broadcast_in_dim3A_369 : vector<16xi1>, vector<16xi32>
            %sub3A_371 = arith.subi %get3A_358, %select_n3A_370 : vector<16xi32>
            %jit3A_372 = arith.constant 65536 : i32
            %jit3A_373 = arith.constant 1 : i32
            %broadcast_in_dim3A_374 = vector.broadcast %jit3A_372 : i32 to vector<16xi32>
            %broadcast_in_dim3A_375 = vector.broadcast %jit3A_373 : i32 to vector<16xi32>
            %select_n3A_376 = arith.select %ge3A_365, %broadcast_in_dim3A_374, %broadcast_in_dim3A_375 : vector<16xi1>, vector<16xi32>
            %mul3A_377 = arith.constant 16 : i32
            %mul3A_378 = vector.broadcast %mul3A_377 : i32 to vector<16xi32>
            %mul3A_379 = arith.muli %sub3A_371, %mul3A_378 : vector<16xi32>
            %add3A_380 = arith.addi %mul3A_379, %iota3A : vector<16xi32>
            tpu.vector_store_idx %arg7[%add3A_380], %select_n3A_376 {add = true} : memref<40960xi32, #tpu.memory_space<vmem>>[vector<16xi32>], vector<16xi32>,
            %mul3A_381 = arith.constant 10 : i32
            %mul3A_382 = arith.muli %scan3A_97, %mul3A_381 : i32
            %add3A_383 = arith.constant 9 : i32
            %add3A_384 = arith.addi %mul3A_382, %add3A_383 : i32
            %mul3A_385 = arith.constant 16 : i32
            %mul3A_386 = arith.muli %add3A_384, %mul3A_385 : i32
            %get3A_387 = arith.index_cast %mul3A_386 : i32 to index
            %get3A_388 = tpu.vector_load %arg9[%get3A_387] {strides = array<i32>} : memref<1600xf32, #tpu.memory_space<vmem>>, vector<16xf32>,
            %get3A_389 = arith.index_cast %mul3A_386 : i32 to index
            %get3A_390 = tpu.vector_load %arg11[%get3A_389] {strides = array<i32>} : memref<1600xi32, #tpu.memory_space<vmem>>, vector<16xi32>,
            %mul3A_391 = arith.constant 16 : i32
            %mul3A_392 = vector.broadcast %mul3A_391 : i32 to vector<16xi32>
            %mul3A_393 = arith.muli %get3A_390, %mul3A_392 : vector<16xi32>
            %add3A_394 = arith.addi %mul3A_393, %iota3A : vector<16xi32>
            tpu.vector_store_idx %arg6[%add3A_394], %get3A_388 {add = true} : memref<81920xf32, #tpu.memory_space<vmem>>[vector<16xi32>], vector<16xf32>,
            %ge3A_395 = arith.constant 2560 : i32
            %ge3A_396 = vector.broadcast %ge3A_395 : i32 to vector<16xi32>
            %ge3A_397 = arith.cmpi sge, %get3A_390, %ge3A_396 : vector<16xi32>
            %jit3A_398 = arith.constant 2560 : i32
            %jit3A_399 = arith.constant 0 : i32
            %broadcast_in_dim3A_400 = vector.broadcast %jit3A_398 : i32 to vector<16xi32>
            %broadcast_in_dim3A_401 = vector.broadcast %jit3A_399 : i32 to vector<16xi32>
            %select_n3A_402 = arith.select %ge3A_397, %broadcast_in_dim3A_400, %broadcast_in_dim3A_401 : vector<16xi1>, vector<16xi32>
            %sub3A_403 = arith.subi %get3A_390, %select_n3A_402 : vector<16xi32>
            %jit3A_404 = arith.constant 65536 : i32
            %jit3A_405 = arith.constant 1 : i32
            %broadcast_in_dim3A_406 = vector.broadcast %jit3A_404 : i32 to vector<16xi32>
            %broadcast_in_dim3A_407 = vector.broadcast %jit3A_405 : i32 to vector<16xi32>
            %select_n3A_408 = arith.select %ge3A_397, %broadcast_in_dim3A_406, %broadcast_in_dim3A_407 : vector<16xi1>, vector<16xi32>
            %mul3A_409 = arith.constant 16 : i32
            %mul3A_410 = vector.broadcast %mul3A_409 : i32 to vector<16xi32>
            %mul3A_411 = arith.muli %sub3A_403, %mul3A_410 : vector<16xi32>
            %add3A_412 = arith.addi %mul3A_411, %iota3A : vector<16xi32>
            tpu.vector_store_idx %arg7[%add3A_412], %select_n3A_408 {add = true} : memref<40960xi32, #tpu.memory_space<vmem>>[vector<16xi32>], vector<16xi32>,
          }
          %scan3A_96 = arith.constant 10 : i32
        } else {
        }
      } else {
      }
    }
    %scan3A_30 = arith.constant 10 : i32
    %scan3A_31 = arith.constant 0 : i32
    %scan3A_32 = arith.constant 0 : i32
    %scan3A_33 = arith.constant 320 : i32
    %scan3A_34 = arith.addi %scan3A_32, %scan3A_33 : i32
    %scan3A_35 = arith.constant 1 : i32
    scf.for %scan3A_43 = %scan3A_32 to %scan3A_34 step %scan3A_35  : i32 {
      %mul3A_44 = arith.constant 256 : i32
      %mul3A_45 = arith.muli %scan3A_43, %mul3A_44 : i32
      %add3A_46 = vector.broadcast %mul3A_45 : i32 to vector<16xi32>
      %add3A_47 = arith.addi %mul3A_3, %add3A_46 : vector<16xi32>
      %gather3A = tpu.vector_load_idx %arg6[%add3A_47] : memref<81920xf32, #tpu.memory_space<vmem>>[vector<16xi32>], vector<16xf32>,
      %add3A_48 = arith.constant 1 : i32
      %add3A_49 = arith.addi %mul3A_45, %add3A_48 : i32
      %add3A_50 = vector.broadcast %add3A_49 : i32 to vector<16xi32>
      %add3A_51 = arith.addi %mul3A_3, %add3A_50 : vector<16xi32>
      %gather3A_52 = tpu.vector_load_idx %arg6[%add3A_51] : memref<81920xf32, #tpu.memory_space<vmem>>[vector<16xi32>], vector<16xf32>,
      %add3A_53 = arith.addf %gather3A, %gather3A_52 : vector<16xf32>
      %add3A_54 = arith.constant 2 : i32
      %add3A_55 = arith.addi %mul3A_45, %add3A_54 : i32
      %add3A_56 = vector.broadcast %add3A_55 : i32 to vector<16xi32>
      %add3A_57 = arith.addi %mul3A_3, %add3A_56 : vector<16xi32>
      %gather3A_58 = tpu.vector_load_idx %arg6[%add3A_57] : memref<81920xf32, #tpu.memory_space<vmem>>[vector<16xi32>], vector<16xf32>,
      %add3A_59 = arith.addf %add3A_53, %gather3A_58 : vector<16xf32>
      %add3A_60 = arith.constant 3 : i32
      %add3A_61 = arith.addi %mul3A_45, %add3A_60 : i32
      %add3A_62 = vector.broadcast %add3A_61 : i32 to vector<16xi32>
      %add3A_63 = arith.addi %mul3A_3, %add3A_62 : vector<16xi32>
      %gather3A_64 = tpu.vector_load_idx %arg6[%add3A_63] : memref<81920xf32, #tpu.memory_space<vmem>>[vector<16xi32>], vector<16xf32>,
      %add3A_65 = arith.addf %add3A_59, %gather3A_64 : vector<16xf32>
      %add3A_66 = arith.constant 4 : i32
      %add3A_67 = arith.addi %mul3A_45, %add3A_66 : i32
      %add3A_68 = vector.broadcast %add3A_67 : i32 to vector<16xi32>
      %add3A_69 = arith.addi %mul3A_3, %add3A_68 : vector<16xi32>
      %gather3A_70 = tpu.vector_load_idx %arg6[%add3A_69] : memref<81920xf32, #tpu.memory_space<vmem>>[vector<16xi32>], vector<16xf32>,
      %add3A_71 = arith.addf %add3A_65, %gather3A_70 : vector<16xf32>
      %add3A_72 = arith.constant 5 : i32
      %add3A_73 = arith.addi %mul3A_45, %add3A_72 : i32
      %add3A_74 = vector.broadcast %add3A_73 : i32 to vector<16xi32>
      %add3A_75 = arith.addi %mul3A_3, %add3A_74 : vector<16xi32>
      %gather3A_76 = tpu.vector_load_idx %arg6[%add3A_75] : memref<81920xf32, #tpu.memory_space<vmem>>[vector<16xi32>], vector<16xf32>,
      %add3A_77 = arith.addf %add3A_71, %gather3A_76 : vector<16xf32>
      %add3A_78 = arith.constant 6 : i32
      %add3A_79 = arith.addi %mul3A_45, %add3A_78 : i32
      %add3A_80 = vector.broadcast %add3A_79 : i32 to vector<16xi32>
      %add3A_81 = arith.addi %mul3A_3, %add3A_80 : vector<16xi32>
      %gather3A_82 = tpu.vector_load_idx %arg6[%add3A_81] : memref<81920xf32, #tpu.memory_space<vmem>>[vector<16xi32>], vector<16xf32>,
      %add3A_83 = arith.addf %add3A_77, %gather3A_82 : vector<16xf32>
      %add3A_84 = arith.constant 7 : i32
      %add3A_85 = arith.addi %mul3A_45, %add3A_84 : i32
      %add3A_86 = vector.broadcast %add3A_85 : i32 to vector<16xi32>
      %add3A_87 = arith.addi %mul3A_3, %add3A_86 : vector<16xi32>
      %gather3A_88 = tpu.vector_load_idx %arg6[%add3A_87] : memref<81920xf32, #tpu.memory_space<vmem>>[vector<16xi32>], vector<16xf32>,
      %add3A_89 = arith.addf %add3A_83, %gather3A_88 : vector<16xf32>
      %add3A_90 = arith.constant 8 : i32
      %add3A_91 = arith.addi %mul3A_45, %add3A_90 : i32
      %add3A_92 = vector.broadcast %add3A_91 : i32 to vector<16xi32>
      %add3A_93 = arith.addi %mul3A_3, %add3A_92 : vector<16xi32>
      %gather3A_94 = tpu.vector_load_idx %arg6[%add3A_93] : memref<81920xf32, #tpu.memory_space<vmem>>[vector<16xi32>], vector<16xf32>,
      %add3A_95 = arith.addf %add3A_89, %gather3A_94 : vector<16xf32>
      %add3A_96 = arith.constant 9 : i32
      %add3A_97 = arith.addi %mul3A_45, %add3A_96 : i32
      %add3A_98 = vector.broadcast %add3A_97 : i32 to vector<16xi32>
      %add3A_99 = arith.addi %mul3A_3, %add3A_98 : vector<16xi32>
      %gather3A_100 = tpu.vector_load_idx %arg6[%add3A_99] : memref<81920xf32, #tpu.memory_space<vmem>>[vector<16xi32>], vector<16xf32>,
      %add3A_101 = arith.addf %add3A_95, %gather3A_100 : vector<16xf32>
      %add3A_102 = arith.constant 10 : i32
      %add3A_103 = arith.addi %mul3A_45, %add3A_102 : i32
      %add3A_104 = vector.broadcast %add3A_103 : i32 to vector<16xi32>
      %add3A_105 = arith.addi %mul3A_3, %add3A_104 : vector<16xi32>
      %gather3A_106 = tpu.vector_load_idx %arg6[%add3A_105] : memref<81920xf32, #tpu.memory_space<vmem>>[vector<16xi32>], vector<16xf32>,
      %add3A_107 = arith.addf %add3A_101, %gather3A_106 : vector<16xf32>
      %add3A_108 = arith.constant 11 : i32
      %add3A_109 = arith.addi %mul3A_45, %add3A_108 : i32
      %add3A_110 = vector.broadcast %add3A_109 : i32 to vector<16xi32>
      %add3A_111 = arith.addi %mul3A_3, %add3A_110 : vector<16xi32>
      %gather3A_112 = tpu.vector_load_idx %arg6[%add3A_111] : memref<81920xf32, #tpu.memory_space<vmem>>[vector<16xi32>], vector<16xf32>,
      %add3A_113 = arith.addf %add3A_107, %gather3A_112 : vector<16xf32>
      %add3A_114 = arith.constant 12 : i32
      %add3A_115 = arith.addi %mul3A_45, %add3A_114 : i32
      %add3A_116 = vector.broadcast %add3A_115 : i32 to vector<16xi32>
      %add3A_117 = arith.addi %mul3A_3, %add3A_116 : vector<16xi32>
      %gather3A_118 = tpu.vector_load_idx %arg6[%add3A_117] : memref<81920xf32, #tpu.memory_space<vmem>>[vector<16xi32>], vector<16xf32>,
      %add3A_119 = arith.addf %add3A_113, %gather3A_118 : vector<16xf32>
      %add3A_120 = arith.constant 13 : i32
      %add3A_121 = arith.addi %mul3A_45, %add3A_120 : i32
      %add3A_122 = vector.broadcast %add3A_121 : i32 to vector<16xi32>
      %add3A_123 = arith.addi %mul3A_3, %add3A_122 : vector<16xi32>
      %gather3A_124 = tpu.vector_load_idx %arg6[%add3A_123] : memref<81920xf32, #tpu.memory_space<vmem>>[vector<16xi32>], vector<16xf32>,
      %add3A_125 = arith.addf %add3A_119, %gather3A_124 : vector<16xf32>
      %add3A_126 = arith.constant 14 : i32
      %add3A_127 = arith.addi %mul3A_45, %add3A_126 : i32
      %add3A_128 = vector.broadcast %add3A_127 : i32 to vector<16xi32>
      %add3A_129 = arith.addi %mul3A_3, %add3A_128 : vector<16xi32>
      %gather3A_130 = tpu.vector_load_idx %arg6[%add3A_129] : memref<81920xf32, #tpu.memory_space<vmem>>[vector<16xi32>], vector<16xf32>,
      %add3A_131 = arith.addf %add3A_125, %gather3A_130 : vector<16xf32>
      %add3A_132 = arith.constant 15 : i32
      %add3A_133 = arith.addi %mul3A_45, %add3A_132 : i32
      %add3A_134 = vector.broadcast %add3A_133 : i32 to vector<16xi32>
      %add3A_135 = arith.addi %mul3A_3, %add3A_134 : vector<16xi32>
      %gather3A_136 = tpu.vector_load_idx %arg6[%add3A_135] : memref<81920xf32, #tpu.memory_space<vmem>>[vector<16xi32>], vector<16xf32>,
      %add3A_137 = arith.addf %add3A_131, %gather3A_136 : vector<16xf32>
      %mul3A_138 = arith.constant 16 : i32
      %mul3A_139 = arith.muli %scan3A_43, %mul3A_138 : i32
      %swap3A = arith.index_cast %mul3A_139 : i32 to index
      %swap3A_140 = tpu.vector_load %arg6[%swap3A] {strides = array<i32>} : memref<81920xf32, #tpu.memory_space<vmem>>, vector<16xf32>,
      tpu.vector_store %arg6[%swap3A], %add3A_137 {strides = array<i32>} : memref<81920xf32, #tpu.memory_space<vmem>>, vector<16xf32>,
    }
    %scan3A_36 = arith.constant 320 : i32
    %scan3A_37 = arith.constant 0 : i32
    %scan3A_38 = arith.constant 0 : i32
    %scan3A_39 = arith.constant 160 : i32
    %scan3A_40 = arith.addi %scan3A_38, %scan3A_39 : i32
    %scan3A_41 = arith.constant 1 : i32
    scf.for %scan3A_43 = %scan3A_38 to %scan3A_40 step %scan3A_41  : i32 {
      %mul3A_44 = arith.constant 256 : i32
      %mul3A_45 = arith.muli %scan3A_43, %mul3A_44 : i32
      %add3A_46 = vector.broadcast %mul3A_45 : i32 to vector<16xi32>
      %add3A_47 = arith.addi %mul3A_3, %add3A_46 : vector<16xi32>
      %gather3A = tpu.vector_load_idx %arg7[%add3A_47] : memref<40960xi32, #tpu.memory_space<vmem>>[vector<16xi32>], vector<16xi32>,
      %add3A_48 = arith.constant 1 : i32
      %add3A_49 = arith.addi %mul3A_45, %add3A_48 : i32
      %add3A_50 = vector.broadcast %add3A_49 : i32 to vector<16xi32>
      %add3A_51 = arith.addi %mul3A_3, %add3A_50 : vector<16xi32>
      %gather3A_52 = tpu.vector_load_idx %arg7[%add3A_51] : memref<40960xi32, #tpu.memory_space<vmem>>[vector<16xi32>], vector<16xi32>,
      %add3A_53 = arith.addi %gather3A, %gather3A_52 : vector<16xi32>
      %add3A_54 = arith.constant 2 : i32
      %add3A_55 = arith.addi %mul3A_45, %add3A_54 : i32
      %add3A_56 = vector.broadcast %add3A_55 : i32 to vector<16xi32>
      %add3A_57 = arith.addi %mul3A_3, %add3A_56 : vector<16xi32>
      %gather3A_58 = tpu.vector_load_idx %arg7[%add3A_57] : memref<40960xi32, #tpu.memory_space<vmem>>[vector<16xi32>], vector<16xi32>,
      %add3A_59 = arith.addi %add3A_53, %gather3A_58 : vector<16xi32>
      %add3A_60 = arith.constant 3 : i32
      %add3A_61 = arith.addi %mul3A_45, %add3A_60 : i32
      %add3A_62 = vector.broadcast %add3A_61 : i32 to vector<16xi32>
      %add3A_63 = arith.addi %mul3A_3, %add3A_62 : vector<16xi32>
      %gather3A_64 = tpu.vector_load_idx %arg7[%add3A_63] : memref<40960xi32, #tpu.memory_space<vmem>>[vector<16xi32>], vector<16xi32>,
      %add3A_65 = arith.addi %add3A_59, %gather3A_64 : vector<16xi32>
      %add3A_66 = arith.constant 4 : i32
      %add3A_67 = arith.addi %mul3A_45, %add3A_66 : i32
      %add3A_68 = vector.broadcast %add3A_67 : i32 to vector<16xi32>
      %add3A_69 = arith.addi %mul3A_3, %add3A_68 : vector<16xi32>
      %gather3A_70 = tpu.vector_load_idx %arg7[%add3A_69] : memref<40960xi32, #tpu.memory_space<vmem>>[vector<16xi32>], vector<16xi32>,
      %add3A_71 = arith.addi %add3A_65, %gather3A_70 : vector<16xi32>
      %add3A_72 = arith.constant 5 : i32
      %add3A_73 = arith.addi %mul3A_45, %add3A_72 : i32
      %add3A_74 = vector.broadcast %add3A_73 : i32 to vector<16xi32>
      %add3A_75 = arith.addi %mul3A_3, %add3A_74 : vector<16xi32>
      %gather3A_76 = tpu.vector_load_idx %arg7[%add3A_75] : memref<40960xi32, #tpu.memory_space<vmem>>[vector<16xi32>], vector<16xi32>,
      %add3A_77 = arith.addi %add3A_71, %gather3A_76 : vector<16xi32>
      %add3A_78 = arith.constant 6 : i32
      %add3A_79 = arith.addi %mul3A_45, %add3A_78 : i32
      %add3A_80 = vector.broadcast %add3A_79 : i32 to vector<16xi32>
      %add3A_81 = arith.addi %mul3A_3, %add3A_80 : vector<16xi32>
      %gather3A_82 = tpu.vector_load_idx %arg7[%add3A_81] : memref<40960xi32, #tpu.memory_space<vmem>>[vector<16xi32>], vector<16xi32>,
      %add3A_83 = arith.addi %add3A_77, %gather3A_82 : vector<16xi32>
      %add3A_84 = arith.constant 7 : i32
      %add3A_85 = arith.addi %mul3A_45, %add3A_84 : i32
      %add3A_86 = vector.broadcast %add3A_85 : i32 to vector<16xi32>
      %add3A_87 = arith.addi %mul3A_3, %add3A_86 : vector<16xi32>
      %gather3A_88 = tpu.vector_load_idx %arg7[%add3A_87] : memref<40960xi32, #tpu.memory_space<vmem>>[vector<16xi32>], vector<16xi32>,
      %add3A_89 = arith.addi %add3A_83, %gather3A_88 : vector<16xi32>
      %add3A_90 = arith.constant 8 : i32
      %add3A_91 = arith.addi %mul3A_45, %add3A_90 : i32
      %add3A_92 = vector.broadcast %add3A_91 : i32 to vector<16xi32>
      %add3A_93 = arith.addi %mul3A_3, %add3A_92 : vector<16xi32>
      %gather3A_94 = tpu.vector_load_idx %arg7[%add3A_93] : memref<40960xi32, #tpu.memory_space<vmem>>[vector<16xi32>], vector<16xi32>,
      %add3A_95 = arith.addi %add3A_89, %gather3A_94 : vector<16xi32>
      %add3A_96 = arith.constant 9 : i32
      %add3A_97 = arith.addi %mul3A_45, %add3A_96 : i32
      %add3A_98 = vector.broadcast %add3A_97 : i32 to vector<16xi32>
      %add3A_99 = arith.addi %mul3A_3, %add3A_98 : vector<16xi32>
      %gather3A_100 = tpu.vector_load_idx %arg7[%add3A_99] : memref<40960xi32, #tpu.memory_space<vmem>>[vector<16xi32>], vector<16xi32>,
      %add3A_101 = arith.addi %add3A_95, %gather3A_100 : vector<16xi32>
      %add3A_102 = arith.constant 10 : i32
      %add3A_103 = arith.addi %mul3A_45, %add3A_102 : i32
      %add3A_104 = vector.broadcast %add3A_103 : i32 to vector<16xi32>
      %add3A_105 = arith.addi %mul3A_3, %add3A_104 : vector<16xi32>
      %gather3A_106 = tpu.vector_load_idx %arg7[%add3A_105] : memref<40960xi32, #tpu.memory_space<vmem>>[vector<16xi32>], vector<16xi32>,
      %add3A_107 = arith.addi %add3A_101, %gather3A_106 : vector<16xi32>
      %add3A_108 = arith.constant 11 : i32
      %add3A_109 = arith.addi %mul3A_45, %add3A_108 : i32
      %add3A_110 = vector.broadcast %add3A_109 : i32 to vector<16xi32>
      %add3A_111 = arith.addi %mul3A_3, %add3A_110 : vector<16xi32>
      %gather3A_112 = tpu.vector_load_idx %arg7[%add3A_111] : memref<40960xi32, #tpu.memory_space<vmem>>[vector<16xi32>], vector<16xi32>,
      %add3A_113 = arith.addi %add3A_107, %gather3A_112 : vector<16xi32>
      %add3A_114 = arith.constant 12 : i32
      %add3A_115 = arith.addi %mul3A_45, %add3A_114 : i32
      %add3A_116 = vector.broadcast %add3A_115 : i32 to vector<16xi32>
      %add3A_117 = arith.addi %mul3A_3, %add3A_116 : vector<16xi32>
      %gather3A_118 = tpu.vector_load_idx %arg7[%add3A_117] : memref<40960xi32, #tpu.memory_space<vmem>>[vector<16xi32>], vector<16xi32>,
      %add3A_119 = arith.addi %add3A_113, %gather3A_118 : vector<16xi32>
      %add3A_120 = arith.constant 13 : i32
      %add3A_121 = arith.addi %mul3A_45, %add3A_120 : i32
      %add3A_122 = vector.broadcast %add3A_121 : i32 to vector<16xi32>
      %add3A_123 = arith.addi %mul3A_3, %add3A_122 : vector<16xi32>
      %gather3A_124 = tpu.vector_load_idx %arg7[%add3A_123] : memref<40960xi32, #tpu.memory_space<vmem>>[vector<16xi32>], vector<16xi32>,
      %add3A_125 = arith.addi %add3A_119, %gather3A_124 : vector<16xi32>
      %add3A_126 = arith.constant 14 : i32
      %add3A_127 = arith.addi %mul3A_45, %add3A_126 : i32
      %add3A_128 = vector.broadcast %add3A_127 : i32 to vector<16xi32>
      %add3A_129 = arith.addi %mul3A_3, %add3A_128 : vector<16xi32>
      %gather3A_130 = tpu.vector_load_idx %arg7[%add3A_129] : memref<40960xi32, #tpu.memory_space<vmem>>[vector<16xi32>], vector<16xi32>,
      %add3A_131 = arith.addi %add3A_125, %gather3A_130 : vector<16xi32>
      %add3A_132 = arith.constant 15 : i32
      %add3A_133 = arith.addi %mul3A_45, %add3A_132 : i32
      %add3A_134 = vector.broadcast %add3A_133 : i32 to vector<16xi32>
      %add3A_135 = arith.addi %mul3A_3, %add3A_134 : vector<16xi32>
      %gather3A_136 = tpu.vector_load_idx %arg7[%add3A_135] : memref<40960xi32, #tpu.memory_space<vmem>>[vector<16xi32>], vector<16xi32>,
      %add3A_137 = arith.addi %add3A_131, %gather3A_136 : vector<16xi32>
      %mul3A_138 = arith.constant 16 : i32
      %mul3A_139 = arith.muli %scan3A_43, %mul3A_138 : i32
      %swap3A = arith.index_cast %mul3A_139 : i32 to index
      %swap3A_140 = tpu.vector_load %arg7[%swap3A] {strides = array<i32>} : memref<40960xi32, #tpu.memory_space<vmem>>, vector<16xi32>,
      tpu.vector_store %arg7[%swap3A], %add3A_137 {strides = array<i32>} : memref<40960xi32, #tpu.memory_space<vmem>>, vector<16xi32>,
    }
    %scan3A_42 = arith.constant 160 : i32
    "tpu.region"() ({
      %run_scoped3A = tpu.sem_alloc : memref<!tpu.dma_semaphore, #tpu.memory_space<semaphore_mem>>
      %dma_start3A_43 = arith.constant 0 : i32
      %dma_start3A_44 = tpu.memref_slice %arg6[%dma_start3A_43] : memref<81920xf32, #tpu.memory_space<vmem>> -> memref<5120xf32, #tpu.memory_space<vmem>>
      %dma_start3A_45 = arith.constant 0 : i32
      %dma_start3A_46 = tpu.memref_slice %arg4[%add3A, %dma_start3A_45] : memref<32x5120xf32, #tpu.memory_space<hbm>> -> memref<1x5120xf32, #tpu.memory_space<hbm>>
      %dma_start3A_47 = tpu.memref_squeeze %dma_start3A_46 : memref<1x5120xf32, #tpu.memory_space<hbm>> -> memref<5120xf32, #tpu.memory_space<hbm>>
      %dma_start3A_48 = arith.constant 0 : i32
      %dma_start3A_49 = tpu.memref_slice %arg4[%add3A, %dma_start3A_48] : memref<32x5120xf32, #tpu.memory_space<hbm>> -> memref<1x5120xf32, #tpu.memory_space<hbm>>
      %dma_start3A_50 = tpu.memref_squeeze %dma_start3A_49 : memref<1x5120xf32, #tpu.memory_space<hbm>> -> memref<5120xf32, #tpu.memory_space<hbm>>
      %dma_start3A_51 = arith.constant 0 : i32
      %dma_start3A_52 = tpu.memref_slice %arg6[%dma_start3A_51] : memref<81920xf32, #tpu.memory_space<vmem>> -> memref<5120xf32, #tpu.memory_space<vmem>>
      tpu.enqueue_dma source(%dma_start3A_52 : memref<5120xf32, #tpu.memory_space<vmem>>) target(%dma_start3A_50 : memref<5120xf32, #tpu.memory_space<hbm>>) target_semaphore(%run_scoped3A : memref<!tpu.dma_semaphore, #tpu.memory_space<semaphore_mem>>)
      %dma_wait3A = arith.constant 0 : i32
      %dma_wait3A_53 = tpu.memref_slice %arg6[%dma_wait3A] : memref<81920xf32, #tpu.memory_space<vmem>> -> memref<5120xf32, #tpu.memory_space<vmem>>
      %dma_wait3A_54 = arith.constant 0 : i32
      %dma_wait3A_55 = tpu.memref_slice %arg4[%add3A, %dma_wait3A_54] : memref<32x5120xf32, #tpu.memory_space<hbm>> -> memref<1x5120xf32, #tpu.memory_space<hbm>>
      %dma_wait3A_56 = tpu.memref_squeeze %dma_wait3A_55 : memref<1x5120xf32, #tpu.memory_space<hbm>> -> memref<5120xf32, #tpu.memory_space<hbm>>
      %dma_wait3A_57 = arith.constant 0 : i32
      %dma_wait3A_58 = tpu.memref_slice %arg4[%add3A, %dma_wait3A_57] : memref<32x5120xf32, #tpu.memory_space<hbm>> -> memref<1x5120xf32, #tpu.memory_space<hbm>>
      %dma_wait3A_59 = tpu.memref_squeeze %dma_wait3A_58 : memref<1x5120xf32, #tpu.memory_space<hbm>> -> memref<5120xf32, #tpu.memory_space<hbm>>
      %dma_wait3A_60 = arith.constant 0 : i32
      %dma_wait3A_61 = tpu.memref_slice %arg6[%dma_wait3A_60] : memref<81920xf32, #tpu.memory_space<vmem>> -> memref<5120xf32, #tpu.memory_space<vmem>>
      tpu.wait_dma2 semaphore(%run_scoped3A : memref<!tpu.dma_semaphore, #tpu.memory_space<semaphore_mem>>) src(%dma_wait3A_61 : memref<5120xf32, #tpu.memory_space<vmem>>) dst(%dma_wait3A_59 : memref<5120xf32, #tpu.memory_space<hbm>>)
      tpu.yield
    }) : () -> ()
    "tpu.region"() ({
      %run_scoped3A = tpu.sem_alloc : memref<!tpu.dma_semaphore, #tpu.memory_space<semaphore_mem>>
      %dma_start3A_43 = arith.constant 0 : i32
      %dma_start3A_44 = tpu.memref_slice %arg7[%dma_start3A_43] : memref<40960xi32, #tpu.memory_space<vmem>> -> memref<2560xi32, #tpu.memory_space<vmem>>
      %dma_start3A_45 = arith.constant 0 : i32
      %dma_start3A_46 = tpu.memref_slice %arg5[%add3A, %dma_start3A_45] : memref<32x2560xi32, #tpu.memory_space<hbm>> -> memref<1x2560xi32, #tpu.memory_space<hbm>>
      %dma_start3A_47 = tpu.memref_squeeze %dma_start3A_46 : memref<1x2560xi32, #tpu.memory_space<hbm>> -> memref<2560xi32, #tpu.memory_space<hbm>>
      %dma_start3A_48 = arith.constant 0 : i32
      %dma_start3A_49 = tpu.memref_slice %arg5[%add3A, %dma_start3A_48] : memref<32x2560xi32, #tpu.memory_space<hbm>> -> memref<1x2560xi32, #tpu.memory_space<hbm>>
      %dma_start3A_50 = tpu.memref_squeeze %dma_start3A_49 : memref<1x2560xi32, #tpu.memory_space<hbm>> -> memref<2560xi32, #tpu.memory_space<hbm>>
      %dma_start3A_51 = arith.constant 0 : i32
      %dma_start3A_52 = tpu.memref_slice %arg7[%dma_start3A_51] : memref<40960xi32, #tpu.memory_space<vmem>> -> memref<2560xi32, #tpu.memory_space<vmem>>
      tpu.enqueue_dma source(%dma_start3A_52 : memref<2560xi32, #tpu.memory_space<vmem>>) target(%dma_start3A_50 : memref<2560xi32, #tpu.memory_space<hbm>>) target_semaphore(%run_scoped3A : memref<!tpu.dma_semaphore, #tpu.memory_space<semaphore_mem>>)
      %dma_wait3A = arith.constant 0 : i32
      %dma_wait3A_53 = tpu.memref_slice %arg7[%dma_wait3A] : memref<40960xi32, #tpu.memory_space<vmem>> -> memref<2560xi32, #tpu.memory_space<vmem>>
      %dma_wait3A_54 = arith.constant 0 : i32
      %dma_wait3A_55 = tpu.memref_slice %arg5[%add3A, %dma_wait3A_54] : memref<32x2560xi32, #tpu.memory_space<hbm>> -> memref<1x2560xi32, #tpu.memory_space<hbm>>
      %dma_wait3A_56 = tpu.memref_squeeze %dma_wait3A_55 : memref<1x2560xi32, #tpu.memory_space<hbm>> -> memref<2560xi32, #tpu.memory_space<hbm>>
      %dma_wait3A_57 = arith.constant 0 : i32
      %dma_wait3A_58 = tpu.memref_slice %arg5[%add3A, %dma_wait3A_57] : memref<32x2560xi32, #tpu.memory_space<hbm>> -> memref<1x2560xi32, #tpu.memory_space<hbm>>
      %dma_wait3A_59 = tpu.memref_squeeze %dma_wait3A_58 : memref<1x2560xi32, #tpu.memory_space<hbm>> -> memref<2560xi32, #tpu.memory_space<hbm>>
      %dma_wait3A_60 = arith.constant 0 : i32
      %dma_wait3A_61 = tpu.memref_slice %arg7[%dma_wait3A_60] : memref<40960xi32, #tpu.memory_space<vmem>> -> memref<2560xi32, #tpu.memory_space<vmem>>
      tpu.wait_dma2 semaphore(%run_scoped3A : memref<!tpu.dma_semaphore, #tpu.memory_space<semaphore_mem>>) src(%dma_wait3A_61 : memref<2560xi32, #tpu.memory_space<vmem>>) dst(%dma_wait3A_59 : memref<2560xi32, #tpu.memory_space<hbm>>)
      tpu.yield
    }) : () -> ()
    return
  }
}

module attributes {stable_mosaic.version = 14 : i64} {
  func.func @_final_body(%arg0: memref<32x5120xf32, #tpu.memory_space<vmem>>, %arg1: memref<32x5120xf32, #tpu.memory_space<vmem>>, %arg2: memref<32x2560xi32, #tpu.memory_space<vmem>>, %arg3: memref<32x2560xi32, #tpu.memory_space<vmem>>, %arg4: memref<1x1xf32, #tpu.memory_space<smem>>) attributes {dimension_semantics = [], scalar_prefetch = 0 : i64, scratch_operands = 0 : i64, tpu.core_type = #tpu.core_type<tc>} {
    %get3A = arith.constant 0 : index
    %get3A_0 = arith.constant 0 : index
    %get3A_1 = vector.load %arg0[%get3A, %get3A_0] : memref<32x5120xf32, #tpu.memory_space<vmem>>, vector<32x5120xf32>
    %reduce_sum3A = arith.constant dense<0.000000e+00> : vector<5120xf32>
    %reduce_sum3A_2 = vector.multi_reduction <add>, %get3A_1, %reduce_sum3A [0] : vector<32x5120xf32> to vector<5120xf32>
    %broadcast_in_dim3A = vector.shape_cast %reduce_sum3A_2 : vector<5120xf32> to vector<1x5120xf32>
    %get3A_3 = arith.constant 0 : index
    %get3A_4 = arith.constant 0 : index
    %get3A_5 = vector.load %arg1[%get3A_3, %get3A_4] : memref<32x5120xf32, #tpu.memory_space<vmem>>, vector<32x5120xf32>
    %reduce_sum3A_6 = arith.constant dense<0.000000e+00> : vector<5120xf32>
    %reduce_sum3A_7 = vector.multi_reduction <add>, %get3A_5, %reduce_sum3A_6 [0] : vector<32x5120xf32> to vector<5120xf32>
    %broadcast_in_dim3A_8 = vector.shape_cast %reduce_sum3A_7 : vector<5120xf32> to vector<1x5120xf32>
    %add3A = arith.addf %broadcast_in_dim3A, %broadcast_in_dim3A_8 : vector<1x5120xf32>
    %broadcast_in_dim3A_9 = arith.constant 0.000000e+00 : f32
    %broadcast_in_dim3A_10 = vector.broadcast %broadcast_in_dim3A_9 : f32 to vector<1x2560xf32>
    %broadcast_in_dim3A_11 = arith.constant 0.000000e+00 : f32
    %broadcast_in_dim3A_12 = vector.broadcast %broadcast_in_dim3A_11 : f32 to vector<1x2560xf32>
    %get3A_13 = arith.constant 0 : index
    %get3A_14 = arith.constant 0 : index
    %get3A_15 = vector.load %arg2[%get3A_13, %get3A_14] : memref<32x2560xi32, #tpu.memory_space<vmem>>, vector<32x2560xi32>
    %and3A = arith.constant 65535 : i32
    %and3A_16 = vector.broadcast %and3A : i32 to vector<32x2560xi32>
    %and3A_17 = arith.andi %get3A_15, %and3A_16 : vector<32x2560xi32>
    %convert_element_type3A = arith.sitofp %and3A_17 : vector<32x2560xi32> to vector<32x2560xf32>
    %reduce_sum3A_18 = arith.constant dense<0.000000e+00> : vector<2560xf32>
    %reduce_sum3A_19 = vector.multi_reduction <add>, %convert_element_type3A, %reduce_sum3A_18 [0] : vector<32x2560xf32> to vector<2560xf32>
    %broadcast_in_dim3A_20 = vector.shape_cast %reduce_sum3A_19 : vector<2560xf32> to vector<1x2560xf32>
    %add3A_21 = arith.addf %broadcast_in_dim3A_10, %broadcast_in_dim3A_20 : vector<1x2560xf32>
    %shift_right_logical3A = arith.constant 16 : i32
    %shift_right_logical3A_22 = vector.broadcast %shift_right_logical3A : i32 to vector<32x2560xi32>
    %shift_right_logical3A_23 = arith.shrui %get3A_15, %shift_right_logical3A_22 : vector<32x2560xi32>
    %and3A_24 = arith.constant 65535 : i32
    %and3A_25 = vector.broadcast %and3A_24 : i32 to vector<32x2560xi32>
    %and3A_26 = arith.andi %shift_right_logical3A_23, %and3A_25 : vector<32x2560xi32>
    %convert_element_type3A_27 = arith.sitofp %and3A_26 : vector<32x2560xi32> to vector<32x2560xf32>
    %reduce_sum3A_28 = arith.constant dense<0.000000e+00> : vector<2560xf32>
    %reduce_sum3A_29 = vector.multi_reduction <add>, %convert_element_type3A_27, %reduce_sum3A_28 [0] : vector<32x2560xf32> to vector<2560xf32>
    %broadcast_in_dim3A_30 = vector.shape_cast %reduce_sum3A_29 : vector<2560xf32> to vector<1x2560xf32>
    %add3A_31 = arith.addf %broadcast_in_dim3A_12, %broadcast_in_dim3A_30 : vector<1x2560xf32>
    %get3A_32 = arith.constant 0 : index
    %get3A_33 = arith.constant 0 : index
    %get3A_34 = vector.load %arg3[%get3A_32, %get3A_33] : memref<32x2560xi32, #tpu.memory_space<vmem>>, vector<32x2560xi32>
    %and3A_35 = arith.constant 65535 : i32
    %and3A_36 = vector.broadcast %and3A_35 : i32 to vector<32x2560xi32>
    %and3A_37 = arith.andi %get3A_34, %and3A_36 : vector<32x2560xi32>
    %convert_element_type3A_38 = arith.sitofp %and3A_37 : vector<32x2560xi32> to vector<32x2560xf32>
    %reduce_sum3A_39 = arith.constant dense<0.000000e+00> : vector<2560xf32>
    %reduce_sum3A_40 = vector.multi_reduction <add>, %convert_element_type3A_38, %reduce_sum3A_39 [0] : vector<32x2560xf32> to vector<2560xf32>
    %broadcast_in_dim3A_41 = vector.shape_cast %reduce_sum3A_40 : vector<2560xf32> to vector<1x2560xf32>
    %add3A_42 = arith.addf %add3A_21, %broadcast_in_dim3A_41 : vector<1x2560xf32>
    %shift_right_logical3A_43 = arith.constant 16 : i32
    %shift_right_logical3A_44 = vector.broadcast %shift_right_logical3A_43 : i32 to vector<32x2560xi32>
    %shift_right_logical3A_45 = arith.shrui %get3A_34, %shift_right_logical3A_44 : vector<32x2560xi32>
    %and3A_46 = arith.constant 65535 : i32
    %and3A_47 = vector.broadcast %and3A_46 : i32 to vector<32x2560xi32>
    %and3A_48 = arith.andi %shift_right_logical3A_45, %and3A_47 : vector<32x2560xi32>
    %convert_element_type3A_49 = arith.sitofp %and3A_48 : vector<32x2560xi32> to vector<32x2560xf32>
    %reduce_sum3A_50 = arith.constant dense<0.000000e+00> : vector<2560xf32>
    %reduce_sum3A_51 = vector.multi_reduction <add>, %convert_element_type3A_49, %reduce_sum3A_50 [0] : vector<32x2560xf32> to vector<2560xf32>
    %broadcast_in_dim3A_52 = vector.shape_cast %reduce_sum3A_51 : vector<2560xf32> to vector<1x2560xf32>
    %add3A_53 = arith.addf %add3A_31, %broadcast_in_dim3A_52 : vector<1x2560xf32>
    %concatenate3A = tpu.concatenate %add3A_42, %add3A_53 in 1 : vector<1x2560xf32>, vector<1x2560xf32> -> vector<1x5120xf32>
    %iota3A = tpu.iota {dimensions = array<i32: 1>} : vector<1x5120xi32>
    %convert_element_type3A_54 = arith.sitofp %iota3A : vector<1x5120xi32> to vector<1x5120xf32>
    %gt3A = arith.constant 0.000000e+00 : f32
    %gt3A_55 = vector.broadcast %gt3A : f32 to vector<1x5120xf32>
    %gt3A_56 = arith.cmpf ogt, %concatenate3A, %gt3A_55 : vector<1x5120xf32>
    %ne3A = arith.constant 0.000000e+00 : f32
    %ne3A_57 = vector.broadcast %ne3A : f32 to vector<1x5120xf32>
    %ne3A_58 = arith.cmpf one, %convert_element_type3A_54, %ne3A_57 : vector<1x5120xf32>
    %and3A_59 = arith.andi %gt3A_56, %ne3A_58 : vector<1x5120xi1>
    %mul3A = arith.mulf %convert_element_type3A_54, %concatenate3A : vector<1x5120xf32>
    %mul3A_60 = arith.mulf %convert_element_type3A_54, %add3A : vector<1x5120xf32>
    %gt3A_61 = arith.constant 0.000000e+00 : f32
    %gt3A_62 = vector.broadcast %gt3A_61 : f32 to vector<1x5120xf32>
    %gt3A_63 = arith.cmpf ogt, %mul3A, %gt3A_62 : vector<1x5120xf32>
    %jit3A = arith.constant 1.000000e+00 : f32
    %broadcast_in_dim3A_64 = vector.broadcast %jit3A : f32 to vector<1x5120xf32>
    %select_n3A = arith.select %gt3A_63, %mul3A, %broadcast_in_dim3A_64 : vector<1x5120xi1>, vector<1x5120xf32>
    %div3A = arith.divf %mul3A_60, %select_n3A : vector<1x5120xf32>
    %jit3A_65 = arith.constant 0.000000e+00 : f32
    %broadcast_in_dim3A_66 = vector.broadcast %jit3A_65 : f32 to vector<1x5120xf32>
    %select_n3A_67 = arith.select %and3A_59, %div3A, %broadcast_in_dim3A_66 : vector<1x5120xi1>, vector<1x5120xf32>
    %convert_element_type3A_68 = arith.extui %and3A_59 : vector<1x5120xi1> to vector<1x5120xi32>
    %convert_element_type3A_69 = arith.sitofp %convert_element_type3A_68 : vector<1x5120xi32> to vector<1x5120xf32>
    %reduce_sum3A_70 = vector.shape_cast %convert_element_type3A_69 : vector<1x5120xf32> to vector<1x1x5120xf32>
    %reduce_sum3A_71 = arith.constant dense<0.000000e+00> : vector<1xf32>
    %reduce_sum3A_72 = vector.multi_reduction <add>, %reduce_sum3A_70, %reduce_sum3A_71 [1, 2] : vector<1x1x5120xf32> to vector<1xf32>
    %reduce_sum3A_73 = vector.shape_cast %reduce_sum3A_72 : vector<1xf32> to vector<1x1x1xf32>
    %reduce_sum3A_74 = vector.extract %reduce_sum3A_73[0, 0, 0] : f32 from vector<1x1x1xf32>
    %reduce_sum3A_75 = vector.shape_cast %select_n3A_67 : vector<1x5120xf32> to vector<1x1x5120xf32>
    %reduce_sum3A_76 = arith.constant dense<0.000000e+00> : vector<1xf32>
    %reduce_sum3A_77 = vector.multi_reduction <add>, %reduce_sum3A_75, %reduce_sum3A_76 [1, 2] : vector<1x1x5120xf32> to vector<1xf32>
    %reduce_sum3A_78 = vector.shape_cast %reduce_sum3A_77 : vector<1xf32> to vector<1x1x1xf32>
    %reduce_sum3A_79 = vector.extract %reduce_sum3A_78[0, 0, 0] : f32 from vector<1x1x1xf32>
    %mul3A_80 = arith.constant 1.000000e+02 : f32
    %mul3A_81 = arith.mulf %mul3A_80, %reduce_sum3A_79 : f32
    %div3A_82 = arith.divf %mul3A_81, %reduce_sum3A_74 : f32
    %swap3A = arith.constant 0 : index
    %swap3A_83 = arith.constant 0 : index
    %swap3A_84 = memref.load %arg4[%swap3A, %swap3A_83] : memref<1x1xf32, #tpu.memory_space<smem>>
    memref.store %div3A_82, %arg4[%swap3A, %swap3A_83] : memref<1x1xf32, #tpu.memory_space<smem>>
    return
  }
}

</mosaic_0001>

<sc_bundles>
// kernel: kernel.5.cloned.1.call-start
scs
__scs_entry_jumppad:
0x0: {  	(pc) =	sbr.rel $0x88, $3  }
0x1: {  	(tag) =	ssettag $0x0;
	lr =	simm.s32 $0x1  }
0x2: {  	[smem:$0x3F9D] =	sst lr;
	_ =	strace $0xD0000000  }
0x3: {  	_ = 	snop  }
0x4: {  	_ = 	snop  }
0x5: {  	_ = 	snop  }
0x6: {  	_ = 	snop  }
0x7: {  	_ = 	snop  }
__scs_overlays_trampoline_lowered:
0x8: {  	[smem:$0x3FAC] =	sst s0  }
0x9: {  	[smem:$0x3FAD] =	sst s1  }
0xa: {  	[smem:$0x3FAE] =	sst s2  }
0xb: {  	[smem:$0x3FAF] =	sst s3  }
0xc: {  	[smem:$0x3FB0] =	sst s4  }
0xd: {  	[smem:$0x3FB1] =	sst s5  }
0xe: {  	[smem:$0x3FB2] =	sst s6  }
0xf: {  	[smem:$0x3FB3] =	sst s7  }
0x10: {  	[smem:$0x3FB4] =	sst s8  }
0x11: {  	[smem:$0x3FB5] =	sst s9;
	s0 =	simm.s32 @!p0 $0x0  }
0x12: {  	s1 =	sld [smem:$0x3F9B];
	s0 =	simm.s32 @p0 $0x1  }
0x13: {  	[smem:$0x3FB6] =	sst s0;
	s0 =	simm.s32 @!p1 $0x0  }
0x14: {  	s2 =	sld [smem:$0x3F9A];
	s0 =	simm.s32 @p1 $0x1  }
0x15: {  	[smem:$0x3FB7] =	sst s0;
	s0 =	simm.s32 @!p2 $0x0  }
0x16: {  	s3 =	sld [smem:$0x3FDB];
	s0 =	simm.s32 @p2 $0x1  }
0x17: {  	s4 =	simm.s32 $0x1BF5;
	[smem:$0x3FB9] =	sst s0  }
0x18: {  	s0 =	sld [smem:$0x3F9C];
	_ =	swait.ge [sflag:s4], $0x0  }
0x19: {  	s7 =	sld [smem:$0x3F9D]  }
0x1a: {  	s8 =	sadd.s32 $0xFFFFE003, lr  }
0x1b: {  	s9 =	sadd.s32 $0xFFFFFEF7, lr;
	s5 =	simm.s32 $0xFFFFFFFF;
	p2 =	slt.u32 s8, $0xFFFFF086  }
0x1c: {  	p1 =	slt.u32 s9, $0xF7A;
	s5 =	simm.s32 @!p2 $0x0  }
0x1d: {  	s5 =	simm.s32 @p1 $0x1;
	p0 =	seq.s32 s7, s2  }
0x1e: {  	s7 =	smul.u32 @!p0 $0xF7A, s2;
	p2 =	seq.s32 @!p0 s5, $0x0  }
0x1f: {  	s9 =	smul.u32 $0xF7A, s1;
	s8 =	simm.s32 @!p0 $0x1BF5;
	p2 =	por !p2, p0  }
0x20: {  	[sflag:s8] =	ssyncset.s32 @!p0 $0xFFFFF086;
	s6 =	sadd.s32 @!p0 s3, s7;
	s7 =	simm.s32 @!p0 $0x108  }
0x21: {  	s3 =	sadd.s32 s3, s9;
	s6 =	sadd.s32 @!p0 $0x88, s6;
	s7 =	simm.s32 @p2 $0x1082  }
0x22: {  	[simem:s7], [sflag:s8] =	dma.local @!p0 [hbm:s6], $0xF7A  }
0x23: {  	s9 =	sor.u32 $0xD0000000, s2;
	s6 =	simm.s32 $0x108;
	_ =	swait.ge @!p0 [sflag:s8], $0x0  }
0x24: {  	s3 =	sadd.s32 $0x88, s3;
	s6 =	simm.s32 @!p1 $0x1082;
	[sflag:s4] =	ssyncset.s32 $0xFFFFF086  }
0x25: {  	[simem:s6], [sflag:s4] =	dma.local [hbm:s3], $0xF7A  }
0x26: {  	[smem:$0x3F9D] =	sst s1;
	(tag) =	ssettag s2;
	_ =	strace s9  }
0x27: {  	s1 =	sld [smem:$0x3FAD]  }
0x28: {  	s2 =	sld [smem:$0x3FAE]  }
0x29: {  	s4 =	sld [smem:$0x3FB0]  }
0x2a: {  	p0 =	seq.s32 s5, $0x0;
	s5 =	sld [smem:$0x3FB1]  }
0x2b: {  	s6 =	sld [smem:$0x3FB2]  }
0x2c: {  	s7 =	sld [smem:$0x3FB3]  }
0x2d: {  	s3 =	simm.s32 $0x108;
	s8 =	sld [smem:$0x3FB4]  }
0x2e: {  	s3 =	simm.s32 @!p0 $0x1082;
	s9 =	sld [smem:$0x3FB5]  }
0x2f: {  	lr =	sadd.s32 s0, s3;
	s0 =	sld [smem:$0x3FAC]  }
0x30: {  	s3 =	sld [smem:$0x3FAF]  }
0x31: {  	[smem:$0x3FB8] =	sst s10  }
0x32: {  	s10 =	sld [smem:$0x3FB6];
	_ =	sdelay $0x3  }
0x33: {  	p0 =	seq.s32 s10, $0x1;
	s10 =	sld [smem:$0x3FB8];
	_ =	sdelay $0x3  }
0x34: {  	[smem:$0x3FB8] =	sst s10  }
0x35: {  	s10 =	sld [smem:$0x3FB7];
	_ =	sdelay $0x3  }
0x36: {  	p1 =	seq.s32 s10, $0x1;
	s10 =	sld [smem:$0x3FB8];
	_ =	sdelay $0x3  }
0x37: {  	[smem:$0x3FB8] =	sst s10  }
0x38: {  	s10 =	sld [smem:$0x3FB9]  }
0x39: {  	_ = 	snop;
	(pc) =	sbr.ind lr, $3  }
0x3a: {  	_ = 	snop  }
0x3b: {  	_ = 	snop  }
0x3c: {  	p2 =	seq.s32 s10, $0x1;
	s10 =	sld [smem:$0x3FB8]  }
0x3d: {  	_ =	shalt  }
0x3e: {  	_ =	shalt  }
0x3f: {  	_ =	shalt  }
0x40: {  	_ =	shalt  }
0x41: {  	_ =	shalt  }
0x42: {  	_ =	shalt  }
0x43: {  	_ =	shalt  }
0x44: {  	_ =	shalt  }
0x45: {  	_ =	shalt  }
0x46: {  	_ =	shalt  }
0x47: {  	_ =	shalt  }
0x48: {  	_ =	shalt  }
0x49: {  	_ =	shalt  }
0x4a: {  	_ =	shalt  }
0x4b: {  	_ =	shalt  }
0x4c: {  	_ =	shalt  }
0x4d: {  	_ =	shalt  }
0x4e: {  	_ =	shalt  }
0x4f: {  	_ =	shalt  }
0x50: {  	_ =	shalt  }
0x51: {  	_ =	shalt  }
0x52: {  	_ =	shalt  }
0x53: {  	_ =	shalt  }
0x54: {  	_ =	shalt  }
0x55: {  	_ =	shalt  }
0x56: {  	_ =	shalt  }
0x57: {  	_ =	shalt  }
0x58: {  	_ =	shalt  }
0x59: {  	_ =	shalt  }
0x5a: {  	_ =	shalt  }
0x5b: {  	_ =	shalt  }
0x5c: {  	_ =	shalt  }
0x5d: {  	_ =	shalt  }
0x5e: {  	_ =	shalt  }
0x5f: {  	_ =	shalt  }
0x60: {  	_ =	shalt  }
0x61: {  	_ =	shalt  }
0x62: {  	_ =	shalt  }
0x63: {  	_ =	shalt  }
0x64: {  	_ =	shalt  }
0x65: {  	_ =	shalt  }
0x66: {  	_ =	shalt  }
0x67: {  	_ =	shalt  }
0x68: {  	_ =	shalt  }
0x69: {  	_ =	shalt  }
0x6a: {  	_ =	shalt  }
0x6b: {  	_ =	shalt  }
0x6c: {  	_ =	shalt  }
0x6d: {  	_ =	shalt  }
0x6e: {  	_ =	shalt  }
0x6f: {  	_ =	shalt  }
0x70: {  	_ =	shalt  }
0x71: {  	_ =	shalt  }
0x72: {  	_ =	shalt  }
0x73: {  	_ =	shalt  }
0x74: {  	_ =	shalt  }
0x75: {  	_ =	shalt  }
0x76: {  	_ =	shalt  }
0x77: {  	_ =	shalt  }
0x78: {  	_ =	shalt  }
0x79: {  	_ =	shalt  }
0x7a: {  	_ =	shalt  }
0x7b: {  	_ =	shalt  }
0x7c: {  	_ =	shalt  }
0x7d: {  	_ =	shalt  }
0x7e: {  	_ =	shalt  }
0x7f: {  	_ =	shalt  }
0x80: {  	_ =	shalt  }
0x81: {  	_ =	shalt  }
0x82: {  	_ =	shalt  }
0x83: {  	_ =	shalt  }
0x84: {  	_ =	shalt  }
0x85: {  	_ =	shalt  }
0x86: {  	_ =	shalt  }
0x87: {  	_ =	shalt  }
.Lfunc_end0:
.L_simem_size_0:
called_computation_lowered:
.L_overlay_start_0:
0x88: {  	s2 =	sld [smem:$0x3FD9]  }
0x89: {  	s3 =	sld [smem:$0x3FFE];
	_ =	sdelay $0x1  }
0x8a: {  	s1 =	srdreg.scid  }
0x8b: {  	s0 =	sand.u32 $0x1, s1  }
0x8c: {  	s16 =	sshll.u32 s0, $0xA;
	s2 =	sadd.s32 s3, s2  }
0x8d: {  	s2 =	sadd.s32 s2, s16  }
0x8e: {  	[smem:$0x3FC4] =	sst s2  }
0x8f: {  	_ = 	snop  }
0x90: {  	(tm) =	ssettm $0x1  }
0x91: {  	s17 =	sld [smem:$0x3FFB];
	_ =	sdelay $0x3  }
0x92: {  	_ =	strace s17  }
0x93: {  	s2 =	sld [smem:$0x3FFC];
	_ =	sdelay $0x3  }
0x94: {  	_ =	strace s2  }
0x95: {  	s2 =	sld [smem:$0x3FFD];
	_ =	sdelay $0x3  }
0x96: {  	_ =	strace s2  }
0x97: {  	_ =	strace $0x8FFFFFFF  }
0x98: {  	s18 =	sld [smem:$0x3FDB];
	_ =	sdelay $0x1  }
0x99: {  	s19 =	simm.s32 $_scs_section_size  }
0x9a: {  	s4 =	simm.s32 $_size__tile_overlayer_lowered;
	s5 =	simm.s32 $_tile_overlayer_lowered  }
0x9b: {  	s22 =	simm.s32 $0x1BFF;
	s21 =	sshll.u32 s5, $0x1;
	s2 =	sadd.s32 s19, s18  }
0x9c: {  	s6 =	simm.s32 $0x0;
	s20 =	sshll.u32 s4, $0x1;
	s4 =	sadd.s32 s21, s2  }
0x9d: {  	[timem:s6], [sflag:s22] =	dma.local [hbm:s4], s20  }
0x9e: {  	_ =	swait.ge [sflag:s22], s20  }
0x9f: {  	s3 =	ssub.s32 $0x0, s20;
	[sflag:s22] =	ssyncset.done $0x0  }
0xa0: {  	[sflag:s22] =	ssyncadd.s32 s3;
	_ =	sdelay $0x1  }
0xa1: {  	s23 =	simm.s32 $0x1B8B  }
0xa2: {  	_ =	swait.ge [sflag:s23], $0x1  }
0xa3: {  	[sflag:s23] =	ssyncset.done $0x0  }
0xa4: {  	s25 =	simm.s32 $0x1B8E;
	s24 =	sld [smem:$0x3FFE];
	[sflag:s23] =	ssyncadd.s32 $0xFFFFFFFF  }
0xa5: {  	s26 =	simm.s32 $execute0_lowered;
	[smem:$0x3FD2] =	sst s25  }
0xa6: {  	s4 =	sshll.u32 s26, $0x1;
	_ =	strace $0x80000046;
	[dreg:$0x1] =	wrdreg $0xFFFFFFFF  }
0xa7: {  	s28 =	simm.s32 $_size_execute0_lowered;
	s2 =	sadd.s32 s2, s4;
	[dreg:$0x0] =	wrdreg $0x0  }
0xa8: {  	s4 =	sshll.u32 s28, $0x1;
	[dreg:$0x2] =	wrdreg s2  }
0xa9: {  	[dreg:$0x3] =	wrdreg s4  }
0xaa: {  	[dreg:$0x4] =	wrdreg $0xC0  }
0xab: {  	_ =	task [dreg:s6], $0x5FFFF  }
0xac: {  	[dreg:$0x1] =	wrdreg $0xFFFFFFFF  }
0xad: {  	[dreg:$0x0] =	wrdreg $0x60  }
0xae: {  	[dreg:$0x2] =	wrdreg s24  }
0xaf: {  	[dreg:$0x3] =	wrdreg $0x9  }
0xb0: {  	_ =	task.clear_ibuf [dreg:s6], $0x4FFFF;
	_ =	strace $0x90000046  }
0xb1: {  	s29 =	simm.s32 $0x9;
	_ =	strace $0x80000048  }
0xb2: {  	_ =	swait.ge [sflag:s29], $0x1  }
0xb3: {  	[sflag:s29] =	ssyncadd.s32 $0xFFFFFFFF  }
0xb4: {  	_ =	strace $0x90000048  }
0xb5: {  	_ =	sfence  }
0xb6: {  	s30 =	sld [smem:$0x0];
	_ =	sdelay $0x2  }
0xb7: {  	s31 =	sshll.u32 s1, $0xD;
	s1 =	sshrl.u32 s1, $0x2  }
0xb8: {  	s3 =	sand.u32 $0x4000, s31;
	s1 =	sadd.s32 s1, s30  }
0xb9: {  	s0 =	sor.u32 s3, s0;
	s1 =	sshll.u32 s1, $0x11  }
0xba: {  	s0 =	sor.u32 s1, s0  }
0xbb: {  	s0 =	sadd.s32 $0x8F2B, s0  }
0xbc: {  	[sflag:s0] =	ssyncadd.remote.s32 $0x1  }
0xbd: {  	_ =	sfence.sel $0xFFFF  }
0xbe: {  	[dreg:$0x0] =	wrdreg $0xFFFFFFFF;
	(pc) =	sbr.abs _section_cstart, $3  }
0xbf: {  	[dreg:$0x1] =	wrdreg $0xFFFFFFFF  }
0xc0: {  	_ =	task.clear_ibuf [dreg:s6], $0x2FFFF;
	_ =	strace $0x9FFFFFFF  }
0xc1: {  	(tm) =	ssettm $0x7FFFFFFF  }
tec
execute0_lowered:
.L_overlay_start_1:
0x0: {  	(tag) =	ssettag $0x1  }
0x1: {  	s1 =	srdreg.scid  }
0x2: {  	s0 =	stileid.u32;
	s6 =	rddreg [dreg:$0x0];
	s2 =	simm.s32 $0x0  }
0x3: {  	s12 =	simm.s32 $0x1EC80;
	s13 =	simm.s32 $0x1;
	s14 =	simm.s32 $0x14000  }
0x4: {  	s15 =	simm.s32 $0x2;
	s7 =	sand.u32 $0x1, s1;
	s3 =	sshll.u32 s0, $0x1  }
0x5: {  	s16 =	simm.s32 $0x0;
	s1 =	rddreg [dreg:$0x1];
	s3 =	sor.u32 s7, s3  }
0x6: {  	v0 =	vlaneseq.u32;
	[smem:$0x7FF] =	sst s2;
	s4 =	sadd.s32 $0x200, s6;
	s8 =	smul.u32 $0x280, s3  }
0x7: {  	s5 =	sadd.s32 $0x1EC00, s6;
	v1 =	vmul.u32 $0x10, v0;
	s7 =	ssub.s32 $0x2, s7;
	s9 =	smul.u32 $0x140, s3  }
0x8: {  	v2 =	vimm.f32 $0.0e+00;
	_ =	strace $0x80000047;
	s10 =	smul.u32 $0xC8, s3;
	s31 =	sshrl.u32 s7, $0x1  }
0x9: {  	v3 =	vimm.s32 $0x0;
	v4 =	vimm.s32 $0x1;
	v5 =	vor.u32 $0x1, v1;
	s11 =	ssub.s32 s7, s31;
	s8 =	sadd.s32 s8, s6;
	s9 =	sadd.s32 s9, s6  }
0xa: {  	v6 =	vor.u32 $0x2, v1;
	v7 =	vor.u32 $0x3, v1;
	v8 =	vor.u32 $0x4, v1;
	s6 =	sadd.s32 s4, s10;
	s7 =	sadd.s32 s5, s10;
	s10 =	smax.u32 s11, $0x1  }
0xb: {  	v9 =	vor.u32 $0x5, v1;
	v10 =	vor.u32 $0x6, v1;
	v11 =	vor.u32 $0x7, v1;
	s11 =	simm.s32 $0x1E000;
	s8 =	sadd.s32 $0x3D600, s8;
	s9 =	sadd.s32 $0x42600, s9  }
.LBB2_1:
0xc: {  	s17 =	simm.s32 $0x0;
	s18 =	simm.s32 $0x200  }
.LBB2_2:
0xd: {  	p0 =	sne.s32 s18, $0x4FE00;
	[tilespmem:s17+$0x70] =	vst v2  }
0xe: {  	[tilespmem:s17+$0x0] =	vst v2  }
0xf: {  	[tilespmem:s17+$0x10] =	vst v2  }
.Ltmp0:
0x10: {  	[tilespmem:s17+$0x20] =	vst v2;
	(pc) =	sbr.rel @p0 .LBB2_2-.Ltmp0, $4  }
0x11: {  	[tilespmem:s17+$0x30] =	vst v2  }
0x12: {  	[tilespmem:s17+$0x40] =	vst v2  }
0x13: {  	[tilespmem:s17+$0x50] =	vst v2  }
0x14: {  	[tilespmem:s17+$0x60] =	vst v2;
	s17 =	sshra.s32 s18, $0x2;
	s18 =	sadd.s32 $0x200, s18  }
0x15: {  	[tilespmem:s17+$0x70] =	vst v2  }
0x16: {  	[tilespmem:s17+$0x0] =	vst v2  }
0x17: {  	[tilespmem:s17+$0x10] =	vst v2  }
0x18: {  	[tilespmem:s17+$0x20] =	vst v2  }
0x19: {  	[tilespmem:s17+$0x30] =	vst v2  }
0x1a: {  	[tilespmem:s17+$0x40] =	vst v2  }
0x1b: {  	[tilespmem:s17+$0x50] =	vst v2  }
0x1c: {  	[tilespmem:s17+$0x60] =	vst v2;
	s17 =	simm.s32 $0x0;
	s18 =	simm.s32 $0x200  }
.LBB2_4:
0x1d: {  	p0 =	sne.s32 s18, $0x27E00;
	[tilespmem:s17+$0x14070] =	vst v3  }
0x1e: {  	[tilespmem:s17+$0x14000] =	vst v3  }
0x1f: {  	[tilespmem:s17+$0x14010] =	vst v3  }
.Ltmp1:
0x20: {  	[tilespmem:s17+$0x14020] =	vst v3;
	(pc) =	sbr.rel @p0 .LBB2_4-.Ltmp1, $4  }
0x21: {  	[tilespmem:s17+$0x14030] =	vst v3  }
0x22: {  	[tilespmem:s17+$0x14040] =	vst v3  }
0x23: {  	[tilespmem:s17+$0x14050] =	vst v3  }
0x24: {  	[tilespmem:s17+$0x14060] =	vst v3;
	s17 =	sshra.s32 s18, $0x2;
	s18 =	sadd.s32 $0x200, s18  }
0x25: {  	[tilespmem:s17+$0x14070] =	vst v3  }
0x26: {  	[tilespmem:s17+$0x14000] =	vst v3  }
0x27: {  	[tilespmem:s17+$0x14010] =	vst v3  }
0x28: {  	[tilespmem:s17+$0x14020] =	vst v3  }
0x29: {  	[tilespmem:s17+$0x14030] =	vst v3  }
0x2a: {  	[tilespmem:s17+$0x14040] =	vst v3  }
.Ltmp2:
0x2b: {  	[tilespmem:s17+$0x14050] =	vst v3;
	(pc) =	sbr.rel .LBB2_6-.Ltmp2, $4  }
0x2c: {  	[tilespmem:s17+$0x14060] =	vst v3;
	s17 =	simm.s32 $0x0  }
0x2d: {  	[tilespmem:s11], [sflag:$0x1] =	stream.linear.gather [hbm4b:s6+s17], $0x640, $0x38;
	[tilespmem:$0x1F900] =	vst v63  }
0x2e: {  	_ = 	snop  }
0x2f: {  	[tilespmem:s12], [sflag:$0x1] =	stream.linear.gather [hbm4b:s7+s17], $0x640, $0x38;
	[tilespmem:$0x1F900] =	vst v63  }
.LBB2_11:
0x30: {  	s17 =	sadd.s32 $0x1, s17  }
0x31: {  	p0 =	sne.s32 s17, $0xA  }
.Ltmp3:
0x32: {  	_ = 	snop;
	(pc) =	sbr.rel @!p0 .LBB2_12-.Ltmp3, $1  }
0x33: {  	_ =	sdelay $0x3  }
.LBB2_6:
0x34: {  	s18 =	sshll.u32 s17, $0x6  }
0x35: {  	_ =	swait.ge [sflag:s13], $0x640;
	s18 =	sor.u32 s3, s18  }
0x36: {  	[sflag:s13] =	ssyncset.done $0x0;
	s19 =	sor.u32 $0x20, s18  }
0x37: {  	[sflag:s13] =	ssyncadd.s32 $0xFFFFF9C0;
	p0 =	sgt.u32 s19, $0x270  }
0x38: {  	_ =	swait.ge [sflag:s13], $0x640;
	s19 =	smul.u32 @!p0 $0xC8, s19  }
0x39: {  	[sflag:s13] =	ssyncset.done $0x0;
	s21 =	simm.s32 @!p0 $0x0  }
0x3a: {  	s22 =	simm.s32 @!p0 $0x1E640;
	[sflag:s13] =	ssyncadd.s32 $0xFFFFF9C0;
	s20 =	sadd.s32 @!p0 s4, s19  }
0x3b: {  	[tilespmem:s22], [sflag:$0x1] =	stream.linear.gather @!p0 [hbm4b:s20+s21], $0x640, $0x38;
	[tilespmem:$0x1F900] =	vst v63  }
0x3c: {  	s19 =	sadd.s32 @!p0 s5, s19;
	s20 =	simm.s32 @!p0 $0x1F2C0  }
0x3d: {  	[tilespmem:s20], [sflag:$0x1] =	stream.linear.gather @!p0 [hbm4b:s19+s21], $0x640, $0x38;
	[tilespmem:$0x1F900] =	vst v63  }
0x3e: {  	s19 =	simm.s32 $0x0  }
.LBB2_7:
0x3f: {  	s20 =	sshra.s32 s19, $0x2  }
0x40: {  	v12 =	vld [tilespmem:s20+$0x1EC80];
	_ =	sdelay $0x4  }
0x41: {  	vm0 =	vgt.s32 v12, $0x9FF  }
0x42: {  	v13 =	vsel vm0, $0xFFFF600, v3  }
0x43: {  	v14 =	vshll.u32 v12, $0x4;
	v12 =	vadd.s32 v12, v13  }
0x44: {  	v26 =	vld [tilespmem:s20+$0x1E000];
	v14 =	vor.u32 v0, v14;
	v12 =	vshll.u32 v12, $0x4  }
0x45: {  	v12 =	vor.u32 v0, v12;
	_ =	sdelay $0x3  }
0x46: {  	v27 =	vsel vm0, $0x10000, v4;
	[tilespmem:v14+s2+$0x0] =	vst.idx.add.f32.msk $0xffff, v26  }
0x47: {  	[tilespmem:v12+s14+$0x0] =	vst.idx.add.s32.msk $0xffff, v27  }
0x48: {  	v12 =	vld [tilespmem:s20+$0x1EC90];
	_ =	sdelay $0x4  }
0x49: {  	vm7 =	vgt.s32 v12, $0x9FF  }
0x4a: {  	v28 =	vsel vm7, $0xFFFF600, v3  }
0x4b: {  	v29 =	vshll.u32 v12, $0x4;
	v12 =	vadd.s32 v12, v28  }
0x4c: {  	v30 =	vld [tilespmem:s20+$0x1E010];
	v14 =	vor.u32 v0, v29;
	v12 =	vshll.u32 v12, $0x4  }
0x4d: {  	v12 =	vor.u32 v0, v12;
	_ =	sdelay $0x3  }
0x4e: {  	v31 =	vsel vm7, $0x10000, v4;
	[tilespmem:v14+s2+$0x0] =	vst.idx.add.f32.msk $0xffff, v30  }
0x4f: {  	[tilespmem:v12+s14+$0x0] =	vst.idx.add.s32.msk $0xffff, v31  }
0x50: {  	v12 =	vld [tilespmem:s20+$0x1ECA0];
	_ =	sdelay $0x4  }
0x51: {  	vm8 =	vgt.s32 v12, $0x9FF  }
0x52: {  	v32 =	vsel vm8, $0xFFFF600, v3  }
0x53: {  	v33 =	vshll.u32 v12, $0x4;
	v12 =	vadd.s32 v12, v32  }
0x54: {  	v34 =	vld [tilespmem:s20+$0x1E020];
	v14 =	vor.u32 v0, v33;
	v12 =	vshll.u32 v12, $0x4  }
0x55: {  	v12 =	vor.u32 v0, v12;
	_ =	sdelay $0x3  }
0x56: {  	v35 =	vsel vm8, $0x10000, v4;
	[tilespmem:v14+s2+$0x0] =	vst.idx.add.f32.msk $0xffff, v34  }
0x57: {  	[tilespmem:v12+s14+$0x0] =	vst.idx.add.s32.msk $0xffff, v35  }
0x58: {  	v12 =	vld [tilespmem:s20+$0x1ECB0];
	_ =	sdelay $0x4  }
0x59: {  	vm9 =	vgt.s32 v12, $0x9FF  }
0x5a: {  	v36 =	vsel vm9, $0xFFFF600, v3  }
0x5b: {  	v37 =	vshll.u32 v12, $0x4;
	v12 =	vadd.s32 v12, v36  }
0x5c: {  	v38 =	vld [tilespmem:s20+$0x1E030];
	v14 =	vor.u32 v0, v37;
	v12 =	vshll.u32 v12, $0x4  }
0x5d: {  	v12 =	vor.u32 v0, v12;
	_ =	sdelay $0x3  }
0x5e: {  	v39 =	vsel vm9, $0x10000, v4;
	[tilespmem:v14+s2+$0x0] =	vst.idx.add.f32.msk $0xffff, v38  }
0x5f: {  	[tilespmem:v12+s14+$0x0] =	vst.idx.add.s32.msk $0xffff, v39  }
0x60: {  	v12 =	vld [tilespmem:s20+$0x1ECC0];
	_ =	sdelay $0x4  }
0x61: {  	vm10 =	vgt.s32 v12, $0x9FF  }
0x62: {  	v40 =	vsel vm10, $0xFFFF600, v3  }
0x63: {  	v41 =	vshll.u32 v12, $0x4;
	v12 =	vadd.s32 v12, v40  }
0x64: {  	v42 =	vld [tilespmem:s20+$0x1E040];
	v14 =	vor.u32 v0, v41;
	v12 =	vshll.u32 v12, $0x4  }
0x65: {  	v12 =	vor.u32 v0, v12;
	_ =	sdelay $0x3  }
0x66: {  	v43 =	vsel vm10, $0x10000, v4;
	[tilespmem:v14+s2+$0x0] =	vst.idx.add.f32.msk $0xffff, v42  }
0x67: {  	[tilespmem:v12+s14+$0x0] =	vst.idx.add.s32.msk $0xffff, v43  }
0x68: {  	v12 =	vld [tilespmem:s20+$0x1ECD0];
	_ =	sdelay $0x4  }
0x69: {  	vm11 =	vgt.s32 v12, $0x9FF  }
0x6a: {  	v44 =	vsel vm11, $0xFFFF600, v3  }
0x6b: {  	v45 =	vshll.u32 v12, $0x4;
	v12 =	vadd.s32 v12, v44  }
0x6c: {  	v46 =	vld [tilespmem:s20+$0x1E050];
	v14 =	vor.u32 v0, v45;
	v12 =	vshll.u32 v12, $0x4  }
0x6d: {  	v12 =	vor.u32 v0, v12;
	_ =	sdelay $0x3  }
0x6e: {  	v47 =	vsel vm11, $0x10000, v4;
	[tilespmem:v14+s2+$0x0] =	vst.idx.add.f32.msk $0xffff, v46  }
0x6f: {  	[tilespmem:v12+s14+$0x0] =	vst.idx.add.s32.msk $0xffff, v47  }
0x70: {  	v12 =	vld [tilespmem:s20+$0x1ECE0];
	_ =	sdelay $0x4  }
0x71: {  	vm12 =	vgt.s32 v12, $0x9FF  }
0x72: {  	v48 =	vsel vm12, $0xFFFF600, v3  }
0x73: {  	v49 =	vshll.u32 v12, $0x4;
	v12 =	vadd.s32 v12, v48  }
0x74: {  	v50 =	vld [tilespmem:s20+$0x1E060];
	v14 =	vor.u32 v0, v49;
	v12 =	vshll.u32 v12, $0x4  }
0x75: {  	v12 =	vor.u32 v0, v12;
	_ =	sdelay $0x3  }
0x76: {  	v51 =	vsel vm12, $0x10000, v4;
	[tilespmem:v14+s2+$0x0] =	vst.idx.add.f32.msk $0xffff, v50  }
0x77: {  	[tilespmem:v12+s14+$0x0] =	vst.idx.add.s32.msk $0xffff, v51  }
0x78: {  	v12 =	vld [tilespmem:s20+$0x1ECF0];
	_ =	sdelay $0x4  }
0x79: {  	vm13 =	vgt.s32 v12, $0x9FF  }
0x7a: {  	v52 =	vsel vm13, $0xFFFF600, v3  }
0x7b: {  	v53 =	vshll.u32 v12, $0x4;
	v12 =	vadd.s32 v12, v52  }
0x7c: {  	v54 =	vld [tilespmem:s20+$0x1E070];
	v14 =	vor.u32 v0, v53;
	v12 =	vshll.u32 v12, $0x4  }
0x7d: {  	v12 =	vor.u32 v0, v12;
	_ =	sdelay $0x3  }
0x7e: {  	v55 =	vsel vm13, $0x10000, v4;
	[tilespmem:v14+s2+$0x0] =	vst.idx.add.f32.msk $0xffff, v54  }
0x7f: {  	[tilespmem:v12+s14+$0x0] =	vst.idx.add.s32.msk $0xffff, v55  }
0x80: {  	v12 =	vld [tilespmem:s20+$0x1ED00];
	_ =	sdelay $0x4  }
0x81: {  	vm14 =	vgt.s32 v12, $0x9FF  }
0x82: {  	v56 =	vsel vm14, $0xFFFF600, v3  }
0x83: {  	v57 =	vshll.u32 v12, $0x4;
	v12 =	vadd.s32 v12, v56  }
0x84: {  	v58 =	vld [tilespmem:s20+$0x1E080];
	v14 =	vor.u32 v0, v57;
	v12 =	vshll.u32 v12, $0x4  }
0x85: {  	v12 =	vor.u32 v0, v12;
	_ =	sdelay $0x3  }
0x86: {  	v59 =	vsel vm14, $0x10000, v4;
	[tilespmem:v14+s2+$0x0] =	vst.idx.add.f32.msk $0xffff, v58  }
0x87: {  	[tilespmem:v12+s14+$0x0] =	vst.idx.add.s32.msk $0xffff, v59  }
0x88: {  	v12 =	vld [tilespmem:s20+$0x1ED10];
	_ =	sdelay $0x4  }
0x89: {  	vm15 =	vgt.s32 v12, $0x9FF  }
0x8a: {  	v60 =	vsel vm15, $0xFFFF600, v3  }
0x8b: {  	v61 =	vshll.u32 v12, $0x4;
	v12 =	vadd.s32 v12, v60  }
0x8c: {  	v62 =	vld [tilespmem:s20+$0x1E090];
	v14 =	vor.u32 v0, v61;
	v12 =	vshll.u32 v12, $0x4  }
0x8d: {  	p1 =	sne.s32 s19, $0x1680;
	v12 =	vor.u32 v0, v12  }
.Ltmp4:
0x8e: {  	_ = 	snop;
	(pc) =	sbr.rel @p1 .LBB2_7-.Ltmp4, $3  }
0x8f: {  	_ =	sdelay $0x1  }
0x90: {  	v63 =	vsel vm15, $0x10000, v4;
	[tilespmem:v14+s2+$0x0] =	vst.idx.add.f32.msk $0xffff, v62  }
0x91: {  	s19 =	sadd.s32 $0x280, s19;
	[tilespmem:v12+s14+$0x0] =	vst.idx.add.s32.msk $0xffff, v63  }
.Ltmp5:
0x92: {  	(pc) =	sbr.rel @p0 .LBB2_11-.Ltmp5, $1  }
0x93: {  	_ =	sdelay $0x3  }
0x94: {  	_ =	swait.ge [sflag:s13], $0x640;
	p0 =	sgt.u32 s18, $0x230  }
0x95: {  	[sflag:s13] =	ssyncset.done $0x0;
	s18 =	smul.u32 @!p0 $0x640, s18  }
0x96: {  	[sflag:s13] =	ssyncadd.s32 $0xFFFFF9C0  }
0x97: {  	_ =	swait.ge [sflag:s13], $0x640;
	s18 =	sshrl.u32 @!p0 s18, $0x3  }
0x98: {  	s20 =	simm.s32 @!p0 $0x0;
	[sflag:s13] =	ssyncset.done $0x0;
	s18 =	sadd.s32 @!p0 $0x3200, s18  }
0x99: {  	s21 =	simm.s32 @!p0 $0x1E000;
	[sflag:s13] =	ssyncadd.s32 $0xFFFFF9C0;
	s19 =	sadd.s32 @!p0 s4, s18  }
0x9a: {  	[tilespmem:s21], [sflag:$0x1] =	stream.linear.gather @!p0 [hbm4b:s19+s20], $0x640, $0x38;
	[tilespmem:$0x1F900] =	vst v63  }
0x9b: {  	s18 =	sadd.s32 @!p0 s5, s18;
	s19 =	simm.s32 @!p0 $0x1EC80  }
0x9c: {  	[tilespmem:s19], [sflag:$0x1] =	stream.linear.gather @!p0 [hbm4b:s18+s20], $0x640, $0x38;
	[tilespmem:$0x1F900] =	vst v63  }
0x9d: {  	s18 =	simm.s32 $0x0  }
.LBB2_10:
0x9e: {  	s19 =	sshra.s32 s18, $0x2  }
0x9f: {  	v12 =	vld [tilespmem:s19+$0x1F2C0];
	_ =	sdelay $0x4  }
0xa0: {  	vm0 =	vgt.s32 v12, $0x9FF  }
0xa1: {  	v13 =	vsel vm0, $0xFFFF600, v3  }
0xa2: {  	v14 =	vshll.u32 v12, $0x4;
	v12 =	vadd.s32 v12, v13  }
0xa3: {  	v26 =	vld [tilespmem:s19+$0x1E640];
	v14 =	vor.u32 v0, v14;
	v12 =	vshll.u32 v12, $0x4  }
0xa4: {  	v12 =	vor.u32 v0, v12;
	_ =	sdelay $0x3  }
0xa5: {  	v27 =	vsel vm0, $0x10000, v4;
	[tilespmem:v14+s2+$0x0] =	vst.idx.add.f32.msk $0xffff, v26  }
0xa6: {  	[tilespmem:v12+s14+$0x0] =	vst.idx.add.s32.msk $0xffff, v27  }
0xa7: {  	v12 =	vld [tilespmem:s19+$0x1F2D0];
	_ =	sdelay $0x4  }
0xa8: {  	vm7 =	vgt.s32 v12, $0x9FF  }
0xa9: {  	v28 =	vsel vm7, $0xFFFF600, v3  }
0xaa: {  	v29 =	vshll.u32 v12, $0x4;
	v12 =	vadd.s32 v12, v28  }
0xab: {  	v30 =	vld [tilespmem:s19+$0x1E650];
	v14 =	vor.u32 v0, v29;
	v12 =	vshll.u32 v12, $0x4  }
0xac: {  	v12 =	vor.u32 v0, v12;
	_ =	sdelay $0x3  }
0xad: {  	v31 =	vsel vm7, $0x10000, v4;
	[tilespmem:v14+s2+$0x0] =	vst.idx.add.f32.msk $0xffff, v30  }
0xae: {  	[tilespmem:v12+s14+$0x0] =	vst.idx.add.s32.msk $0xffff, v31  }
0xaf: {  	v12 =	vld [tilespmem:s19+$0x1F2E0];
	_ =	sdelay $0x4  }
0xb0: {  	vm8 =	vgt.s32 v12, $0x9FF  }
0xb1: {  	v32 =	vsel vm8, $0xFFFF600, v3  }
0xb2: {  	v33 =	vshll.u32 v12, $0x4;
	v12 =	vadd.s32 v12, v32  }
0xb3: {  	v34 =	vld [tilespmem:s19+$0x1E660];
	v14 =	vor.u32 v0, v33;
	v12 =	vshll.u32 v12, $0x4  }
0xb4: {  	v12 =	vor.u32 v0, v12;
	_ =	sdelay $0x3  }
0xb5: {  	v35 =	vsel vm8, $0x10000, v4;
	[tilespmem:v14+s2+$0x0] =	vst.idx.add.f32.msk $0xffff, v34  }
0xb6: {  	[tilespmem:v12+s14+$0x0] =	vst.idx.add.s32.msk $0xffff, v35  }
0xb7: {  	v12 =	vld [tilespmem:s19+$0x1F2F0];
	_ =	sdelay $0x4  }
0xb8: {  	vm9 =	vgt.s32 v12, $0x9FF  }
0xb9: {  	v36 =	vsel vm9, $0xFFFF600, v3  }
0xba: {  	v37 =	vshll.u32 v12, $0x4;
	v12 =	vadd.s32 v12, v36  }
0xbb: {  	v38 =	vld [tilespmem:s19+$0x1E670];
	v14 =	vor.u32 v0, v37;
	v12 =	vshll.u32 v12, $0x4  }
0xbc: {  	v12 =	vor.u32 v0, v12;
	_ =	sdelay $0x3  }
0xbd: {  	v39 =	vsel vm9, $0x10000, v4;
	[tilespmem:v14+s2+$0x0] =	vst.idx.add.f32.msk $0xffff, v38  }
0xbe: {  	[tilespmem:v12+s14+$0x0] =	vst.idx.add.s32.msk $0xffff, v39  }
0xbf: {  	v12 =	vld [tilespmem:s19+$0x1F300];
	_ =	sdelay $0x4  }
0xc0: {  	vm10 =	vgt.s32 v12, $0x9FF  }
0xc1: {  	v40 =	vsel vm10, $0xFFFF600, v3  }
0xc2: {  	v41 =	vshll.u32 v12, $0x4;
	v12 =	vadd.s32 v12, v40  }
0xc3: {  	v42 =	vld [tilespmem:s19+$0x1E680];
	v14 =	vor.u32 v0, v41;
	v12 =	vshll.u32 v12, $0x4  }
0xc4: {  	v12 =	vor.u32 v0, v12;
	_ =	sdelay $0x3  }
0xc5: {  	v43 =	vsel vm10, $0x10000, v4;
	[tilespmem:v14+s2+$0x0] =	vst.idx.add.f32.msk $0xffff, v42  }
0xc6: {  	[tilespmem:v12+s14+$0x0] =	vst.idx.add.s32.msk $0xffff, v43  }
0xc7: {  	v12 =	vld [tilespmem:s19+$0x1F310];
	_ =	sdelay $0x4  }
0xc8: {  	vm11 =	vgt.s32 v12, $0x9FF  }
0xc9: {  	v44 =	vsel vm11, $0xFFFF600, v3  }
0xca: {  	v45 =	vshll.u32 v12, $0x4;
	v12 =	vadd.s32 v12, v44  }
0xcb: {  	v46 =	vld [tilespmem:s19+$0x1E690];
	v14 =	vor.u32 v0, v45;
	v12 =	vshll.u32 v12, $0x4  }
0xcc: {  	v12 =	vor.u32 v0, v12;
	_ =	sdelay $0x3  }
0xcd: {  	v47 =	vsel vm11, $0x10000, v4;
	[tilespmem:v14+s2+$0x0] =	vst.idx.add.f32.msk $0xffff, v46  }
0xce: {  	[tilespmem:v12+s14+$0x0] =	vst.idx.add.s32.msk $0xffff, v47  }
0xcf: {  	v12 =	vld [tilespmem:s19+$0x1F320];
	_ =	sdelay $0x4  }
0xd0: {  	vm12 =	vgt.s32 v12, $0x9FF  }
0xd1: {  	v48 =	vsel vm12, $0xFFFF600, v3  }
0xd2: {  	v49 =	vshll.u32 v12, $0x4;
	v12 =	vadd.s32 v12, v48  }
0xd3: {  	v50 =	vld [tilespmem:s19+$0x1E6A0];
	v14 =	vor.u32 v0, v49;
	v12 =	vshll.u32 v12, $0x4  }
0xd4: {  	v12 =	vor.u32 v0, v12;
	_ =	sdelay $0x3  }
0xd5: {  	v51 =	vsel vm12, $0x10000, v4;
	[tilespmem:v14+s2+$0x0] =	vst.idx.add.f32.msk $0xffff, v50  }
0xd6: {  	[tilespmem:v12+s14+$0x0] =	vst.idx.add.s32.msk $0xffff, v51  }
0xd7: {  	v12 =	vld [tilespmem:s19+$0x1F330];
	_ =	sdelay $0x4  }
0xd8: {  	vm13 =	vgt.s32 v12, $0x9FF  }
0xd9: {  	v52 =	vsel vm13, $0xFFFF600, v3  }
0xda: {  	v53 =	vshll.u32 v12, $0x4;
	v12 =	vadd.s32 v12, v52  }
0xdb: {  	v54 =	vld [tilespmem:s19+$0x1E6B0];
	v14 =	vor.u32 v0, v53;
	v12 =	vshll.u32 v12, $0x4  }
0xdc: {  	v12 =	vor.u32 v0, v12;
	_ =	sdelay $0x3  }
0xdd: {  	v55 =	vsel vm13, $0x10000, v4;
	[tilespmem:v14+s2+$0x0] =	vst.idx.add.f32.msk $0xffff, v54  }
0xde: {  	[tilespmem:v12+s14+$0x0] =	vst.idx.add.s32.msk $0xffff, v55  }
0xdf: {  	v12 =	vld [tilespmem:s19+$0x1F340];
	_ =	sdelay $0x4  }
0xe0: {  	vm14 =	vgt.s32 v12, $0x9FF  }
0xe1: {  	v56 =	vsel vm14, $0xFFFF600, v3  }
0xe2: {  	v57 =	vshll.u32 v12, $0x4;
	v12 =	vadd.s32 v12, v56  }
0xe3: {  	v58 =	vld [tilespmem:s19+$0x1E6C0];
	v14 =	vor.u32 v0, v57;
	v12 =	vshll.u32 v12, $0x4  }
0xe4: {  	v12 =	vor.u32 v0, v12;
	_ =	sdelay $0x3  }
0xe5: {  	v59 =	vsel vm14, $0x10000, v4;
	[tilespmem:v14+s2+$0x0] =	vst.idx.add.f32.msk $0xffff, v58  }
0xe6: {  	[tilespmem:v12+s14+$0x0] =	vst.idx.add.s32.msk $0xffff, v59  }
0xe7: {  	v12 =	vld [tilespmem:s19+$0x1F350];
	_ =	sdelay $0x4  }
0xe8: {  	vm15 =	vgt.s32 v12, $0x9FF  }
0xe9: {  	v60 =	vsel vm15, $0xFFFF600, v3  }
0xea: {  	v61 =	vshll.u32 v12, $0x4;
	v12 =	vadd.s32 v12, v60  }
0xeb: {  	v62 =	vld [tilespmem:s19+$0x1E6D0];
	v14 =	vor.u32 v0, v61;
	v12 =	vshll.u32 v12, $0x4  }
0xec: {  	p0 =	sne.s32 s18, $0x1680;
	v12 =	vor.u32 v0, v12  }
.Ltmp6:
0xed: {  	_ = 	snop;
	(pc) =	sbr.rel @p0 .LBB2_10-.Ltmp6, $3  }
0xee: {  	_ =	sdelay $0x1  }
0xef: {  	v63 =	vsel vm15, $0x10000, v4;
	[tilespmem:v14+s2+$0x0] =	vst.idx.add.f32.msk $0xffff, v62  }
0xf0: {  	s18 =	sadd.s32 $0x280, s18;
	[tilespmem:v12+s14+$0x0] =	vst.idx.add.s32.msk $0xffff, v63  }
.Ltmp7:
0xf1: {  	_ = 	snop;
	(pc) =	sbr.rel .LBB2_11-.Ltmp7, $1  }
0xf2: {  	_ =	sdelay $0x3  }
.LBB2_12:
0xf3: {  	s17 =	simm.s32 $0x0  }
0xf4: {  	v12 =	vor.u32 s17, v5  }
0xf5: {  	v13 =	vor.u32 s17, v1;
	_ =	sdelay $0x1  }
0xf6: {  	v14 =	vor.u32 s17, v6;
	_ =	sdelay $0x1  }
0xf7: {  	v15 =	vor.u32 s17, v7;
	v19 =	vld.idx.msk [tilespmem:v12+s2+$0x0], $0xffff  }
0xf8: {  	v20 =	vld.idx.msk [tilespmem:v13+s2+$0x0], $0xffff  }
0xf9: {  	v16 =	vor.u32 s17, v8  }
0xfa: {  	v21 =	vld.idx.msk [tilespmem:v14+s2+$0x0], $0xffff  }
0xfb: {  	v17 =	vor.u32 s17, v9  }
0xfc: {  	v22 =	vld.idx.msk [tilespmem:v15+s2+$0x0], $0xffff  }
0xfd: {  	v18 =	vor.u32 s17, v10;
	v20 =	vadd.f32 v19, v20  }
0xfe: {  	v23 =	vld.idx.msk [tilespmem:v16+s2+$0x0], $0xffff  }
0xff: {  	v19 =	vor.u32 s17, v11;
	v21 =	vadd.f32 v21, v20  }
0x100: {  	s28 =	simm.s32 $0x8;
	v24 =	vld.idx.msk [tilespmem:v17+s2+$0x0], $0xffff  }
0x101: {  	v20 =	vor.u32 s28, v1;
	v22 =	vadd.f32 v22, v21  }
0x102: {  	s29 =	simm.s32 $0x9;
	v25 =	vld.idx.msk [tilespmem:v18+s2+$0x0], $0xffff  }
0x103: {  	v21 =	vor.u32 s29, v5;
	v23 =	vadd.f32 v23, v22  }
0x104: {  	s30 =	simm.s32 $0xA;
	v26 =	vld.idx.msk [tilespmem:v19+s2+$0x0], $0xffff  }
0x105: {  	v22 =	vor.u32 s30, v6;
	v24 =	vadd.f32 v24, v23  }
0x106: {  	s31 =	simm.s32 $0xB;
	v27 =	vld.idx.msk [tilespmem:v20+s2+$0x0], $0xffff  }
0x107: {  	v23 =	vor.u32 s31, v7;
	v25 =	vadd.f32 v25, v24  }
0x108: {  	s18 =	simm.s32 $0xC;
	v28 =	vld.idx.msk [tilespmem:v21+s2+$0x0], $0xffff  }
0x109: {  	v24 =	vor.u32 s18, v8;
	v26 =	vadd.f32 v26, v25  }
0x10a: {  	s19 =	simm.s32 $0xD;
	v29 =	vld.idx.msk [tilespmem:v22+s2+$0x0], $0xffff  }
0x10b: {  	v25 =	vor.u32 s19, v9;
	v27 =	vadd.f32 v27, v26  }
0x10c: {  	s20 =	simm.s32 $0xE;
	v30 =	vld.idx.msk [tilespmem:v23+s2+$0x0], $0xffff  }
0x10d: {  	v26 =	vor.u32 s20, v10;
	v28 =	vadd.f32 v28, v27  }
0x10e: {  	s21 =	simm.s32 $0xF;
	v31 =	vld.idx.msk [tilespmem:v24+s2+$0x0], $0xffff  }
0x10f: {  	v27 =	vor.u32 s21, v11;
	v28 =	vadd.f32 v29, v28  }
0x110: {  	v29 =	vld.idx.msk [tilespmem:v25+s2+$0x0], $0xffff  }
0x111: {  	v28 =	vadd.f32 v30, v28  }
0x112: {  	v30 =	vld.idx.msk [tilespmem:v26+s2+$0x0], $0xffff  }
0x113: {  	v28 =	vadd.f32 v31, v28  }
0x114: {  	v31 =	vld.idx.msk [tilespmem:v27+s2+$0x0], $0xffff  }
0x115: {  	v29 =	vadd.f32 v29, v28  }
0x116: {  	s22 =	simm.s32 $0x100  }
0x117: {  	v28 =	vor.u32 s22, v5;
	v30 =	vadd.f32 v30, v29  }
0x118: {  	v29 =	vor.u32 s22, v1  }
0x119: {  	v31 =	vadd.f32 v31, v30  }
0x11a: {  	s18 =	simm.s32 $0x0;
	v30 =	vor.u32 s22, v6  }
0x11b: {  	[tilespmem:s18+$0x0] =	vst v31  }
0x11c: {  	v31 =	vor.u32 s22, v7;
	v35 =	vld.idx.msk [tilespmem:v28+s2+$0x0], $0xffff  }
0x11d: {  	v36 =	vld.idx.msk [tilespmem:v29+s2+$0x0], $0xffff  }
0x11e: {  	v32 =	vor.u32 s22, v8  }
0x11f: {  	v37 =	vld.idx.msk [tilespmem:v30+s2+$0x0], $0xffff  }
0x120: {  	v33 =	vor.u32 s22, v9  }
0x121: {  	v38 =	vld.idx.msk [tilespmem:v31+s2+$0x0], $0xffff  }
0x122: {  	v34 =	vor.u32 s22, v10;
	v36 =	vadd.f32 v35, v36  }
0x123: {  	v39 =	vld.idx.msk [tilespmem:v32+s2+$0x0], $0xffff  }
0x124: {  	v35 =	vor.u32 s22, v11;
	v37 =	vadd.f32 v37, v36  }
0x125: {  	s23 =	simm.s32 $0x108;
	v40 =	vld.idx.msk [tilespmem:v33+s2+$0x0], $0xffff  }
0x126: {  	v36 =	vor.u32 s23, v1;
	v38 =	vadd.f32 v38, v37  }
0x127: {  	s24 =	simm.s32 $0x109;
	v41 =	vld.idx.msk [tilespmem:v34+s2+$0x0], $0xffff  }
0x128: {  	v37 =	vor.u32 s24, v5;
	v39 =	vadd.f32 v39, v38  }
0x129: {  	s25 =	simm.s32 $0x10A;
	v42 =	vld.idx.msk [tilespmem:v35+s2+$0x0], $0xffff  }
0x12a: {  	v38 =	vor.u32 s25, v6;
	v40 =	vadd.f32 v40, v39  }
0x12b: {  	s26 =	simm.s32 $0x10B;
	v43 =	vld.idx.msk [tilespmem:v36+s2+$0x0], $0xffff  }
0x12c: {  	v39 =	vor.u32 s26, v7;
	v41 =	vadd.f32 v41, v40  }
0x12d: {  	v44 =	vld.idx.msk [tilespmem:v37+s2+$0x0], $0xffff  }
0x12e: {  	v42 =	vadd.f32 v42, v41  }
0x12f: {  	s28 =	simm.s32 $0x10C;
	v45 =	vld.idx.msk [tilespmem:v38+s2+$0x0], $0xffff  }
0x130: {  	v40 =	vor.u32 s28, v8;
	v43 =	vadd.f32 v43, v42  }
0x131: {  	s29 =	simm.s32 $0x10D;
	v46 =	vld.idx.msk [tilespmem:v39+s2+$0x0], $0xffff  }
0x132: {  	v41 =	vor.u32 s29, v9;
	v43 =	vadd.f32 v44, v43  }
0x133: {  	s30 =	simm.s32 $0x10E  }
0x134: {  	v42 =	vor.u32 s30, v10;
	v43 =	vadd.f32 v45, v43  }
0x135: {  	s31 =	simm.s32 $0x10F;
	v62 =	vld.idx.msk [tilespmem:v40+s2+$0x0], $0xffff  }
0x136: {  	v46 =	vadd.f32 v46, v43;
	v43 =	vor.u32 s31, v11  }
0x137: {  	v63 =	vld.idx.msk [tilespmem:v41+s2+$0x0], $0xffff;
	_ =	sdelay $0x1  }
0x138: {  	v47 =	vld.idx.msk [tilespmem:v42+s2+$0x0], $0xffff  }
0x139: {  	v44 =	vadd.f32 v62, v46  }
0x13a: {  	v45 =	vld.idx.msk [tilespmem:v43+s2+$0x0], $0xffff  }
0x13b: {  	v46 =	vadd.f32 v63, v44  }
0x13c: {  	s21 =	simm.s32 $0x200  }
0x13d: {  	s17 =	simm.s32 $0x20F;
	s19 =	simm.s32 $0x20F;
	s20 =	simm.s32 $0x30F;
	v44 =	vor.u32 s21, v5;
	v46 =	vadd.f32 v47, v46  }
.LBB2_13:
0x13e: {  	p0 =	sne.s32 s20, $0x13F0F;
	v47 =	vor.u32 s21, v1  }
0x13f: {  	v45 =	vadd.f32 v45, v46  }
0x140: {  	s18 =	sadd.s32 $0x10, s18;
	v46 =	vor.u32 s21, v6  }
0x141: {  	[tilespmem:s18+$0x0] =	vst v45  }
0x142: {  	v45 =	vor.u32 s21, v7;
	v44 =	vld.idx.msk [tilespmem:v44+s2+$0x0], $0xffff  }
0x143: {  	v47 =	vld.idx.msk [tilespmem:v47+s2+$0x0], $0xffff  }
0x144: {  	v48 =	vor.u32 s21, v8  }
0x145: {  	v46 =	vld.idx.msk [tilespmem:v46+s2+$0x0], $0xffff  }
0x146: {  	v49 =	vor.u32 s21, v9  }
0x147: {  	v45 =	vld.idx.msk [tilespmem:v45+s2+$0x0], $0xffff  }
0x148: {  	v50 =	vor.u32 s21, v10  }
0x149: {  	v44 =	vadd.f32 v44, v47;
	v47 =	vld.idx.msk [tilespmem:v48+s2+$0x0], $0xffff  }
0x14a: {  	v48 =	vor.u32 s21, v11  }
0x14b: {  	s21 =	sadd.s32 $0xFFFFFFF9, s19;
	v44 =	vadd.f32 v46, v44;
	v46 =	vld.idx.msk [tilespmem:v49+s2+$0x0], $0xffff  }
0x14c: {  	v49 =	vor.u32 s21, v1  }
0x14d: {  	s21 =	sadd.s32 $0xFFFFFFFA, s19;
	v44 =	vadd.f32 v45, v44;
	v45 =	vld.idx.msk [tilespmem:v50+s2+$0x0], $0xffff  }
0x14e: {  	v50 =	vor.u32 s21, v5  }
0x14f: {  	s21 =	sadd.s32 $0xFFFFFFFB, s19;
	v44 =	vadd.f32 v47, v44;
	v47 =	vld.idx.msk [tilespmem:v48+s2+$0x0], $0xffff  }
0x150: {  	v48 =	vor.u32 s21, v6  }
0x151: {  	s21 =	sadd.s32 $0xFFFFFFFC, s19;
	v44 =	vadd.f32 v46, v44;
	v46 =	vld.idx.msk [tilespmem:v49+s2+$0x0], $0xffff  }
0x152: {  	v49 =	vor.u32 s21, v7  }
0x153: {  	s21 =	sadd.s32 $0xFFFFFFFD, s19;
	v44 =	vadd.f32 v45, v44;
	v45 =	vld.idx.msk [tilespmem:v50+s2+$0x0], $0xffff  }
0x154: {  	v50 =	vor.u32 s21, v8  }
0x155: {  	s21 =	sadd.s32 $0xFFFFFFFE, s19;
	v44 =	vadd.f32 v47, v44;
	v47 =	vld.idx.msk [tilespmem:v48+s2+$0x0], $0xffff  }
0x156: {  	v48 =	vor.u32 s21, v9  }
0x157: {  	s21 =	sadd.s32 $0xFFFFFFFF, s19;
	v44 =	vadd.f32 v46, v44;
	v46 =	vld.idx.msk [tilespmem:v49+s2+$0x0], $0xffff  }
0x158: {  	v49 =	vor.u32 s21, v10  }
0x159: {  	v44 =	vadd.f32 v45, v44;
	v45 =	vld.idx.msk [tilespmem:v50+s2+$0x0], $0xffff  }
0x15a: {  	v50 =	vor.u32 s19, v11;
	s19 =	smov.u32 s20  }
0x15b: {  	v44 =	vadd.f32 v47, v44;
	v47 =	vld.idx.msk [tilespmem:v48+s2+$0x0], $0xffff;
	_ =	sdelay $0x1  }
0x15c: {  	v44 =	vadd.f32 v46, v44;
	v46 =	vld.idx.msk [tilespmem:v49+s2+$0x0], $0xffff;
	_ =	sdelay $0x1  }
.Ltmp8:
0x15d: {  	v44 =	vadd.f32 v45, v44;
	v45 =	vld.idx.msk [tilespmem:v50+s2+$0x0], $0xffff;
	(pc) =	sbr.rel @p0 .LBB2_13-.Ltmp8, $4  }
0x15e: {  	_ = 	snop  }
0x15f: {  	v47 =	vadd.f32 v47, v44  }
0x160: {  	s21 =	sadd.s32 $0xFFFFFFF1, s20  }
0x161: {  	s20 =	sadd.s32 $0x100, s20;
	v44 =	vor.u32 s21, v5;
	v46 =	vadd.f32 v46, v47  }
0x162: {  	v47 =	vor.u32 s21, v1  }
0x163: {  	v45 =	vadd.f32 v45, v46  }
0x164: {  	v53 =	vor.u32 s21, v6;
	s18 =	sadd.s32 $0x10, s18  }
0x165: {  	[tilespmem:s18+$0x0] =	vst v45  }
0x166: {  	v54 =	vor.u32 s21, v7;
	v44 =	vld.idx.msk [tilespmem:v44+s2+$0x0], $0xffff  }
0x167: {  	v47 =	vld.idx.msk [tilespmem:v47+s2+$0x0], $0xffff  }
0x168: {  	v48 =	vor.u32 s21, v8  }
0x169: {  	v46 =	vld.idx.msk [tilespmem:v53+s2+$0x0], $0xffff  }
0x16a: {  	v49 =	vor.u32 s21, v9  }
0x16b: {  	v45 =	vld.idx.msk [tilespmem:v54+s2+$0x0], $0xffff  }
0x16c: {  	v50 =	vor.u32 s21, v10;
	v44 =	vadd.f32 v44, v47  }
0x16d: {  	v55 =	vld.idx.msk [tilespmem:v48+s2+$0x0], $0xffff  }
0x16e: {  	v56 =	vor.u32 s21, v11;
	v44 =	vadd.f32 v46, v44  }
0x16f: {  	s20 =	sadd.s32 $0xFFFFFFF9, s19;
	v57 =	vld.idx.msk [tilespmem:v49+s2+$0x0], $0xffff  }
0x170: {  	v58 =	vor.u32 s20, v1;
	v44 =	vadd.f32 v45, v44  }
0x171: {  	s25 =	sadd.s32 $0xFFFFFFFA, s19;
	v59 =	vld.idx.msk [tilespmem:v50+s2+$0x0], $0xffff  }
0x172: {  	v60 =	vor.u32 s25, v5;
	v44 =	vadd.f32 v55, v44  }
0x173: {  	s26 =	sadd.s32 $0xFFFFFFFB, s19;
	v61 =	vld.idx.msk [tilespmem:v56+s2+$0x0], $0xffff  }
0x174: {  	v62 =	vor.u32 s26, v6;
	v44 =	vadd.f32 v57, v44  }
0x175: {  	s28 =	sadd.s32 $0xFFFFFFFC, s19;
	v63 =	vld.idx.msk [tilespmem:v58+s2+$0x0], $0xffff  }
0x176: {  	v52 =	vor.u32 s28, v7;
	v44 =	vadd.f32 v59, v44  }
0x177: {  	s29 =	sadd.s32 $0xFFFFFFFD, s19;
	v53 =	vld.idx.msk [tilespmem:v60+s2+$0x0], $0xffff  }
0x178: {  	v54 =	vor.u32 s29, v8;
	v44 =	vadd.f32 v61, v44  }
0x179: {  	s30 =	sadd.s32 $0xFFFFFFFE, s19;
	v55 =	vld.idx.msk [tilespmem:v62+s2+$0x0], $0xffff  }
0x17a: {  	v56 =	vor.u32 s30, v9;
	v44 =	vadd.f32 v63, v44  }
0x17b: {  	s31 =	sadd.s32 $0xFFFFFFFF, s19;
	v57 =	vld.idx.msk [tilespmem:v52+s2+$0x0], $0xffff  }
0x17c: {  	v58 =	vor.u32 s31, v10;
	v44 =	vadd.f32 v53, v44  }
0x17d: {  	v59 =	vld.idx.msk [tilespmem:v54+s2+$0x0], $0xffff  }
0x17e: {  	v60 =	vor.u32 s19, v11;
	v44 =	vadd.f32 v55, v44  }
0x17f: {  	v61 =	vld.idx.msk [tilespmem:v56+s2+$0x0], $0xffff  }
0x180: {  	v44 =	vadd.f32 v57, v44  }
0x181: {  	v62 =	vld.idx.msk [tilespmem:v58+s2+$0x0], $0xffff  }
0x182: {  	v44 =	vadd.f32 v59, v44  }
0x183: {  	v63 =	vld.idx.msk [tilespmem:v60+s2+$0x0], $0xffff  }
0x184: {  	v44 =	vadd.f32 v61, v44;
	_ =	sdelay $0x1  }
0x185: {  	v44 =	vadd.f32 v62, v44;
	_ =	sdelay $0x1  }
0x186: {  	v44 =	vadd.f32 v63, v44  }
0x187: {  	s18 =	sadd.s32 $0x10, s18  }
0x188: {  	[tilespmem:s18+$0x0] =	vst v44  }
0x189: {  	v12 =	vld.idx.msk [tilespmem:v12+s14+$0x0], $0xffff  }
0x18a: {  	v13 =	vld.idx.msk [tilespmem:v13+s14+$0x0], $0xffff  }
0x18b: {  	v14 =	vld.idx.msk [tilespmem:v14+s14+$0x0], $0xffff  }
0x18c: {  	v15 =	vld.idx.msk [tilespmem:v15+s14+$0x0], $0xffff  }
0x18d: {  	v16 =	vld.idx.msk [tilespmem:v16+s14+$0x0], $0xffff  }
0x18e: {  	v17 =	vld.idx.msk [tilespmem:v17+s14+$0x0], $0xffff  }
0x18f: {  	v18 =	vld.idx.msk [tilespmem:v18+s14+$0x0], $0xffff;
	v12 =	vadd.s32 v13, v12  }
0x190: {  	v13 =	vld.idx.msk [tilespmem:v19+s14+$0x0], $0xffff;
	v12 =	vadd.s32 v14, v12  }
0x191: {  	v14 =	vld.idx.msk [tilespmem:v20+s14+$0x0], $0xffff;
	v12 =	vadd.s32 v15, v12  }
0x192: {  	v15 =	vld.idx.msk [tilespmem:v21+s14+$0x0], $0xffff;
	v12 =	vadd.s32 v16, v12  }
0x193: {  	v16 =	vld.idx.msk [tilespmem:v22+s14+$0x0], $0xffff;
	v12 =	vadd.s32 v17, v12  }
0x194: {  	v17 =	vld.idx.msk [tilespmem:v23+s14+$0x0], $0xffff;
	v12 =	vadd.s32 v18, v12  }
0x195: {  	v18 =	vld.idx.msk [tilespmem:v24+s14+$0x0], $0xffff;
	v12 =	vadd.s32 v13, v12  }
0x196: {  	v13 =	vld.idx.msk [tilespmem:v25+s14+$0x0], $0xffff;
	v12 =	vadd.s32 v14, v12  }
0x197: {  	v14 =	vld.idx.msk [tilespmem:v26+s14+$0x0], $0xffff;
	v12 =	vadd.s32 v15, v12  }
0x198: {  	v15 =	vld.idx.msk [tilespmem:v27+s14+$0x0], $0xffff;
	v12 =	vadd.s32 v16, v12  }
0x199: {  	v12 =	vadd.s32 v17, v12  }
0x19a: {  	v12 =	vadd.s32 v18, v12  }
0x19b: {  	v12 =	vadd.s32 v13, v12  }
0x19c: {  	v12 =	vadd.s32 v14, v12  }
0x19d: {  	s18 =	simm.s32 $0x14000;
	v12 =	vadd.s32 v15, v12  }
0x19e: {  	[tilespmem:s18+$0x0] =	vst v12  }
0x19f: {  	v12 =	vld.idx.msk [tilespmem:v28+s14+$0x0], $0xffff  }
0x1a0: {  	v13 =	vld.idx.msk [tilespmem:v29+s14+$0x0], $0xffff  }
0x1a1: {  	v14 =	vld.idx.msk [tilespmem:v30+s14+$0x0], $0xffff  }
0x1a2: {  	v15 =	vld.idx.msk [tilespmem:v31+s14+$0x0], $0xffff  }
0x1a3: {  	v16 =	vld.idx.msk [tilespmem:v32+s14+$0x0], $0xffff  }
0x1a4: {  	v17 =	vld.idx.msk [tilespmem:v33+s14+$0x0], $0xffff  }
0x1a5: {  	v18 =	vld.idx.msk [tilespmem:v34+s14+$0x0], $0xffff;
	v12 =	vadd.s32 v13, v12  }
0x1a6: {  	v13 =	vld.idx.msk [tilespmem:v35+s14+$0x0], $0xffff;
	v12 =	vadd.s32 v14, v12  }
0x1a7: {  	v14 =	vld.idx.msk [tilespmem:v36+s14+$0x0], $0xffff;
	v12 =	vadd.s32 v15, v12  }
0x1a8: {  	v15 =	vld.idx.msk [tilespmem:v37+s14+$0x0], $0xffff;
	v12 =	vadd.s32 v16, v12  }
0x1a9: {  	v16 =	vld.idx.msk [tilespmem:v38+s14+$0x0], $0xffff;
	v12 =	vadd.s32 v17, v12  }
0x1aa: {  	v17 =	vld.idx.msk [tilespmem:v39+s14+$0x0], $0xffff;
	v12 =	vadd.s32 v18, v12  }
0x1ab: {  	v18 =	vld.idx.msk [tilespmem:v40+s14+$0x0], $0xffff;
	v12 =	vadd.s32 v13, v12  }
0x1ac: {  	v13 =	vld.idx.msk [tilespmem:v41+s14+$0x0], $0xffff;
	v12 =	vadd.s32 v14, v12  }
0x1ad: {  	v14 =	vld.idx.msk [tilespmem:v42+s14+$0x0], $0xffff;
	v12 =	vadd.s32 v15, v12  }
0x1ae: {  	v15 =	vld.idx.msk [tilespmem:v43+s14+$0x0], $0xffff;
	v12 =	vadd.s32 v16, v12  }
0x1af: {  	s20 =	simm.s32 $0x200;
	v16 =	vadd.s32 v17, v12  }
0x1b0: {  	s19 =	simm.s32 $0x30F;
	v12 =	vor.u32 s20, v5;
	v16 =	vadd.s32 v18, v16  }
.LBB2_15:
0x1b1: {  	p0 =	sne.s32 s19, $0x9F0F;
	v17 =	vor.u32 s20, v1;
	v13 =	vadd.s32 v13, v16  }
0x1b2: {  	v16 =	vor.u32 s20, v6;
	v13 =	vadd.s32 v14, v13  }
0x1b3: {  	s18 =	sadd.s32 $0x10, s18;
	v14 =	vor.u32 s20, v7;
	v13 =	vadd.s32 v15, v13  }
0x1b4: {  	v15 =	vor.u32 s20, v8;
	[tilespmem:s18+$0x0] =	vst v13  }
0x1b5: {  	v13 =	vor.u32 s20, v9;
	v12 =	vld.idx.msk [tilespmem:v12+s14+$0x0], $0xffff  }
0x1b6: {  	v18 =	vor.u32 s20, v10;
	v17 =	vld.idx.msk [tilespmem:v17+s14+$0x0], $0xffff  }
0x1b7: {  	v19 =	vor.u32 s20, v11;
	s20 =	sadd.s32 $0xFFFFFFF9, s17;
	v16 =	vld.idx.msk [tilespmem:v16+s14+$0x0], $0xffff  }
0x1b8: {  	v20 =	vor.u32 s20, v1;
	s20 =	sadd.s32 $0xFFFFFFFA, s17;
	v14 =	vld.idx.msk [tilespmem:v14+s14+$0x0], $0xffff  }
0x1b9: {  	v21 =	vor.u32 s20, v5;
	s20 =	sadd.s32 $0xFFFFFFFB, s17;
	v15 =	vld.idx.msk [tilespmem:v15+s14+$0x0], $0xffff  }
0x1ba: {  	v22 =	vor.u32 s20, v6;
	s20 =	sadd.s32 $0xFFFFFFFC, s17;
	v13 =	vld.idx.msk [tilespmem:v13+s14+$0x0], $0xffff  }
0x1bb: {  	v23 =	vor.u32 s20, v7;
	s20 =	sadd.s32 $0xFFFFFFFD, s17;
	v18 =	vld.idx.msk [tilespmem:v18+s14+$0x0], $0xffff  }
0x1bc: {  	v12 =	vadd.s32 v17, v12;
	v17 =	vld.idx.msk [tilespmem:v19+s14+$0x0], $0xffff;
	v19 =	vor.u32 s20, v8;
	s20 =	sadd.s32 $0xFFFFFFFE, s17  }
0x1bd: {  	v12 =	vadd.s32 v16, v12;
	v16 =	vld.idx.msk [tilespmem:v20+s14+$0x0], $0xffff;
	v20 =	vor.u32 s20, v9;
	s20 =	sadd.s32 $0xFFFFFFFF, s17  }
0x1be: {  	v12 =	vadd.s32 v14, v12;
	v21 =	vld.idx.msk [tilespmem:v21+s14+$0x0], $0xffff;
	v14 =	vor.u32 s20, v10  }
0x1bf: {  	v12 =	vadd.s32 v15, v12;
	v15 =	vor.u32 s17, v11;
	s17 =	smov.u32 s19;
	v22 =	vld.idx.msk [tilespmem:v22+s14+$0x0], $0xffff  }
0x1c0: {  	v12 =	vadd.s32 v13, v12;
	v23 =	vld.idx.msk [tilespmem:v23+s14+$0x0], $0xffff  }
0x1c1: {  	v12 =	vadd.s32 v18, v12;
	v18 =	vld.idx.msk [tilespmem:v19+s14+$0x0], $0xffff  }
0x1c2: {  	v12 =	vadd.s32 v17, v12;
	v13 =	vld.idx.msk [tilespmem:v20+s14+$0x0], $0xffff  }
.Ltmp9:
0x1c3: {  	v12 =	vadd.s32 v16, v12;
	v14 =	vld.idx.msk [tilespmem:v14+s14+$0x0], $0xffff;
	(pc) =	sbr.rel @p0 .LBB2_15-.Ltmp9, $4  }
0x1c4: {  	v12 =	vadd.s32 v21, v12;
	v15 =	vld.idx.msk [tilespmem:v15+s14+$0x0], $0xffff  }
0x1c5: {  	v12 =	vadd.s32 v22, v12  }
0x1c6: {  	s20 =	sadd.s32 $0xFFFFFFF1, s19;
	v16 =	vadd.s32 v23, v12  }
0x1c7: {  	s19 =	sadd.s32 $0x100, s19;
	v12 =	vor.u32 s20, v5;
	v16 =	vadd.s32 v18, v16  }
0x1c8: {  	v17 =	vor.u32 s20, v1;
	v13 =	vadd.s32 v13, v16  }
0x1c9: {  	v47 =	vor.u32 s20, v6;
	v13 =	vadd.s32 v14, v13  }
0x1ca: {  	v48 =	vor.u32 s20, v7;
	s18 =	sadd.s32 $0x10, s18;
	v13 =	vadd.s32 v15, v13  }
0x1cb: {  	v49 =	vor.u32 s20, v8;
	[tilespmem:s18+$0x0] =	vst v13  }
0x1cc: {  	v50 =	vor.u32 s20, v9;
	v12 =	vld.idx.msk [tilespmem:v12+s14+$0x0], $0xffff  }
0x1cd: {  	v18 =	vor.u32 s20, v10;
	v17 =	vld.idx.msk [tilespmem:v17+s14+$0x0], $0xffff  }
0x1ce: {  	v19 =	vor.u32 s20, v11;
	s19 =	sadd.s32 $0xFFFFFFF9, s17;
	v16 =	vld.idx.msk [tilespmem:v47+s14+$0x0], $0xffff  }
0x1cf: {  	s24 =	sadd.s32 $0xFFFFFFFA, s17;
	v20 =	vor.u32 s19, v1;
	v14 =	vld.idx.msk [tilespmem:v48+s14+$0x0], $0xffff  }
0x1d0: {  	s25 =	sadd.s32 $0xFFFFFFFB, s17;
	v21 =	vor.u32 s24, v5;
	v15 =	vld.idx.msk [tilespmem:v49+s14+$0x0], $0xffff  }
0x1d1: {  	s26 =	sadd.s32 $0xFFFFFFFC, s17;
	v22 =	vor.u32 s25, v6;
	v13 =	vld.idx.msk [tilespmem:v50+s14+$0x0], $0xffff  }
0x1d2: {  	s28 =	sadd.s32 $0xFFFFFFFD, s17;
	v23 =	vor.u32 s26, v7;
	v18 =	vld.idx.msk [tilespmem:v18+s14+$0x0], $0xffff;
	v12 =	vadd.s32 v17, v12  }
0x1d3: {  	s29 =	sadd.s32 $0xFFFFFFFE, s17;
	v52 =	vor.u32 s28, v8;
	v51 =	vld.idx.msk [tilespmem:v19+s14+$0x0], $0xffff;
	v12 =	vadd.s32 v16, v12  }
0x1d4: {  	s30 =	sadd.s32 $0xFFFFFFFF, s17;
	v54 =	vor.u32 s29, v9;
	v53 =	vld.idx.msk [tilespmem:v20+s14+$0x0], $0xffff;
	v12 =	vadd.s32 v14, v12  }
0x1d5: {  	v56 =	vor.u32 s30, v10;
	v55 =	vld.idx.msk [tilespmem:v21+s14+$0x0], $0xffff;
	v12 =	vadd.s32 v15, v12  }
0x1d6: {  	v58 =	vor.u32 s17, v11;
	v57 =	vld.idx.msk [tilespmem:v22+s14+$0x0], $0xffff;
	v12 =	vadd.s32 v13, v12  }
0x1d7: {  	v59 =	vld.idx.msk [tilespmem:v23+s14+$0x0], $0xffff;
	v12 =	vadd.s32 v18, v12  }
0x1d8: {  	v60 =	vld.idx.msk [tilespmem:v52+s14+$0x0], $0xffff;
	v12 =	vadd.s32 v51, v12  }
0x1d9: {  	v61 =	vld.idx.msk [tilespmem:v54+s14+$0x0], $0xffff;
	v12 =	vadd.s32 v53, v12  }
0x1da: {  	v62 =	vld.idx.msk [tilespmem:v56+s14+$0x0], $0xffff;
	v12 =	vadd.s32 v55, v12  }
0x1db: {  	v63 =	vld.idx.msk [tilespmem:v58+s14+$0x0], $0xffff;
	v12 =	vadd.s32 v57, v12  }
0x1dc: {  	v12 =	vadd.s32 v59, v12  }
0x1dd: {  	v12 =	vadd.s32 v60, v12  }
0x1de: {  	v12 =	vadd.s32 v61, v12  }
0x1df: {  	v12 =	vadd.s32 v62, v12  }
0x1e0: {  	s31 =	sadd.s32 $0x10, s18;
	v12 =	vadd.s32 v63, v12  }
0x1e1: {  	[tilespmem:s31+$0x0] =	vst v12  }
0x1e2: {  	[hbm4b:s8+s2] =	stream.linear.scatter [tilespmem:s2], [sflag:$0x2], $0x1400, $0x38;
	[tilespmem:$0x1F900] =	vst v63  }
0x1e3: {  	s16 =	sadd.s32 $0x1, s16;
	_ =	swait.ge [sflag:s15], $0x1400  }
0x1e4: {  	p0 =	sne.s32 s16, s10;
	[sflag:s15] =	ssyncset.done $0x0  }
.Ltmp10:
0x1e5: {  	[sflag:s15] =	ssyncadd.s32 $0xFFFFEC00;
	(pc) =	sbr.rel @p0 .LBB2_1-.Ltmp10, $4  }
0x1e6: {  	[hbm4b:s9+s2] =	stream.linear.scatter [tilespmem:s14], [sflag:$0x2], $0xA00, $0x38;
	[tilespmem:$0x1F900] =	vst v63  }
0x1e7: {  	_ =	swait.ge [sflag:s15], $0xA00  }
0x1e8: {  	[sflag:s15] =	ssyncset.done $0x0  }
0x1e9: {  	[sflag:s15] =	ssyncadd.s32 $0xFFFFF600  }
0x1ea: {  	_ =	sfence.sel $0x180000  }
0x1eb: {  	[bflag:$0x0] =	sbarrier.arrive $0xFFFF  }
0x1ec: {  	p0 =	sne.s32 s0, $0x0;
	_ =	strace $0x90000047  }
0x1ed: {  	s0 =	sadd.s32 @!p0 $0x100000, s1;
	[bflag:$0x2] =	sbarrier.arrive $0xFFFF  }
0x1ee: {  	[sflag:s0] =	ssyncadd.tile.s32 @!p0 $0x1;
	_ =	shalt  }
.Lfunc_end2:
_tile_overlayer_lowered:
.L_overlay_start_2:
0x1ef: {  	(tag) =	ssettag $0x2  }
0x1f0: {  	s0 =	rddreg [dreg:$0x0];
	s2 =	stileid.u32  }
0x1f1: {  	s1 =	rddreg [dreg:$0x1];
	p0 =	sne.s32 s2, $0x0  }
0x1f2: {  	s3 =	rddreg [dreg:$0x2];
	[bflag:$0x3] =	sbarrier.arrive $0xFFFF;
	s2 =	simm.s32 @!p0 $0x1C02  }
0x1f3: {  	[timem:s3], [sflag:s2] =	dma.local @!p0 [hbm:s0], s1  }
0x1f4: {  	s0 =	simm.s32 @!p0 $0x2  }
0x1f5: {  	_ =	swait.ge @!p0 [sflag:s0], s1  }
0x1f6: {  	s1 =	ssub.s32 @!p0 $0x0, s1;
	[sflag:s0] =	ssyncset.done @!p0 $0x0  }
0x1f7: {  	[sflag:s0] =	ssyncadd.s32 @!p0 s1  }
0x1f8: {  	[bflag:$0x3] =	sbarrier.arrive $0xFFFF  }
0x1f9: {  	_ =	shalt  }

// kernel: kernel.8.cloned.1.call-start
scs
__scs_entry_jumppad:
0x0: {  	(pc) =	sbr.rel $0x88, $3  }
0x1: {  	(tag) =	ssettag $0x0;
	lr =	simm.s32 $0x1  }
0x2: {  	[smem:$0x3F9D] =	sst lr;
	_ =	strace $0xD0000000  }
0x3: {  	_ = 	snop  }
0x4: {  	_ = 	snop  }
0x5: {  	_ = 	snop  }
0x6: {  	_ = 	snop  }
0x7: {  	_ = 	snop  }
__scs_overlays_trampoline_lowered:
0x8: {  	[smem:$0x3FAC] =	sst s0  }
0x9: {  	[smem:$0x3FAD] =	sst s1  }
0xa: {  	[smem:$0x3FAE] =	sst s2  }
0xb: {  	[smem:$0x3FAF] =	sst s3  }
0xc: {  	[smem:$0x3FB0] =	sst s4  }
0xd: {  	[smem:$0x3FB1] =	sst s5  }
0xe: {  	[smem:$0x3FB2] =	sst s6  }
0xf: {  	[smem:$0x3FB3] =	sst s7  }
0x10: {  	[smem:$0x3FB4] =	sst s8  }
0x11: {  	[smem:$0x3FB5] =	sst s9;
	s0 =	simm.s32 @!p0 $0x0  }
0x12: {  	s1 =	sld [smem:$0x3F9B];
	s0 =	simm.s32 @p0 $0x1  }
0x13: {  	[smem:$0x3FB6] =	sst s0;
	s0 =	simm.s32 @!p1 $0x0  }
0x14: {  	s2 =	sld [smem:$0x3F9A];
	s0 =	simm.s32 @p1 $0x1  }
0x15: {  	[smem:$0x3FB7] =	sst s0;
	s0 =	simm.s32 @!p2 $0x0  }
0x16: {  	s3 =	sld [smem:$0x3FDB];
	s0 =	simm.s32 @p2 $0x1  }
0x17: {  	s4 =	simm.s32 $0x1BF5;
	[smem:$0x3FB9] =	sst s0  }
0x18: {  	s0 =	sld [smem:$0x3F9C];
	_ =	swait.ge [sflag:s4], $0x0  }
0x19: {  	s7 =	sld [smem:$0x3F9D]  }
0x1a: {  	s8 =	sadd.s32 $0xFFFFE003, lr  }
0x1b: {  	s9 =	sadd.s32 $0xFFFFFEF7, lr;
	s5 =	simm.s32 $0xFFFFFFFF;
	p2 =	slt.u32 s8, $0xFFFFF086  }
0x1c: {  	p1 =	slt.u32 s9, $0xF7A;
	s5 =	simm.s32 @!p2 $0x0  }
0x1d: {  	s5 =	simm.s32 @p1 $0x1;
	p0 =	seq.s32 s7, s2  }
0x1e: {  	s7 =	smul.u32 @!p0 $0xF7A, s2;
	p2 =	seq.s32 @!p0 s5, $0x0  }
0x1f: {  	s9 =	smul.u32 $0xF7A, s1;
	s8 =	simm.s32 @!p0 $0x1BF5;
	p2 =	por !p2, p0  }
0x20: {  	[sflag:s8] =	ssyncset.s32 @!p0 $0xFFFFF086;
	s6 =	sadd.s32 @!p0 s3, s7;
	s7 =	simm.s32 @!p0 $0x108  }
0x21: {  	s3 =	sadd.s32 s3, s9;
	s6 =	sadd.s32 @!p0 $0x88, s6;
	s7 =	simm.s32 @p2 $0x1082  }
0x22: {  	[simem:s7], [sflag:s8] =	dma.local @!p0 [hbm:s6], $0xF7A  }
0x23: {  	s9 =	sor.u32 $0xD0000000, s2;
	s6 =	simm.s32 $0x108;
	_ =	swait.ge @!p0 [sflag:s8], $0x0  }
0x24: {  	s3 =	sadd.s32 $0x88, s3;
	s6 =	simm.s32 @!p1 $0x1082;
	[sflag:s4] =	ssyncset.s32 $0xFFFFF086  }
0x25: {  	[simem:s6], [sflag:s4] =	dma.local [hbm:s3], $0xF7A  }
0x26: {  	[smem:$0x3F9D] =	sst s1;
	(tag) =	ssettag s2;
	_ =	strace s9  }
0x27: {  	s1 =	sld [smem:$0x3FAD]  }
0x28: {  	s2 =	sld [smem:$0x3FAE]  }
0x29: {  	s4 =	sld [smem:$0x3FB0]  }
0x2a: {  	p0 =	seq.s32 s5, $0x0;
	s5 =	sld [smem:$0x3FB1]  }
0x2b: {  	s6 =	sld [smem:$0x3FB2]  }
0x2c: {  	s7 =	sld [smem:$0x3FB3]  }
0x2d: {  	s3 =	simm.s32 $0x108;
	s8 =	sld [smem:$0x3FB4]  }
0x2e: {  	s3 =	simm.s32 @!p0 $0x1082;
	s9 =	sld [smem:$0x3FB5]  }
0x2f: {  	lr =	sadd.s32 s0, s3;
	s0 =	sld [smem:$0x3FAC]  }
0x30: {  	s3 =	sld [smem:$0x3FAF]  }
0x31: {  	[smem:$0x3FB8] =	sst s10  }
0x32: {  	s10 =	sld [smem:$0x3FB6];
	_ =	sdelay $0x3  }
0x33: {  	p0 =	seq.s32 s10, $0x1;
	s10 =	sld [smem:$0x3FB8];
	_ =	sdelay $0x3  }
0x34: {  	[smem:$0x3FB8] =	sst s10  }
0x35: {  	s10 =	sld [smem:$0x3FB7];
	_ =	sdelay $0x3  }
0x36: {  	p1 =	seq.s32 s10, $0x1;
	s10 =	sld [smem:$0x3FB8];
	_ =	sdelay $0x3  }
0x37: {  	[smem:$0x3FB8] =	sst s10  }
0x38: {  	s10 =	sld [smem:$0x3FB9]  }
0x39: {  	_ = 	snop;
	(pc) =	sbr.ind lr, $3  }
0x3a: {  	_ = 	snop  }
0x3b: {  	_ = 	snop  }
0x3c: {  	p2 =	seq.s32 s10, $0x1;
	s10 =	sld [smem:$0x3FB8]  }
0x3d: {  	_ =	shalt  }
0x3e: {  	_ =	shalt  }
0x3f: {  	_ =	shalt  }
0x40: {  	_ =	shalt  }
0x41: {  	_ =	shalt  }
0x42: {  	_ =	shalt  }
0x43: {  	_ =	shalt  }
0x44: {  	_ =	shalt  }
0x45: {  	_ =	shalt  }
0x46: {  	_ =	shalt  }
0x47: {  	_ =	shalt  }
0x48: {  	_ =	shalt  }
0x49: {  	_ =	shalt  }
0x4a: {  	_ =	shalt  }
0x4b: {  	_ =	shalt  }
0x4c: {  	_ =	shalt  }
0x4d: {  	_ =	shalt  }
0x4e: {  	_ =	shalt  }
0x4f: {  	_ =	shalt  }
0x50: {  	_ =	shalt  }
0x51: {  	_ =	shalt  }
0x52: {  	_ =	shalt  }
0x53: {  	_ =	shalt  }
0x54: {  	_ =	shalt  }
0x55: {  	_ =	shalt  }
0x56: {  	_ =	shalt  }
0x57: {  	_ =	shalt  }
0x58: {  	_ =	shalt  }
0x59: {  	_ =	shalt  }
0x5a: {  	_ =	shalt  }
0x5b: {  	_ =	shalt  }
0x5c: {  	_ =	shalt  }
0x5d: {  	_ =	shalt  }
0x5e: {  	_ =	shalt  }
0x5f: {  	_ =	shalt  }
0x60: {  	_ =	shalt  }
0x61: {  	_ =	shalt  }
0x62: {  	_ =	shalt  }
0x63: {  	_ =	shalt  }
0x64: {  	_ =	shalt  }
0x65: {  	_ =	shalt  }
0x66: {  	_ =	shalt  }
0x67: {  	_ =	shalt  }
0x68: {  	_ =	shalt  }
0x69: {  	_ =	shalt  }
0x6a: {  	_ =	shalt  }
0x6b: {  	_ =	shalt  }
0x6c: {  	_ =	shalt  }
0x6d: {  	_ =	shalt  }
0x6e: {  	_ =	shalt  }
0x6f: {  	_ =	shalt  }
0x70: {  	_ =	shalt  }
0x71: {  	_ =	shalt  }
0x72: {  	_ =	shalt  }
0x73: {  	_ =	shalt  }
0x74: {  	_ =	shalt  }
0x75: {  	_ =	shalt  }
0x76: {  	_ =	shalt  }
0x77: {  	_ =	shalt  }
0x78: {  	_ =	shalt  }
0x79: {  	_ =	shalt  }
0x7a: {  	_ =	shalt  }
0x7b: {  	_ =	shalt  }
0x7c: {  	_ =	shalt  }
0x7d: {  	_ =	shalt  }
0x7e: {  	_ =	shalt  }
0x7f: {  	_ =	shalt  }
0x80: {  	_ =	shalt  }
0x81: {  	_ =	shalt  }
0x82: {  	_ =	shalt  }
0x83: {  	_ =	shalt  }
0x84: {  	_ =	shalt  }
0x85: {  	_ =	shalt  }
0x86: {  	_ =	shalt  }
0x87: {  	_ =	shalt  }
.Lfunc_end0:
.L_simem_size_0:
called_computation.1_lowered:
.L_overlay_start_0:
0x88: {  	s2 =	sld [smem:$0x3FD9]  }
0x89: {  	s3 =	sld [smem:$0x3FFE];
	_ =	sdelay $0x1  }
0x8a: {  	s1 =	srdreg.scid  }
0x8b: {  	s0 =	sand.u32 $0x1, s1  }
0x8c: {  	s17 =	sshll.u32 s0, $0xA;
	s2 =	sadd.s32 s3, s2  }
0x8d: {  	s2 =	sadd.s32 s2, s17  }
0x8e: {  	[smem:$0x3FC4] =	sst s2  }
0x8f: {  	_ = 	snop  }
0x90: {  	(tm) =	ssettm $0x1  }
0x91: {  	s18 =	sld [smem:$0x3FFB];
	_ =	sdelay $0x3  }
0x92: {  	_ =	strace s18  }
0x93: {  	s2 =	sld [smem:$0x3FFC];
	_ =	sdelay $0x3  }
0x94: {  	_ =	strace s2  }
0x95: {  	s2 =	sld [smem:$0x3FFD];
	_ =	sdelay $0x3  }
0x96: {  	_ =	strace s2  }
0x97: {  	_ =	strace $0x8FFFFFFF  }
0x98: {  	s19 =	sld [smem:$0x3FDB];
	_ =	sdelay $0x1  }
0x99: {  	s20 =	simm.s32 $_scs_section_size  }
0x9a: {  	s4 =	simm.s32 $_size__tile_overlayer_lowered;
	s5 =	simm.s32 $_tile_overlayer_lowered  }
0x9b: {  	s6 =	simm.s32 $0x1BFF;
	s21 =	sshll.u32 s5, $0x1;
	s3 =	sadd.s32 s20, s19  }
0x9c: {  	s22 =	simm.s32 $0x0;
	s4 =	sshll.u32 s4, $0x1;
	s5 =	sadd.s32 s21, s3  }
0x9d: {  	[timem:s22], [sflag:s6] =	dma.local [hbm:s5], s4  }
0x9e: {  	_ =	swait.ge [sflag:s6], s4  }
0x9f: {  	s4 =	ssub.s32 $0x0, s4;
	[sflag:s6] =	ssyncset.done $0x0  }
0xa0: {  	[sflag:s6] =	ssyncadd.s32 s4;
	_ =	sdelay $0x1  }
0xa1: {  	s23 =	simm.s32 $0x1B8B  }
0xa2: {  	_ =	swait.ge [sflag:s23], $0x1  }
0xa3: {  	[sflag:s23] =	ssyncset.done $0x0  }
0xa4: {  	[sflag:s23] =	ssyncadd.s32 $0xFFFFFFFF  }
0xa5: {  	s4 =	sld [smem:$0x0]  }
0xa6: {  	s5 =	sand.u32 $0xFFFFFFFE, s1  }
0xa7: {  	p0 =	sne.s32 s1, s5  }
0xa8: {  	s5 =	sshll.u32 @p0 s5, $0xE  }
0xa9: {  	s5 =	sadd.s32 @p0 $0x11B8D, s5;
	s6 =	sshll.u32 @p0 s4, $0x11  }
0xaa: {  	s5 =	sor.u32 @p0 s6, s5  }
0xab: {  	[sflag:s5] =	ssyncadd.remote.s32 @p0 $0x1;
	_ =	sdelay $0x1  }
0xac: {  	s5 =	simm.s32 @p0 $0x1B8D  }
0xad: {  	_ =	swait.eq @p0 [sflag:s5], $0x1  }
0xae: {  	[sflag:s5] =	ssyncadd.s32 @p0 $0xFFFFFFFF  }
0xaf: {  	s6 =	sshll.u32 @!p0 s1, $0xE  }
0xb0: {  	s6 =	sor.u32 @!p0 $0x4000, s6;
	s5 =	simm.s32 @!p0 $0x1B8D  }
0xb1: {  	s4 =	sshll.u32 @!p0 s4, $0x11;
	s6 =	sadd.s32 @!p0 $0x11B8D, s6;
	_ =	swait.eq @!p0 [sflag:s5], $0x1  }
0xb2: {  	s4 =	sor.u32 @!p0 s4, s6;
	[sflag:s5] =	ssyncadd.s32 @!p0 $0xFFFFFFFF  }
0xb3: {  	s25 =	simm.s32 $0x1B8E;
	s24 =	sld [smem:$0x3FFE];
	[sflag:s4] =	ssyncadd.remote.s32 @!p0 $0x1  }
0xb4: {  	s26 =	simm.s32 $execute0_lowered;
	[smem:$0x3FD2] =	sst s25  }
0xb5: {  	s5 =	sshll.u32 s26, $0x1;
	_ =	strace $0x80000049;
	[dreg:$0x1] =	wrdreg $0xFFFFFFFF  }
0xb6: {  	s28 =	simm.s32 $_size_execute0_lowered;
	s3 =	sadd.s32 s3, s5;
	[dreg:$0x0] =	wrdreg $0x0  }
0xb7: {  	s5 =	sshll.u32 s28, $0x1;
	[dreg:$0x2] =	wrdreg s3  }
0xb8: {  	[dreg:$0x3] =	wrdreg s5  }
0xb9: {  	[dreg:$0x4] =	wrdreg $0xC0  }
0xba: {  	_ =	task [dreg:s22], $0x5FFFF  }
0xbb: {  	[dreg:$0x1] =	wrdreg $0xFFFFFFFF  }
0xbc: {  	[dreg:$0x0] =	wrdreg $0x60  }
0xbd: {  	[dreg:$0x2] =	wrdreg s24  }
0xbe: {  	[dreg:$0x3] =	wrdreg $0xA  }
0xbf: {  	_ =	task.clear_ibuf [dreg:s22], $0x4FFFF;
	_ =	strace $0x90000049  }
0xc0: {  	s29 =	simm.s32 $0xA;
	_ =	strace $0x8000004B  }
0xc1: {  	_ =	swait.ge [sflag:s29], $0x1  }
0xc2: {  	[sflag:s29] =	ssyncadd.s32 $0xFFFFFFFF  }
0xc3: {  	_ =	strace $0x9000004B  }
0xc4: {  	_ =	sfence  }
0xc5: {  	s30 =	sld [smem:$0x0];
	_ =	sdelay $0x2  }
0xc6: {  	s31 =	sshll.u32 s1, $0xD;
	s1 =	sshrl.u32 s1, $0x2  }
0xc7: {  	s4 =	sand.u32 $0x4000, s31;
	s1 =	sadd.s32 s1, s30  }
0xc8: {  	s0 =	sor.u32 s4, s0;
	s1 =	sshll.u32 s1, $0x11  }
0xc9: {  	s0 =	sor.u32 s1, s0  }
0xca: {  	s0 =	sadd.s32 $0x8F2B, s0  }
0xcb: {  	[sflag:s0] =	ssyncadd.remote.s32 $0x1  }
0xcc: {  	_ =	sfence.sel $0xFFFF  }
0xcd: {  	[dreg:$0x0] =	wrdreg $0xFFFFFFFF;
	(pc) =	sbr.abs _section_cstart, $3  }
0xce: {  	[dreg:$0x1] =	wrdreg $0xFFFFFFFF  }
0xcf: {  	_ =	task.clear_ibuf [dreg:s22], $0x2FFFF;
	_ =	strace $0x9FFFFFFF  }
0xd0: {  	(tm) =	ssettm $0x7FFFFFFF  }
0xd1: {  	_ =	shalt  }
tec
execute0_lowered:
.L_overlay_start_1:
0x0: {  	(tag) =	ssettag $0x1  }
0x1: {  	s1 =	srdreg.scid  }
0x2: {  	s0 =	stileid.u32;
	s6 =	rddreg [dreg:$0x0];
	s2 =	simm.s32 $0x0  }
0x3: {  	s12 =	simm.s32 $0x1EC80;
	s13 =	simm.s32 $0x1;
	s14 =	simm.s32 $0x14000  }
0x4: {  	s15 =	simm.s32 $0x2;
	s7 =	sand.u32 $0x1, s1;
	s3 =	sshll.u32 s0, $0x1  }
0x5: {  	s16 =	simm.s32 $0x0;
	s1 =	rddreg [dreg:$0x1];
	s3 =	sor.u32 s7, s3  }
0x6: {  	v0 =	vlaneseq.u32;
	[smem:$0x7FF] =	sst s2;
	s4 =	sadd.s32 $0x44E00, s6;
	s8 =	smul.u32 $0x280, s3  }
0x7: {  	s5 =	sadd.s32 $0x63800, s6;
	v1 =	vmul.u32 $0x10, v0;
	s7 =	ssub.s32 $0x2, s7;
	s9 =	smul.u32 $0x140, s3  }
0x8: {  	v2 =	vimm.f32 $0.0e+00;
	_ =	strace $0x8000004A;
	s10 =	smul.u32 $0xC8, s3;
	s31 =	sshrl.u32 s7, $0x1  }
0x9: {  	v3 =	vimm.s32 $0x0;
	v4 =	vimm.s32 $0x1;
	v5 =	vor.u32 $0x1, v1;
	s11 =	ssub.s32 s7, s31;
	s8 =	sadd.s32 s8, s6;
	s9 =	sadd.s32 s9, s6  }
0xa: {  	v6 =	vor.u32 $0x2, v1;
	v7 =	vor.u32 $0x3, v1;
	v8 =	vor.u32 $0x4, v1;
	s6 =	sadd.s32 s4, s10;
	s7 =	sadd.s32 s5, s10;
	s10 =	smax.u32 s11, $0x1  }
0xb: {  	v9 =	vor.u32 $0x5, v1;
	v10 =	vor.u32 $0x6, v1;
	v11 =	vor.u32 $0x7, v1;
	s11 =	simm.s32 $0x1E000;
	s8 =	sadd.s32 $0x82200, s8;
	s9 =	sadd.s32 $0x87200, s9  }
.LBB2_1:
0xc: {  	s17 =	simm.s32 $0x0;
	s18 =	simm.s32 $0x200  }
.LBB2_2:
0xd: {  	p0 =	sne.s32 s18, $0x4FE00;
	[tilespmem:s17+$0x70] =	vst v2  }
0xe: {  	[tilespmem:s17+$0x0] =	vst v2  }
0xf: {  	[tilespmem:s17+$0x10] =	vst v2  }
.Ltmp0:
0x10: {  	[tilespmem:s17+$0x20] =	vst v2;
	(pc) =	sbr.rel @p0 .LBB2_2-.Ltmp0, $4  }
0x11: {  	[tilespmem:s17+$0x30] =	vst v2  }
0x12: {  	[tilespmem:s17+$0x40] =	vst v2  }
0x13: {  	[tilespmem:s17+$0x50] =	vst v2  }
0x14: {  	[tilespmem:s17+$0x60] =	vst v2;
	s17 =	sshra.s32 s18, $0x2;
	s18 =	sadd.s32 $0x200, s18  }
0x15: {  	[tilespmem:s17+$0x70] =	vst v2  }
0x16: {  	[tilespmem:s17+$0x0] =	vst v2  }
0x17: {  	[tilespmem:s17+$0x10] =	vst v2  }
0x18: {  	[tilespmem:s17+$0x20] =	vst v2  }
0x19: {  	[tilespmem:s17+$0x30] =	vst v2  }
0x1a: {  	[tilespmem:s17+$0x40] =	vst v2  }
0x1b: {  	[tilespmem:s17+$0x50] =	vst v2  }
0x1c: {  	[tilespmem:s17+$0x60] =	vst v2;
	s17 =	simm.s32 $0x0;
	s18 =	simm.s32 $0x200  }
.LBB2_4:
0x1d: {  	p0 =	sne.s32 s18, $0x27E00;
	[tilespmem:s17+$0x14070] =	vst v3  }
0x1e: {  	[tilespmem:s17+$0x14000] =	vst v3  }
0x1f: {  	[tilespmem:s17+$0x14010] =	vst v3  }
.Ltmp1:
0x20: {  	[tilespmem:s17+$0x14020] =	vst v3;
	(pc) =	sbr.rel @p0 .LBB2_4-.Ltmp1, $4  }
0x21: {  	[tilespmem:s17+$0x14030] =	vst v3  }
0x22: {  	[tilespmem:s17+$0x14040] =	vst v3  }
0x23: {  	[tilespmem:s17+$0x14050] =	vst v3  }
0x24: {  	[tilespmem:s17+$0x14060] =	vst v3;
	s17 =	sshra.s32 s18, $0x2;
	s18 =	sadd.s32 $0x200, s18  }
0x25: {  	[tilespmem:s17+$0x14070] =	vst v3  }
0x26: {  	[tilespmem:s17+$0x14000] =	vst v3  }
0x27: {  	[tilespmem:s17+$0x14010] =	vst v3  }
0x28: {  	[tilespmem:s17+$0x14020] =	vst v3  }
0x29: {  	[tilespmem:s17+$0x14030] =	vst v3  }
0x2a: {  	[tilespmem:s17+$0x14040] =	vst v3  }
.Ltmp2:
0x2b: {  	[tilespmem:s17+$0x14050] =	vst v3;
	(pc) =	sbr.rel .LBB2_6-.Ltmp2, $4  }
0x2c: {  	[tilespmem:s17+$0x14060] =	vst v3;
	s17 =	simm.s32 $0x0  }
0x2d: {  	[tilespmem:s11], [sflag:$0x1] =	stream.linear.gather [hbm4b:s6+s17], $0x640, $0x38;
	[tilespmem:$0x1F900] =	vst v63  }
0x2e: {  	_ = 	snop  }
0x2f: {  	[tilespmem:s12], [sflag:$0x1] =	stream.linear.gather [hbm4b:s7+s17], $0x640, $0x38;
	[tilespmem:$0x1F900] =	vst v63  }
.LBB2_11:
0x30: {  	s17 =	sadd.s32 $0x1, s17  }
0x31: {  	p0 =	sne.s32 s17, $0xA  }
.Ltmp3:
0x32: {  	_ = 	snop;
	(pc) =	sbr.rel @!p0 .LBB2_12-.Ltmp3, $1  }
0x33: {  	_ =	sdelay $0x3  }
.LBB2_6:
0x34: {  	s18 =	sshll.u32 s17, $0x6  }
0x35: {  	_ =	swait.ge [sflag:s13], $0x640;
	s18 =	sor.u32 s3, s18  }
0x36: {  	[sflag:s13] =	ssyncset.done $0x0;
	s19 =	sor.u32 $0x20, s18  }
0x37: {  	[sflag:s13] =	ssyncadd.s32 $0xFFFFF9C0;
	p0 =	sgt.u32 s19, $0x270  }
0x38: {  	_ =	swait.ge [sflag:s13], $0x640;
	s19 =	smul.u32 @!p0 $0xC8, s19  }
0x39: {  	[sflag:s13] =	ssyncset.done $0x0;
	s21 =	simm.s32 @!p0 $0x0  }
0x3a: {  	s22 =	simm.s32 @!p0 $0x1E640;
	[sflag:s13] =	ssyncadd.s32 $0xFFFFF9C0;
	s20 =	sadd.s32 @!p0 s4, s19  }
0x3b: {  	[tilespmem:s22], [sflag:$0x1] =	stream.linear.gather @!p0 [hbm4b:s20+s21], $0x640, $0x38;
	[tilespmem:$0x1F900] =	vst v63  }
0x3c: {  	s19 =	sadd.s32 @!p0 s5, s19;
	s20 =	simm.s32 @!p0 $0x1F2C0  }
0x3d: {  	[tilespmem:s20], [sflag:$0x1] =	stream.linear.gather @!p0 [hbm4b:s19+s21], $0x640, $0x38;
	[tilespmem:$0x1F900] =	vst v63  }
0x3e: {  	s19 =	simm.s32 $0x0  }
.LBB2_7:
0x3f: {  	s20 =	sshra.s32 s19, $0x2  }
0x40: {  	v12 =	vld [tilespmem:s20+$0x1EC80];
	_ =	sdelay $0x4  }
0x41: {  	vm0 =	vgt.s32 v12, $0x9FF  }
0x42: {  	v13 =	vsel vm0, $0xFFFF600, v3  }
0x43: {  	v14 =	vshll.u32 v12, $0x4;
	v12 =	vadd.s32 v12, v13  }
0x44: {  	v26 =	vld [tilespmem:s20+$0x1E000];
	v14 =	vor.u32 v0, v14;
	v12 =	vshll.u32 v12, $0x4  }
0x45: {  	v12 =	vor.u32 v0, v12;
	_ =	sdelay $0x3  }
0x46: {  	v27 =	vsel vm0, $0x10000, v4;
	[tilespmem:v14+s2+$0x0] =	vst.idx.add.f32.msk $0xffff, v26  }
0x47: {  	[tilespmem:v12+s14+$0x0] =	vst.idx.add.s32.msk $0xffff, v27  }
0x48: {  	v12 =	vld [tilespmem:s20+$0x1EC90];
	_ =	sdelay $0x4  }
0x49: {  	vm7 =	vgt.s32 v12, $0x9FF  }
0x4a: {  	v28 =	vsel vm7, $0xFFFF600, v3  }
0x4b: {  	v29 =	vshll.u32 v12, $0x4;
	v12 =	vadd.s32 v12, v28  }
0x4c: {  	v30 =	vld [tilespmem:s20+$0x1E010];
	v14 =	vor.u32 v0, v29;
	v12 =	vshll.u32 v12, $0x4  }
0x4d: {  	v12 =	vor.u32 v0, v12;
	_ =	sdelay $0x3  }
0x4e: {  	v31 =	vsel vm7, $0x10000, v4;
	[tilespmem:v14+s2+$0x0] =	vst.idx.add.f32.msk $0xffff, v30  }
0x4f: {  	[tilespmem:v12+s14+$0x0] =	vst.idx.add.s32.msk $0xffff, v31  }
0x50: {  	v12 =	vld [tilespmem:s20+$0x1ECA0];
	_ =	sdelay $0x4  }
0x51: {  	vm8 =	vgt.s32 v12, $0x9FF  }
0x52: {  	v32 =	vsel vm8, $0xFFFF600, v3  }
0x53: {  	v33 =	vshll.u32 v12, $0x4;
	v12 =	vadd.s32 v12, v32  }
0x54: {  	v34 =	vld [tilespmem:s20+$0x1E020];
	v14 =	vor.u32 v0, v33;
	v12 =	vshll.u32 v12, $0x4  }
0x55: {  	v12 =	vor.u32 v0, v12;
	_ =	sdelay $0x3  }
0x56: {  	v35 =	vsel vm8, $0x10000, v4;
	[tilespmem:v14+s2+$0x0] =	vst.idx.add.f32.msk $0xffff, v34  }
0x57: {  	[tilespmem:v12+s14+$0x0] =	vst.idx.add.s32.msk $0xffff, v35  }
0x58: {  	v12 =	vld [tilespmem:s20+$0x1ECB0];
	_ =	sdelay $0x4  }
0x59: {  	vm9 =	vgt.s32 v12, $0x9FF  }
0x5a: {  	v36 =	vsel vm9, $0xFFFF600, v3  }
0x5b: {  	v37 =	vshll.u32 v12, $0x4;
	v12 =	vadd.s32 v12, v36  }
0x5c: {  	v38 =	vld [tilespmem:s20+$0x1E030];
	v14 =	vor.u32 v0, v37;
	v12 =	vshll.u32 v12, $0x4  }
0x5d: {  	v12 =	vor.u32 v0, v12;
	_ =	sdelay $0x3  }
0x5e: {  	v39 =	vsel vm9, $0x10000, v4;
	[tilespmem:v14+s2+$0x0] =	vst.idx.add.f32.msk $0xffff, v38  }
0x5f: {  	[tilespmem:v12+s14+$0x0] =	vst.idx.add.s32.msk $0xffff, v39  }
0x60: {  	v12 =	vld [tilespmem:s20+$0x1ECC0];
	_ =	sdelay $0x4  }
0x61: {  	vm10 =	vgt.s32 v12, $0x9FF  }
0x62: {  	v40 =	vsel vm10, $0xFFFF600, v3  }
0x63: {  	v41 =	vshll.u32 v12, $0x4;
	v12 =	vadd.s32 v12, v40  }
0x64: {  	v42 =	vld [tilespmem:s20+$0x1E040];
	v14 =	vor.u32 v0, v41;
	v12 =	vshll.u32 v12, $0x4  }
0x65: {  	v12 =	vor.u32 v0, v12;
	_ =	sdelay $0x3  }
0x66: {  	v43 =	vsel vm10, $0x10000, v4;
	[tilespmem:v14+s2+$0x0] =	vst.idx.add.f32.msk $0xffff, v42  }
0x67: {  	[tilespmem:v12+s14+$0x0] =	vst.idx.add.s32.msk $0xffff, v43  }
0x68: {  	v12 =	vld [tilespmem:s20+$0x1ECD0];
	_ =	sdelay $0x4  }
0x69: {  	vm11 =	vgt.s32 v12, $0x9FF  }
0x6a: {  	v44 =	vsel vm11, $0xFFFF600, v3  }
0x6b: {  	v45 =	vshll.u32 v12, $0x4;
	v12 =	vadd.s32 v12, v44  }
0x6c: {  	v46 =	vld [tilespmem:s20+$0x1E050];
	v14 =	vor.u32 v0, v45;
	v12 =	vshll.u32 v12, $0x4  }
0x6d: {  	v12 =	vor.u32 v0, v12;
	_ =	sdelay $0x3  }
0x6e: {  	v47 =	vsel vm11, $0x10000, v4;
	[tilespmem:v14+s2+$0x0] =	vst.idx.add.f32.msk $0xffff, v46  }
0x6f: {  	[tilespmem:v12+s14+$0x0] =	vst.idx.add.s32.msk $0xffff, v47  }
0x70: {  	v12 =	vld [tilespmem:s20+$0x1ECE0];
	_ =	sdelay $0x4  }
0x71: {  	vm12 =	vgt.s32 v12, $0x9FF  }
0x72: {  	v48 =	vsel vm12, $0xFFFF600, v3  }
0x73: {  	v49 =	vshll.u32 v12, $0x4;
	v12 =	vadd.s32 v12, v48  }
0x74: {  	v50 =	vld [tilespmem:s20+$0x1E060];
	v14 =	vor.u32 v0, v49;
	v12 =	vshll.u32 v12, $0x4  }
0x75: {  	v12 =	vor.u32 v0, v12;
	_ =	sdelay $0x3  }
0x76: {  	v51 =	vsel vm12, $0x10000, v4;
	[tilespmem:v14+s2+$0x0] =	vst.idx.add.f32.msk $0xffff, v50  }
0x77: {  	[tilespmem:v12+s14+$0x0] =	vst.idx.add.s32.msk $0xffff, v51  }
0x78: {  	v12 =	vld [tilespmem:s20+$0x1ECF0];
	_ =	sdelay $0x4  }
0x79: {  	vm13 =	vgt.s32 v12, $0x9FF  }
0x7a: {  	v52 =	vsel vm13, $0xFFFF600, v3  }
0x7b: {  	v53 =	vshll.u32 v12, $0x4;
	v12 =	vadd.s32 v12, v52  }
0x7c: {  	v54 =	vld [tilespmem:s20+$0x1E070];
	v14 =	vor.u32 v0, v53;
	v12 =	vshll.u32 v12, $0x4  }
0x7d: {  	v12 =	vor.u32 v0, v12;
	_ =	sdelay $0x3  }
0x7e: {  	v55 =	vsel vm13, $0x10000, v4;
	[tilespmem:v14+s2+$0x0] =	vst.idx.add.f32.msk $0xffff, v54  }
0x7f: {  	[tilespmem:v12+s14+$0x0] =	vst.idx.add.s32.msk $0xffff, v55  }
0x80: {  	v12 =	vld [tilespmem:s20+$0x1ED00];
	_ =	sdelay $0x4  }
0x81: {  	vm14 =	vgt.s32 v12, $0x9FF  }
0x82: {  	v56 =	vsel vm14, $0xFFFF600, v3  }
0x83: {  	v57 =	vshll.u32 v12, $0x4;
	v12 =	vadd.s32 v12, v56  }
0x84: {  	v58 =	vld [tilespmem:s20+$0x1E080];
	v14 =	vor.u32 v0, v57;
	v12 =	vshll.u32 v12, $0x4  }
0x85: {  	v12 =	vor.u32 v0, v12;
	_ =	sdelay $0x3  }
0x86: {  	v59 =	vsel vm14, $0x10000, v4;
	[tilespmem:v14+s2+$0x0] =	vst.idx.add.f32.msk $0xffff, v58  }
0x87: {  	[tilespmem:v12+s14+$0x0] =	vst.idx.add.s32.msk $0xffff, v59  }
0x88: {  	v12 =	vld [tilespmem:s20+$0x1ED10];
	_ =	sdelay $0x4  }
0x89: {  	vm15 =	vgt.s32 v12, $0x9FF  }
0x8a: {  	v60 =	vsel vm15, $0xFFFF600, v3  }
0x8b: {  	v61 =	vshll.u32 v12, $0x4;
	v12 =	vadd.s32 v12, v60  }
0x8c: {  	v62 =	vld [tilespmem:s20+$0x1E090];
	v14 =	vor.u32 v0, v61;
	v12 =	vshll.u32 v12, $0x4  }
0x8d: {  	p1 =	sne.s32 s19, $0x1680;
	v12 =	vor.u32 v0, v12  }
.Ltmp4:
0x8e: {  	_ = 	snop;
	(pc) =	sbr.rel @p1 .LBB2_7-.Ltmp4, $3  }
0x8f: {  	_ =	sdelay $0x1  }
0x90: {  	v63 =	vsel vm15, $0x10000, v4;
	[tilespmem:v14+s2+$0x0] =	vst.idx.add.f32.msk $0xffff, v62  }
0x91: {  	s19 =	sadd.s32 $0x280, s19;
	[tilespmem:v12+s14+$0x0] =	vst.idx.add.s32.msk $0xffff, v63  }
.Ltmp5:
0x92: {  	(pc) =	sbr.rel @p0 .LBB2_11-.Ltmp5, $1  }
0x93: {  	_ =	sdelay $0x3  }
0x94: {  	_ =	swait.ge [sflag:s13], $0x640;
	p0 =	sgt.u32 s18, $0x230  }
0x95: {  	[sflag:s13] =	ssyncset.done $0x0;
	s18 =	smul.u32 @!p0 $0x640, s18  }
0x96: {  	[sflag:s13] =	ssyncadd.s32 $0xFFFFF9C0  }
0x97: {  	_ =	swait.ge [sflag:s13], $0x640;
	s18 =	sshrl.u32 @!p0 s18, $0x3  }
0x98: {  	s20 =	simm.s32 @!p0 $0x0;
	[sflag:s13] =	ssyncset.done $0x0;
	s18 =	sadd.s32 @!p0 $0x3200, s18  }
0x99: {  	s21 =	simm.s32 @!p0 $0x1E000;
	[sflag:s13] =	ssyncadd.s32 $0xFFFFF9C0;
	s19 =	sadd.s32 @!p0 s4, s18  }
0x9a: {  	[tilespmem:s21], [sflag:$0x1] =	stream.linear.gather @!p0 [hbm4b:s19+s20], $0x640, $0x38;
	[tilespmem:$0x1F900] =	vst v63  }
0x9b: {  	s18 =	sadd.s32 @!p0 s5, s18;
	s19 =	simm.s32 @!p0 $0x1EC80  }
0x9c: {  	[tilespmem:s19], [sflag:$0x1] =	stream.linear.gather @!p0 [hbm4b:s18+s20], $0x640, $0x38;
	[tilespmem:$0x1F900] =	vst v63  }
0x9d: {  	s18 =	simm.s32 $0x0  }
.LBB2_10:
0x9e: {  	s19 =	sshra.s32 s18, $0x2  }
0x9f: {  	v12 =	vld [tilespmem:s19+$0x1F2C0];
	_ =	sdelay $0x4  }
0xa0: {  	vm0 =	vgt.s32 v12, $0x9FF  }
0xa1: {  	v13 =	vsel vm0, $0xFFFF600, v3  }
0xa2: {  	v14 =	vshll.u32 v12, $0x4;
	v12 =	vadd.s32 v12, v13  }
0xa3: {  	v26 =	vld [tilespmem:s19+$0x1E640];
	v14 =	vor.u32 v0, v14;
	v12 =	vshll.u32 v12, $0x4  }
0xa4: {  	v12 =	vor.u32 v0, v12;
	_ =	sdelay $0x3  }
0xa5: {  	v27 =	vsel vm0, $0x10000, v4;
	[tilespmem:v14+s2+$0x0] =	vst.idx.add.f32.msk $0xffff, v26  }
0xa6: {  	[tilespmem:v12+s14+$0x0] =	vst.idx.add.s32.msk $0xffff, v27  }
0xa7: {  	v12 =	vld [tilespmem:s19+$0x1F2D0];
	_ =	sdelay $0x4  }
0xa8: {  	vm7 =	vgt.s32 v12, $0x9FF  }
0xa9: {  	v28 =	vsel vm7, $0xFFFF600, v3  }
0xaa: {  	v29 =	vshll.u32 v12, $0x4;
	v12 =	vadd.s32 v12, v28  }
0xab: {  	v30 =	vld [tilespmem:s19+$0x1E650];
	v14 =	vor.u32 v0, v29;
	v12 =	vshll.u32 v12, $0x4  }
0xac: {  	v12 =	vor.u32 v0, v12;
	_ =	sdelay $0x3  }
0xad: {  	v31 =	vsel vm7, $0x10000, v4;
	[tilespmem:v14+s2+$0x0] =	vst.idx.add.f32.msk $0xffff, v30  }
0xae: {  	[tilespmem:v12+s14+$0x0] =	vst.idx.add.s32.msk $0xffff, v31  }
0xaf: {  	v12 =	vld [tilespmem:s19+$0x1F2E0];
	_ =	sdelay $0x4  }
0xb0: {  	vm8 =	vgt.s32 v12, $0x9FF  }
0xb1: {  	v32 =	vsel vm8, $0xFFFF600, v3  }
0xb2: {  	v33 =	vshll.u32 v12, $0x4;
	v12 =	vadd.s32 v12, v32  }
0xb3: {  	v34 =	vld [tilespmem:s19+$0x1E660];
	v14 =	vor.u32 v0, v33;
	v12 =	vshll.u32 v12, $0x4  }
0xb4: {  	v12 =	vor.u32 v0, v12;
	_ =	sdelay $0x3  }
0xb5: {  	v35 =	vsel vm8, $0x10000, v4;
	[tilespmem:v14+s2+$0x0] =	vst.idx.add.f32.msk $0xffff, v34  }
0xb6: {  	[tilespmem:v12+s14+$0x0] =	vst.idx.add.s32.msk $0xffff, v35  }
0xb7: {  	v12 =	vld [tilespmem:s19+$0x1F2F0];
	_ =	sdelay $0x4  }
0xb8: {  	vm9 =	vgt.s32 v12, $0x9FF  }
0xb9: {  	v36 =	vsel vm9, $0xFFFF600, v3  }
0xba: {  	v37 =	vshll.u32 v12, $0x4;
	v12 =	vadd.s32 v12, v36  }
0xbb: {  	v38 =	vld [tilespmem:s19+$0x1E670];
	v14 =	vor.u32 v0, v37;
	v12 =	vshll.u32 v12, $0x4  }
0xbc: {  	v12 =	vor.u32 v0, v12;
	_ =	sdelay $0x3  }
0xbd: {  	v39 =	vsel vm9, $0x10000, v4;
	[tilespmem:v14+s2+$0x0] =	vst.idx.add.f32.msk $0xffff, v38  }
0xbe: {  	[tilespmem:v12+s14+$0x0] =	vst.idx.add.s32.msk $0xffff, v39  }
0xbf: {  	v12 =	vld [tilespmem:s19+$0x1F300];
	_ =	sdelay $0x4  }
0xc0: {  	vm10 =	vgt.s32 v12, $0x9FF  }
0xc1: {  	v40 =	vsel vm10, $0xFFFF600, v3  }
0xc2: {  	v41 =	vshll.u32 v12, $0x4;
	v12 =	vadd.s32 v12, v40  }
0xc3: {  	v42 =	vld [tilespmem:s19+$0x1E680];
	v14 =	vor.u32 v0, v41;
	v12 =	vshll.u32 v12, $0x4  }
0xc4: {  	v12 =	vor.u32 v0, v12;
	_ =	sdelay $0x3  }
0xc5: {  	v43 =	vsel vm10, $0x10000, v4;
	[tilespmem:v14+s2+$0x0] =	vst.idx.add.f32.msk $0xffff, v42  }
0xc6: {  	[tilespmem:v12+s14+$0x0] =	vst.idx.add.s32.msk $0xffff, v43  }
0xc7: {  	v12 =	vld [tilespmem:s19+$0x1F310];
	_ =	sdelay $0x4  }
0xc8: {  	vm11 =	vgt.s32 v12, $0x9FF  }
0xc9: {  	v44 =	vsel vm11, $0xFFFF600, v3  }
0xca: {  	v45 =	vshll.u32 v12, $0x4;
	v12 =	vadd.s32 v12, v44  }
0xcb: {  	v46 =	vld [tilespmem:s19+$0x1E690];
	v14 =	vor.u32 v0, v45;
	v12 =	vshll.u32 v12, $0x4  }
0xcc: {  	v12 =	vor.u32 v0, v12;
	_ =	sdelay $0x3  }
0xcd: {  	v47 =	vsel vm11, $0x10000, v4;
	[tilespmem:v14+s2+$0x0] =	vst.idx.add.f32.msk $0xffff, v46  }
0xce: {  	[tilespmem:v12+s14+$0x0] =	vst.idx.add.s32.msk $0xffff, v47  }
0xcf: {  	v12 =	vld [tilespmem:s19+$0x1F320];
	_ =	sdelay $0x4  }
0xd0: {  	vm12 =	vgt.s32 v12, $0x9FF  }
0xd1: {  	v48 =	vsel vm12, $0xFFFF600, v3  }
0xd2: {  	v49 =	vshll.u32 v12, $0x4;
	v12 =	vadd.s32 v12, v48  }
0xd3: {  	v50 =	vld [tilespmem:s19+$0x1E6A0];
	v14 =	vor.u32 v0, v49;
	v12 =	vshll.u32 v12, $0x4  }
0xd4: {  	v12 =	vor.u32 v0, v12;
	_ =	sdelay $0x3  }
0xd5: {  	v51 =	vsel vm12, $0x10000, v4;
	[tilespmem:v14+s2+$0x0] =	vst.idx.add.f32.msk $0xffff, v50  }
0xd6: {  	[tilespmem:v12+s14+$0x0] =	vst.idx.add.s32.msk $0xffff, v51  }
0xd7: {  	v12 =	vld [tilespmem:s19+$0x1F330];
	_ =	sdelay $0x4  }
0xd8: {  	vm13 =	vgt.s32 v12, $0x9FF  }
0xd9: {  	v52 =	vsel vm13, $0xFFFF600, v3  }
0xda: {  	v53 =	vshll.u32 v12, $0x4;
	v12 =	vadd.s32 v12, v52  }
0xdb: {  	v54 =	vld [tilespmem:s19+$0x1E6B0];
	v14 =	vor.u32 v0, v53;
	v12 =	vshll.u32 v12, $0x4  }
0xdc: {  	v12 =	vor.u32 v0, v12;
	_ =	sdelay $0x3  }
0xdd: {  	v55 =	vsel vm13, $0x10000, v4;
	[tilespmem:v14+s2+$0x0] =	vst.idx.add.f32.msk $0xffff, v54  }
0xde: {  	[tilespmem:v12+s14+$0x0] =	vst.idx.add.s32.msk $0xffff, v55  }
0xdf: {  	v12 =	vld [tilespmem:s19+$0x1F340];
	_ =	sdelay $0x4  }
0xe0: {  	vm14 =	vgt.s32 v12, $0x9FF  }
0xe1: {  	v56 =	vsel vm14, $0xFFFF600, v3  }
0xe2: {  	v57 =	vshll.u32 v12, $0x4;
	v12 =	vadd.s32 v12, v56  }
0xe3: {  	v58 =	vld [tilespmem:s19+$0x1E6C0];
	v14 =	vor.u32 v0, v57;
	v12 =	vshll.u32 v12, $0x4  }
0xe4: {  	v12 =	vor.u32 v0, v12;
	_ =	sdelay $0x3  }
0xe5: {  	v59 =	vsel vm14, $0x10000, v4;
	[tilespmem:v14+s2+$0x0] =	vst.idx.add.f32.msk $0xffff, v58  }
0xe6: {  	[tilespmem:v12+s14+$0x0] =	vst.idx.add.s32.msk $0xffff, v59  }
0xe7: {  	v12 =	vld [tilespmem:s19+$0x1F350];
	_ =	sdelay $0x4  }
0xe8: {  	vm15 =	vgt.s32 v12, $0x9FF  }
0xe9: {  	v60 =	vsel vm15, $0xFFFF600, v3  }
0xea: {  	v61 =	vshll.u32 v12, $0x4;
	v12 =	vadd.s32 v12, v60  }
0xeb: {  	v62 =	vld [tilespmem:s19+$0x1E6D0];
	v14 =	vor.u32 v0, v61;
	v12 =	vshll.u32 v12, $0x4  }
0xec: {  	p0 =	sne.s32 s18, $0x1680;
	v12 =	vor.u32 v0, v12  }
.Ltmp6:
0xed: {  	_ = 	snop;
	(pc) =	sbr.rel @p0 .LBB2_10-.Ltmp6, $3  }
0xee: {  	_ =	sdelay $0x1  }
0xef: {  	v63 =	vsel vm15, $0x10000, v4;
	[tilespmem:v14+s2+$0x0] =	vst.idx.add.f32.msk $0xffff, v62  }
0xf0: {  	s18 =	sadd.s32 $0x280, s18;
	[tilespmem:v12+s14+$0x0] =	vst.idx.add.s32.msk $0xffff, v63  }
.Ltmp7:
0xf1: {  	_ = 	snop;
	(pc) =	sbr.rel .LBB2_11-.Ltmp7, $1  }
0xf2: {  	_ =	sdelay $0x3  }
.LBB2_12:
0xf3: {  	s17 =	simm.s32 $0x0  }
0xf4: {  	v12 =	vor.u32 s17, v5  }
0xf5: {  	v13 =	vor.u32 s17, v1;
	_ =	sdelay $0x1  }
0xf6: {  	v14 =	vor.u32 s17, v6;
	_ =	sdelay $0x1  }
0xf7: {  	v15 =	vor.u32 s17, v7;
	v19 =	vld.idx.msk [tilespmem:v12+s2+$0x0], $0xffff  }
0xf8: {  	v20 =	vld.idx.msk [tilespmem:v13+s2+$0x0], $0xffff  }
0xf9: {  	v16 =	vor.u32 s17, v8  }
0xfa: {  	v21 =	vld.idx.msk [tilespmem:v14+s2+$0x0], $0xffff  }
0xfb: {  	v17 =	vor.u32 s17, v9  }
0xfc: {  	v22 =	vld.idx.msk [tilespmem:v15+s2+$0x0], $0xffff  }
0xfd: {  	v18 =	vor.u32 s17, v10;
	v20 =	vadd.f32 v19, v20  }
0xfe: {  	v23 =	vld.idx.msk [tilespmem:v16+s2+$0x0], $0xffff  }
0xff: {  	v19 =	vor.u32 s17, v11;
	v21 =	vadd.f32 v21, v20  }
0x100: {  	s28 =	simm.s32 $0x8;
	v24 =	vld.idx.msk [tilespmem:v17+s2+$0x0], $0xffff  }
0x101: {  	v20 =	vor.u32 s28, v1;
	v22 =	vadd.f32 v22, v21  }
0x102: {  	s29 =	simm.s32 $0x9;
	v25 =	vld.idx.msk [tilespmem:v18+s2+$0x0], $0xffff  }
0x103: {  	v21 =	vor.u32 s29, v5;
	v23 =	vadd.f32 v23, v22  }
0x104: {  	s30 =	simm.s32 $0xA;
	v26 =	vld.idx.msk [tilespmem:v19+s2+$0x0], $0xffff  }
0x105: {  	v22 =	vor.u32 s30, v6;
	v24 =	vadd.f32 v24, v23  }
0x106: {  	s31 =	simm.s32 $0xB;
	v27 =	vld.idx.msk [tilespmem:v20+s2+$0x0], $0xffff  }
0x107: {  	v23 =	vor.u32 s31, v7;
	v25 =	vadd.f32 v25, v24  }
0x108: {  	s18 =	simm.s32 $0xC;
	v28 =	vld.idx.msk [tilespmem:v21+s2+$0x0], $0xffff  }
0x109: {  	v24 =	vor.u32 s18, v8;
	v26 =	vadd.f32 v26, v25  }
0x10a: {  	s19 =	simm.s32 $0xD;
	v29 =	vld.idx.msk [tilespmem:v22+s2+$0x0], $0xffff  }
0x10b: {  	v25 =	vor.u32 s19, v9;
	v27 =	vadd.f32 v27, v26  }
0x10c: {  	s20 =	simm.s32 $0xE;
	v30 =	vld.idx.msk [tilespmem:v23+s2+$0x0], $0xffff  }
0x10d: {  	v26 =	vor.u32 s20, v10;
	v28 =	vadd.f32 v28, v27  }
0x10e: {  	s21 =	simm.s32 $0xF;
	v31 =	vld.idx.msk [tilespmem:v24+s2+$0x0], $0xffff  }
0x10f: {  	v27 =	vor.u32 s21, v11;
	v28 =	vadd.f32 v29, v28  }
0x110: {  	v29 =	vld.idx.msk [tilespmem:v25+s2+$0x0], $0xffff  }
0x111: {  	v28 =	vadd.f32 v30, v28  }
0x112: {  	v30 =	vld.idx.msk [tilespmem:v26+s2+$0x0], $0xffff  }
0x113: {  	v28 =	vadd.f32 v31, v28  }
0x114: {  	v31 =	vld.idx.msk [tilespmem:v27+s2+$0x0], $0xffff  }
0x115: {  	v29 =	vadd.f32 v29, v28  }
0x116: {  	s22 =	simm.s32 $0x100  }
0x117: {  	v28 =	vor.u32 s22, v5;
	v30 =	vadd.f32 v30, v29  }
0x118: {  	v29 =	vor.u32 s22, v1  }
0x119: {  	v31 =	vadd.f32 v31, v30  }
0x11a: {  	s18 =	simm.s32 $0x0;
	v30 =	vor.u32 s22, v6  }
0x11b: {  	[tilespmem:s18+$0x0] =	vst v31  }
0x11c: {  	v31 =	vor.u32 s22, v7;
	v35 =	vld.idx.msk [tilespmem:v28+s2+$0x0], $0xffff  }
0x11d: {  	v36 =	vld.idx.msk [tilespmem:v29+s2+$0x0], $0xffff  }
0x11e: {  	v32 =	vor.u32 s22, v8  }
0x11f: {  	v37 =	vld.idx.msk [tilespmem:v30+s2+$0x0], $0xffff  }
0x120: {  	v33 =	vor.u32 s22, v9  }
0x121: {  	v38 =	vld.idx.msk [tilespmem:v31+s2+$0x0], $0xffff  }
0x122: {  	v34 =	vor.u32 s22, v10;
	v36 =	vadd.f32 v35, v36  }
0x123: {  	v39 =	vld.idx.msk [tilespmem:v32+s2+$0x0], $0xffff  }
0x124: {  	v35 =	vor.u32 s22, v11;
	v37 =	vadd.f32 v37, v36  }
0x125: {  	s23 =	simm.s32 $0x108;
	v40 =	vld.idx.msk [tilespmem:v33+s2+$0x0], $0xffff  }
0x126: {  	v36 =	vor.u32 s23, v1;
	v38 =	vadd.f32 v38, v37  }
0x127: {  	s24 =	simm.s32 $0x109;
	v41 =	vld.idx.msk [tilespmem:v34+s2+$0x0], $0xffff  }
0x128: {  	v37 =	vor.u32 s24, v5;
	v39 =	vadd.f32 v39, v38  }
0x129: {  	s25 =	simm.s32 $0x10A;
	v42 =	vld.idx.msk [tilespmem:v35+s2+$0x0], $0xffff  }
0x12a: {  	v38 =	vor.u32 s25, v6;
	v40 =	vadd.f32 v40, v39  }
0x12b: {  	s26 =	simm.s32 $0x10B;
	v43 =	vld.idx.msk [tilespmem:v36+s2+$0x0], $0xffff  }
0x12c: {  	v39 =	vor.u32 s26, v7;
	v41 =	vadd.f32 v41, v40  }
0x12d: {  	v44 =	vld.idx.msk [tilespmem:v37+s2+$0x0], $0xffff  }
0x12e: {  	v42 =	vadd.f32 v42, v41  }
0x12f: {  	s28 =	simm.s32 $0x10C;
	v45 =	vld.idx.msk [tilespmem:v38+s2+$0x0], $0xffff  }
0x130: {  	v40 =	vor.u32 s28, v8;
	v43 =	vadd.f32 v43, v42  }
0x131: {  	s29 =	simm.s32 $0x10D;
	v46 =	vld.idx.msk [tilespmem:v39+s2+$0x0], $0xffff  }
0x132: {  	v41 =	vor.u32 s29, v9;
	v43 =	vadd.f32 v44, v43  }
0x133: {  	s30 =	simm.s32 $0x10E  }
0x134: {  	v42 =	vor.u32 s30, v10;
	v43 =	vadd.f32 v45, v43  }
0x135: {  	s31 =	simm.s32 $0x10F;
	v62 =	vld.idx.msk [tilespmem:v40+s2+$0x0], $0xffff  }
0x136: {  	v46 =	vadd.f32 v46, v43;
	v43 =	vor.u32 s31, v11  }
0x137: {  	v63 =	vld.idx.msk [tilespmem:v41+s2+$0x0], $0xffff;
	_ =	sdelay $0x1  }
0x138: {  	v47 =	vld.idx.msk [tilespmem:v42+s2+$0x0], $0xffff  }
0x139: {  	v44 =	vadd.f32 v62, v46  }
0x13a: {  	v45 =	vld.idx.msk [tilespmem:v43+s2+$0x0], $0xffff  }
0x13b: {  	v46 =	vadd.f32 v63, v44  }
0x13c: {  	s21 =	simm.s32 $0x200  }
0x13d: {  	s17 =	simm.s32 $0x20F;
	s19 =	simm.s32 $0x20F;
	s20 =	simm.s32 $0x30F;
	v44 =	vor.u32 s21, v5;
	v46 =	vadd.f32 v47, v46  }
.LBB2_13:
0x13e: {  	p0 =	sne.s32 s20, $0x13F0F;
	v47 =	vor.u32 s21, v1  }
0x13f: {  	v45 =	vadd.f32 v45, v46  }
0x140: {  	s18 =	sadd.s32 $0x10, s18;
	v46 =	vor.u32 s21, v6  }
0x141: {  	[tilespmem:s18+$0x0] =	vst v45  }
0x142: {  	v45 =	vor.u32 s21, v7;
	v44 =	vld.idx.msk [tilespmem:v44+s2+$0x0], $0xffff  }
0x143: {  	v47 =	vld.idx.msk [tilespmem:v47+s2+$0x0], $0xffff  }
0x144: {  	v48 =	vor.u32 s21, v8  }
0x145: {  	v46 =	vld.idx.msk [tilespmem:v46+s2+$0x0], $0xffff  }
0x146: {  	v49 =	vor.u32 s21, v9  }
0x147: {  	v45 =	vld.idx.msk [tilespmem:v45+s2+$0x0], $0xffff  }
0x148: {  	v50 =	vor.u32 s21, v10  }
0x149: {  	v44 =	vadd.f32 v44, v47;
	v47 =	vld.idx.msk [tilespmem:v48+s2+$0x0], $0xffff  }
0x14a: {  	v48 =	vor.u32 s21, v11  }
0x14b: {  	s21 =	sadd.s32 $0xFFFFFFF9, s19;
	v44 =	vadd.f32 v46, v44;
	v46 =	vld.idx.msk [tilespmem:v49+s2+$0x0], $0xffff  }
0x14c: {  	v49 =	vor.u32 s21, v1  }
0x14d: {  	s21 =	sadd.s32 $0xFFFFFFFA, s19;
	v44 =	vadd.f32 v45, v44;
	v45 =	vld.idx.msk [tilespmem:v50+s2+$0x0], $0xffff  }
0x14e: {  	v50 =	vor.u32 s21, v5  }
0x14f: {  	s21 =	sadd.s32 $0xFFFFFFFB, s19;
	v44 =	vadd.f32 v47, v44;
	v47 =	vld.idx.msk [tilespmem:v48+s2+$0x0], $0xffff  }
0x150: {  	v48 =	vor.u32 s21, v6  }
0x151: {  	s21 =	sadd.s32 $0xFFFFFFFC, s19;
	v44 =	vadd.f32 v46, v44;
	v46 =	vld.idx.msk [tilespmem:v49+s2+$0x0], $0xffff  }
0x152: {  	v49 =	vor.u32 s21, v7  }
0x153: {  	s21 =	sadd.s32 $0xFFFFFFFD, s19;
	v44 =	vadd.f32 v45, v44;
	v45 =	vld.idx.msk [tilespmem:v50+s2+$0x0], $0xffff  }
0x154: {  	v50 =	vor.u32 s21, v8  }
0x155: {  	s21 =	sadd.s32 $0xFFFFFFFE, s19;
	v44 =	vadd.f32 v47, v44;
	v47 =	vld.idx.msk [tilespmem:v48+s2+$0x0], $0xffff  }
0x156: {  	v48 =	vor.u32 s21, v9  }
0x157: {  	s21 =	sadd.s32 $0xFFFFFFFF, s19;
	v44 =	vadd.f32 v46, v44;
	v46 =	vld.idx.msk [tilespmem:v49+s2+$0x0], $0xffff  }
0x158: {  	v49 =	vor.u32 s21, v10  }
0x159: {  	v44 =	vadd.f32 v45, v44;
	v45 =	vld.idx.msk [tilespmem:v50+s2+$0x0], $0xffff  }
0x15a: {  	v50 =	vor.u32 s19, v11;
	s19 =	smov.u32 s20  }
0x15b: {  	v44 =	vadd.f32 v47, v44;
	v47 =	vld.idx.msk [tilespmem:v48+s2+$0x0], $0xffff;
	_ =	sdelay $0x1  }
0x15c: {  	v44 =	vadd.f32 v46, v44;
	v46 =	vld.idx.msk [tilespmem:v49+s2+$0x0], $0xffff;
	_ =	sdelay $0x1  }
.Ltmp8:
0x15d: {  	v44 =	vadd.f32 v45, v44;
	v45 =	vld.idx.msk [tilespmem:v50+s2+$0x0], $0xffff;
	(pc) =	sbr.rel @p0 .LBB2_13-.Ltmp8, $4  }
0x15e: {  	_ = 	snop  }
0x15f: {  	v47 =	vadd.f32 v47, v44  }
0x160: {  	s21 =	sadd.s32 $0xFFFFFFF1, s20  }
0x161: {  	s20 =	sadd.s32 $0x100, s20;
	v44 =	vor.u32 s21, v5;
	v46 =	vadd.f32 v46, v47  }
0x162: {  	v47 =	vor.u32 s21, v1  }
0x163: {  	v45 =	vadd.f32 v45, v46  }
0x164: {  	v53 =	vor.u32 s21, v6;
	s18 =	sadd.s32 $0x10, s18  }
0x165: {  	[tilespmem:s18+$0x0] =	vst v45  }
0x166: {  	v54 =	vor.u32 s21, v7;
	v44 =	vld.idx.msk [tilespmem:v44+s2+$0x0], $0xffff  }
0x167: {  	v47 =	vld.idx.msk [tilespmem:v47+s2+$0x0], $0xffff  }
0x168: {  	v48 =	vor.u32 s21, v8  }
0x169: {  	v46 =	vld.idx.msk [tilespmem:v53+s2+$0x0], $0xffff  }
0x16a: {  	v49 =	vor.u32 s21, v9  }
0x16b: {  	v45 =	vld.idx.msk [tilespmem:v54+s2+$0x0], $0xffff  }
0x16c: {  	v50 =	vor.u32 s21, v10;
	v44 =	vadd.f32 v44, v47  }
0x16d: {  	v55 =	vld.idx.msk [tilespmem:v48+s2+$0x0], $0xffff  }
0x16e: {  	v56 =	vor.u32 s21, v11;
	v44 =	vadd.f32 v46, v44  }
0x16f: {  	s20 =	sadd.s32 $0xFFFFFFF9, s19;
	v57 =	vld.idx.msk [tilespmem:v49+s2+$0x0], $0xffff  }
0x170: {  	v58 =	vor.u32 s20, v1;
	v44 =	vadd.f32 v45, v44  }
0x171: {  	s25 =	sadd.s32 $0xFFFFFFFA, s19;
	v59 =	vld.idx.msk [tilespmem:v50+s2+$0x0], $0xffff  }
0x172: {  	v60 =	vor.u32 s25, v5;
	v44 =	vadd.f32 v55, v44  }
0x173: {  	s26 =	sadd.s32 $0xFFFFFFFB, s19;
	v61 =	vld.idx.msk [tilespmem:v56+s2+$0x0], $0xffff  }
0x174: {  	v62 =	vor.u32 s26, v6;
	v44 =	vadd.f32 v57, v44  }
0x175: {  	s28 =	sadd.s32 $0xFFFFFFFC, s19;
	v63 =	vld.idx.msk [tilespmem:v58+s2+$0x0], $0xffff  }
0x176: {  	v52 =	vor.u32 s28, v7;
	v44 =	vadd.f32 v59, v44  }
0x177: {  	s29 =	sadd.s32 $0xFFFFFFFD, s19;
	v53 =	vld.idx.msk [tilespmem:v60+s2+$0x0], $0xffff  }
0x178: {  	v54 =	vor.u32 s29, v8;
	v44 =	vadd.f32 v61, v44  }
0x179: {  	s30 =	sadd.s32 $0xFFFFFFFE, s19;
	v55 =	vld.idx.msk [tilespmem:v62+s2+$0x0], $0xffff  }
0x17a: {  	v56 =	vor.u32 s30, v9;
	v44 =	vadd.f32 v63, v44  }
0x17b: {  	s31 =	sadd.s32 $0xFFFFFFFF, s19;
	v57 =	vld.idx.msk [tilespmem:v52+s2+$0x0], $0xffff  }
0x17c: {  	v58 =	vor.u32 s31, v10;
	v44 =	vadd.f32 v53, v44  }
0x17d: {  	v59 =	vld.idx.msk [tilespmem:v54+s2+$0x0], $0xffff  }
0x17e: {  	v60 =	vor.u32 s19, v11;
	v44 =	vadd.f32 v55, v44  }
0x17f: {  	v61 =	vld.idx.msk [tilespmem:v56+s2+$0x0], $0xffff  }
0x180: {  	v44 =	vadd.f32 v57, v44  }
0x181: {  	v62 =	vld.idx.msk [tilespmem:v58+s2+$0x0], $0xffff  }
0x182: {  	v44 =	vadd.f32 v59, v44  }
0x183: {  	v63 =	vld.idx.msk [tilespmem:v60+s2+$0x0], $0xffff  }
0x184: {  	v44 =	vadd.f32 v61, v44;
	_ =	sdelay $0x1  }
0x185: {  	v44 =	vadd.f32 v62, v44;
	_ =	sdelay $0x1  }
0x186: {  	v44 =	vadd.f32 v63, v44  }
0x187: {  	s18 =	sadd.s32 $0x10, s18  }
0x188: {  	[tilespmem:s18+$0x0] =	vst v44  }
0x189: {  	v12 =	vld.idx.msk [tilespmem:v12+s14+$0x0], $0xffff  }
0x18a: {  	v13 =	vld.idx.msk [tilespmem:v13+s14+$0x0], $0xffff  }
0x18b: {  	v14 =	vld.idx.msk [tilespmem:v14+s14+$0x0], $0xffff  }
0x18c: {  	v15 =	vld.idx.msk [tilespmem:v15+s14+$0x0], $0xffff  }
0x18d: {  	v16 =	vld.idx.msk [tilespmem:v16+s14+$0x0], $0xffff  }
0x18e: {  	v17 =	vld.idx.msk [tilespmem:v17+s14+$0x0], $0xffff  }
0x18f: {  	v18 =	vld.idx.msk [tilespmem:v18+s14+$0x0], $0xffff;
	v12 =	vadd.s32 v13, v12  }
0x190: {  	v13 =	vld.idx.msk [tilespmem:v19+s14+$0x0], $0xffff;
	v12 =	vadd.s32 v14, v12  }
0x191: {  	v14 =	vld.idx.msk [tilespmem:v20+s14+$0x0], $0xffff;
	v12 =	vadd.s32 v15, v12  }
0x192: {  	v15 =	vld.idx.msk [tilespmem:v21+s14+$0x0], $0xffff;
	v12 =	vadd.s32 v16, v12  }
0x193: {  	v16 =	vld.idx.msk [tilespmem:v22+s14+$0x0], $0xffff;
	v12 =	vadd.s32 v17, v12  }
0x194: {  	v17 =	vld.idx.msk [tilespmem:v23+s14+$0x0], $0xffff;
	v12 =	vadd.s32 v18, v12  }
0x195: {  	v18 =	vld.idx.msk [tilespmem:v24+s14+$0x0], $0xffff;
	v12 =	vadd.s32 v13, v12  }
0x196: {  	v13 =	vld.idx.msk [tilespmem:v25+s14+$0x0], $0xffff;
	v12 =	vadd.s32 v14, v12  }
0x197: {  	v14 =	vld.idx.msk [tilespmem:v26+s14+$0x0], $0xffff;
	v12 =	vadd.s32 v15, v12  }
0x198: {  	v15 =	vld.idx.msk [tilespmem:v27+s14+$0x0], $0xffff;
	v12 =	vadd.s32 v16, v12  }
0x199: {  	v12 =	vadd.s32 v17, v12  }
0x19a: {  	v12 =	vadd.s32 v18, v12  }
0x19b: {  	v12 =	vadd.s32 v13, v12  }
0x19c: {  	v12 =	vadd.s32 v14, v12  }
0x19d: {  	s18 =	simm.s32 $0x14000;
	v12 =	vadd.s32 v15, v12  }
0x19e: {  	[tilespmem:s18+$0x0] =	vst v12  }
0x19f: {  	v12 =	vld.idx.msk [tilespmem:v28+s14+$0x0], $0xffff  }
0x1a0: {  	v13 =	vld.idx.msk [tilespmem:v29+s14+$0x0], $0xffff  }
0x1a1: {  	v14 =	vld.idx.msk [tilespmem:v30+s14+$0x0], $0xffff  }
0x1a2: {  	v15 =	vld.idx.msk [tilespmem:v31+s14+$0x0], $0xffff  }
0x1a3: {  	v16 =	vld.idx.msk [tilespmem:v32+s14+$0x0], $0xffff  }
0x1a4: {  	v17 =	vld.idx.msk [tilespmem:v33+s14+$0x0], $0xffff  }
0x1a5: {  	v18 =	vld.idx.msk [tilespmem:v34+s14+$0x0], $0xffff;
	v12 =	vadd.s32 v13, v12  }
0x1a6: {  	v13 =	vld.idx.msk [tilespmem:v35+s14+$0x0], $0xffff;
	v12 =	vadd.s32 v14, v12  }
0x1a7: {  	v14 =	vld.idx.msk [tilespmem:v36+s14+$0x0], $0xffff;
	v12 =	vadd.s32 v15, v12  }
0x1a8: {  	v15 =	vld.idx.msk [tilespmem:v37+s14+$0x0], $0xffff;
	v12 =	vadd.s32 v16, v12  }
0x1a9: {  	v16 =	vld.idx.msk [tilespmem:v38+s14+$0x0], $0xffff;
	v12 =	vadd.s32 v17, v12  }
0x1aa: {  	v17 =	vld.idx.msk [tilespmem:v39+s14+$0x0], $0xffff;
	v12 =	vadd.s32 v18, v12  }
0x1ab: {  	v18 =	vld.idx.msk [tilespmem:v40+s14+$0x0], $0xffff;
	v12 =	vadd.s32 v13, v12  }
0x1ac: {  	v13 =	vld.idx.msk [tilespmem:v41+s14+$0x0], $0xffff;
	v12 =	vadd.s32 v14, v12  }
0x1ad: {  	v14 =	vld.idx.msk [tilespmem:v42+s14+$0x0], $0xffff;
	v12 =	vadd.s32 v15, v12  }
0x1ae: {  	v15 =	vld.idx.msk [tilespmem:v43+s14+$0x0], $0xffff;
	v12 =	vadd.s32 v16, v12  }
0x1af: {  	s20 =	simm.s32 $0x200;
	v16 =	vadd.s32 v17, v12  }
0x1b0: {  	s19 =	simm.s32 $0x30F;
	v12 =	vor.u32 s20, v5;
	v16 =	vadd.s32 v18, v16  }
.LBB2_15:
0x1b1: {  	p0 =	sne.s32 s19, $0x9F0F;
	v17 =	vor.u32 s20, v1;
	v13 =	vadd.s32 v13, v16  }
0x1b2: {  	v16 =	vor.u32 s20, v6;
	v13 =	vadd.s32 v14, v13  }
0x1b3: {  	s18 =	sadd.s32 $0x10, s18;
	v14 =	vor.u32 s20, v7;
	v13 =	vadd.s32 v15, v13  }
0x1b4: {  	v15 =	vor.u32 s20, v8;
	[tilespmem:s18+$0x0] =	vst v13  }
0x1b5: {  	v13 =	vor.u32 s20, v9;
	v12 =	vld.idx.msk [tilespmem:v12+s14+$0x0], $0xffff  }
0x1b6: {  	v18 =	vor.u32 s20, v10;
	v17 =	vld.idx.msk [tilespmem:v17+s14+$0x0], $0xffff  }
0x1b7: {  	v19 =	vor.u32 s20, v11;
	s20 =	sadd.s32 $0xFFFFFFF9, s17;
	v16 =	vld.idx.msk [tilespmem:v16+s14+$0x0], $0xffff  }
0x1b8: {  	v20 =	vor.u32 s20, v1;
	s20 =	sadd.s32 $0xFFFFFFFA, s17;
	v14 =	vld.idx.msk [tilespmem:v14+s14+$0x0], $0xffff  }
0x1b9: {  	v21 =	vor.u32 s20, v5;
	s20 =	sadd.s32 $0xFFFFFFFB, s17;
	v15 =	vld.idx.msk [tilespmem:v15+s14+$0x0], $0xffff  }
0x1ba: {  	v22 =	vor.u32 s20, v6;
	s20 =	sadd.s32 $0xFFFFFFFC, s17;
	v13 =	vld.idx.msk [tilespmem:v13+s14+$0x0], $0xffff  }
0x1bb: {  	v23 =	vor.u32 s20, v7;
	s20 =	sadd.s32 $0xFFFFFFFD, s17;
	v18 =	vld.idx.msk [tilespmem:v18+s14+$0x0], $0xffff  }
0x1bc: {  	v12 =	vadd.s32 v17, v12;
	v17 =	vld.idx.msk [tilespmem:v19+s14+$0x0], $0xffff;
	v19 =	vor.u32 s20, v8;
	s20 =	sadd.s32 $0xFFFFFFFE, s17  }
0x1bd: {  	v12 =	vadd.s32 v16, v12;
	v16 =	vld.idx.msk [tilespmem:v20+s14+$0x0], $0xffff;
	v20 =	vor.u32 s20, v9;
	s20 =	sadd.s32 $0xFFFFFFFF, s17  }
0x1be: {  	v12 =	vadd.s32 v14, v12;
	v21 =	vld.idx.msk [tilespmem:v21+s14+$0x0], $0xffff;
	v14 =	vor.u32 s20, v10  }
0x1bf: {  	v12 =	vadd.s32 v15, v12;
	v15 =	vor.u32 s17, v11;
	s17 =	smov.u32 s19;
	v22 =	vld.idx.msk [tilespmem:v22+s14+$0x0], $0xffff  }
0x1c0: {  	v12 =	vadd.s32 v13, v12;
	v23 =	vld.idx.msk [tilespmem:v23+s14+$0x0], $0xffff  }
0x1c1: {  	v12 =	vadd.s32 v18, v12;
	v18 =	vld.idx.msk [tilespmem:v19+s14+$0x0], $0xffff  }
0x1c2: {  	v12 =	vadd.s32 v17, v12;
	v13 =	vld.idx.msk [tilespmem:v20+s14+$0x0], $0xffff  }
.Ltmp9:
0x1c3: {  	v12 =	vadd.s32 v16, v12;
	v14 =	vld.idx.msk [tilespmem:v14+s14+$0x0], $0xffff;
	(pc) =	sbr.rel @p0 .LBB2_15-.Ltmp9, $4  }
0x1c4: {  	v12 =	vadd.s32 v21, v12;
	v15 =	vld.idx.msk [tilespmem:v15+s14+$0x0], $0xffff  }
0x1c5: {  	v12 =	vadd.s32 v22, v12  }
0x1c6: {  	s20 =	sadd.s32 $0xFFFFFFF1, s19;
	v16 =	vadd.s32 v23, v12  }
0x1c7: {  	s19 =	sadd.s32 $0x100, s19;
	v12 =	vor.u32 s20, v5;
	v16 =	vadd.s32 v18, v16  }
0x1c8: {  	v17 =	vor.u32 s20, v1;
	v13 =	vadd.s32 v13, v16  }
0x1c9: {  	v47 =	vor.u32 s20, v6;
	v13 =	vadd.s32 v14, v13  }
0x1ca: {  	v48 =	vor.u32 s20, v7;
	s18 =	sadd.s32 $0x10, s18;
	v13 =	vadd.s32 v15, v13  }
0x1cb: {  	v49 =	vor.u32 s20, v8;
	[tilespmem:s18+$0x0] =	vst v13  }
0x1cc: {  	v50 =	vor.u32 s20, v9;
	v12 =	vld.idx.msk [tilespmem:v12+s14+$0x0], $0xffff  }
0x1cd: {  	v18 =	vor.u32 s20, v10;
	v17 =	vld.idx.msk [tilespmem:v17+s14+$0x0], $0xffff  }
0x1ce: {  	v19 =	vor.u32 s20, v11;
	s19 =	sadd.s32 $0xFFFFFFF9, s17;
	v16 =	vld.idx.msk [tilespmem:v47+s14+$0x0], $0xffff  }
0x1cf: {  	s24 =	sadd.s32 $0xFFFFFFFA, s17;
	v20 =	vor.u32 s19, v1;
	v14 =	vld.idx.msk [tilespmem:v48+s14+$0x0], $0xffff  }
0x1d0: {  	s25 =	sadd.s32 $0xFFFFFFFB, s17;
	v21 =	vor.u32 s24, v5;
	v15 =	vld.idx.msk [tilespmem:v49+s14+$0x0], $0xffff  }
0x1d1: {  	s26 =	sadd.s32 $0xFFFFFFFC, s17;
	v22 =	vor.u32 s25, v6;
	v13 =	vld.idx.msk [tilespmem:v50+s14+$0x0], $0xffff  }
0x1d2: {  	s28 =	sadd.s32 $0xFFFFFFFD, s17;
	v23 =	vor.u32 s26, v7;
	v18 =	vld.idx.msk [tilespmem:v18+s14+$0x0], $0xffff;
	v12 =	vadd.s32 v17, v12  }
0x1d3: {  	s29 =	sadd.s32 $0xFFFFFFFE, s17;
	v52 =	vor.u32 s28, v8;
	v51 =	vld.idx.msk [tilespmem:v19+s14+$0x0], $0xffff;
	v12 =	vadd.s32 v16, v12  }
0x1d4: {  	s30 =	sadd.s32 $0xFFFFFFFF, s17;
	v54 =	vor.u32 s29, v9;
	v53 =	vld.idx.msk [tilespmem:v20+s14+$0x0], $0xffff;
	v12 =	vadd.s32 v14, v12  }
0x1d5: {  	v56 =	vor.u32 s30, v10;
	v55 =	vld.idx.msk [tilespmem:v21+s14+$0x0], $0xffff;
	v12 =	vadd.s32 v15, v12  }
0x1d6: {  	v58 =	vor.u32 s17, v11;
	v57 =	vld.idx.msk [tilespmem:v22+s14+$0x0], $0xffff;
	v12 =	vadd.s32 v13, v12  }
0x1d7: {  	v59 =	vld.idx.msk [tilespmem:v23+s14+$0x0], $0xffff;
	v12 =	vadd.s32 v18, v12  }
0x1d8: {  	v60 =	vld.idx.msk [tilespmem:v52+s14+$0x0], $0xffff;
	v12 =	vadd.s32 v51, v12  }
0x1d9: {  	v61 =	vld.idx.msk [tilespmem:v54+s14+$0x0], $0xffff;
	v12 =	vadd.s32 v53, v12  }
0x1da: {  	v62 =	vld.idx.msk [tilespmem:v56+s14+$0x0], $0xffff;
	v12 =	vadd.s32 v55, v12  }
0x1db: {  	v63 =	vld.idx.msk [tilespmem:v58+s14+$0x0], $0xffff;
	v12 =	vadd.s32 v57, v12  }
0x1dc: {  	v12 =	vadd.s32 v59, v12  }
0x1dd: {  	v12 =	vadd.s32 v60, v12  }
0x1de: {  	v12 =	vadd.s32 v61, v12  }
0x1df: {  	v12 =	vadd.s32 v62, v12  }
0x1e0: {  	s31 =	sadd.s32 $0x10, s18;
	v12 =	vadd.s32 v63, v12  }
0x1e1: {  	[tilespmem:s31+$0x0] =	vst v12  }
0x1e2: {  	[hbm4b:s8+s2] =	stream.linear.scatter [tilespmem:s2], [sflag:$0x2], $0x1400, $0x38;
	[tilespmem:$0x1F900] =	vst v63  }
0x1e3: {  	s16 =	sadd.s32 $0x1, s16;
	_ =	swait.ge [sflag:s15], $0x1400  }
0x1e4: {  	p0 =	sne.s32 s16, s10;
	[sflag:s15] =	ssyncset.done $0x0  }
.Ltmp10:
0x1e5: {  	[sflag:s15] =	ssyncadd.s32 $0xFFFFEC00;
	(pc) =	sbr.rel @p0 .LBB2_1-.Ltmp10, $4  }
0x1e6: {  	[hbm4b:s9+s2] =	stream.linear.scatter [tilespmem:s14], [sflag:$0x2], $0xA00, $0x38;
	[tilespmem:$0x1F900] =	vst v63  }
0x1e7: {  	_ =	swait.ge [sflag:s15], $0xA00  }
0x1e8: {  	[sflag:s15] =	ssyncset.done $0x0  }
0x1e9: {  	[sflag:s15] =	ssyncadd.s32 $0xFFFFF600  }
0x1ea: {  	_ =	sfence.sel $0x180000  }
0x1eb: {  	[bflag:$0x0] =	sbarrier.arrive $0xFFFF  }
0x1ec: {  	p0 =	sne.s32 s0, $0x0;
	_ =	strace $0x9000004A  }
0x1ed: {  	s0 =	sadd.s32 @!p0 $0x100000, s1;
	[bflag:$0x2] =	sbarrier.arrive $0xFFFF  }
0x1ee: {  	[sflag:s0] =	ssyncadd.tile.s32 @!p0 $0x1;
	_ =	shalt  }
.Lfunc_end2:
_tile_overlayer_lowered:
.L_overlay_start_2:
0x1ef: {  	(tag) =	ssettag $0x2  }
0x1f0: {  	s0 =	rddreg [dreg:$0x0];
	s2 =	stileid.u32  }
0x1f1: {  	s1 =	rddreg [dreg:$0x1];
	p0 =	sne.s32 s2, $0x0  }
0x1f2: {  	s3 =	rddreg [dreg:$0x2];
	[bflag:$0x3] =	sbarrier.arrive $0xFFFF;
	s2 =	simm.s32 @!p0 $0x1C02  }
0x1f3: {  	[timem:s3], [sflag:s2] =	dma.local @!p0 [hbm:s0], s1  }
0x1f4: {  	s0 =	simm.s32 @!p0 $0x2  }
0x1f5: {  	_ =	swait.ge @!p0 [sflag:s0], s1  }
0x1f6: {  	s1 =	ssub.s32 @!p0 $0x0, s1;
	[sflag:s0] =	ssyncset.done @!p0 $0x0  }
0x1f7: {  	[sflag:s0] =	ssyncadd.s32 @!p0 s1  }
0x1f8: {  	[bflag:$0x3] =	sbarrier.arrive $0xFFFF  }
0x1f9: {  	_ =	shalt  }

</sc_bundles>
